<compile_context>
chip_gen: v7x
topology: tpu7x:2x2x1
jax: 0.10.2.dev20260603
libtpu: 0.0.44.dev20260713+nightly
codegen_flags: <defaults>
</compile_context>

<pallas_src>
import functools
import math

import jax
import jax.numpy as jnp
import numpy as np
from jax import lax
from jax.experimental import pallas as pl
from jax.experimental.pallas import tpu as pltpu
from jax.experimental.pallas import tpu_sc as plsc

_NC, _NS = 2, 16
_NW = _NC * _NS
_BPW = 6144 // _NW

_IN = 192
_GRID = 64
_P = _GRID * _GRID
_A = 9
_AL = 16
_K1 = 6000
_NPAD = 6144
_TOPK = 300
_MB = 512
_LOGM = math.log(1000.0 / 16.0)


def _anchor_planes(image_shape, feat_shape):
    grid_h, grid_w = feat_shape[-2], feat_shape[-1]
    image_h, image_w = image_shape[-2], image_shape[-1]
    stride_h = float(image_h // grid_h)
    stride_w = float(image_w // grid_w)
    scales = jnp.asarray((128.0, 256.0, 512.0), dtype=jnp.float32)
    aspect_ratios = jnp.asarray((0.5, 1.0, 2.0), dtype=jnp.float32)
    h_ratios = jnp.sqrt(aspect_ratios)
    w_ratios = 1.0 / h_ratios
    ws = (w_ratios[:, None] * scales[None, :]).reshape(-1)
    hs = (h_ratios[:, None] * scales[None, :]).reshape(-1)
    base = jnp.round(jnp.stack([-ws, -hs, ws, hs], axis=1) / 2.0)
    shifts_x = jnp.arange(0, grid_w, dtype=jnp.float32) * stride_w
    shifts_y = jnp.arange(0, grid_h, dtype=jnp.float32) * stride_h
    sy, sx = jnp.meshgrid(shifts_y, shifts_x, indexing="ij")
    sx = sx.reshape(-1)
    sy = sy.reshape(-1)
    shifts = jnp.stack((sx, sy, sx, sy), axis=1)
    anchors = (shifts[:, None, :] + base[None, :, :]).reshape(-1, 4)
    a = anchors.reshape(_P, _A, 4)
    aw = a[:, :, 2] - a[:, :, 0]
    ah = a[:, :, 3] - a[:, :, 1]
    acx = a[:, :, 0] + 0.5 * aw
    acy = a[:, :, 1] + 0.5 * ah
    one = jnp.ones((_P, _AL - _A), jnp.float32)
    pad = ((0, 0), (0, _AL - _A))
    aw = jnp.concatenate([aw, one], axis=1)
    ah = jnp.concatenate([ah, one], axis=1)
    acx = jnp.pad(acx, pad)
    acy = jnp.pad(acy, pad)
    return aw, ah, acx, acy


def _decode_kernel(im_h, im_w, d_ref, aw_ref, ah_ref, acx_ref, acy_ref,
                   sel_ref, out_ref):
    deltas = d_ref[...]
    pls = jnp.dot(deltas, sel_ref[...],
                  preferred_element_type=jnp.float32)
    dx = pls[:, 0:16]
    dy = pls[:, 16:32]
    dw = pls[:, 32:48]
    dh = pls[:, 48:64]
    aw = aw_ref[...]
    ah = ah_ref[...]
    pcx = dx * aw + acx_ref[...]
    pcy = dy * ah + acy_ref[...]
    pw = jnp.exp(jnp.minimum(dw, _LOGM)) * aw
    ph = jnp.exp(jnp.minimum(dh, _LOGM)) * ah
    x1 = jnp.clip(pcx - 0.5 * pw, 0.0, im_w)
    y1 = jnp.clip(pcy - 0.5 * ph, 0.0, im_h)
    x2 = jnp.clip(pcx + 0.5 * pw, 0.0, im_w)
    y2 = jnp.clip(pcy + 0.5 * ph, 0.0, im_h)
    ok = ((x2 - x1 >= 16.0) & (y2 - y1 >= 16.0)).astype(jnp.float32)
    pad = jnp.zeros((deltas.shape[0], 48), jnp.float32)
    out_ref[...] = jnp.concatenate([ok, x1, y1, x2, y2, pad], axis=1)


def _sc_gather_rows(table_hbm, idx_hbm, out_hbm, idx_v, p_v, rows_v, sem):
    wid = lax.axis_index("s") * _NC + lax.axis_index("c")
    base = wid * _BPW
    pltpu.sync_copy(idx_hbm.at[pl.ds(base, _BPW)], idx_v)
    for t in range(_BPW // 16):
        v = idx_v[pl.ds(16 * t, 16)]
        p_v[pl.ds(16 * t, 16)] = jax.lax.shift_right_logical(v, 4)
    pltpu.async_copy(table_hbm.at[p_v], rows_v, sem).wait()
    pltpu.sync_copy(rows_v, out_hbm.at[pl.ds(base, _BPW)])


def _nms_kernel(b_ref, bt_ref, out_ref):
    x1 = b_ref[0:1, :]
    y1 = b_ref[1:2, :]
    x2 = b_ref[2:3, :]
    y2 = b_ref[3:4, :]
    sc = b_ref[4:5, :]
    area = (x2 - x1) * (y2 - y1)
    iota = lax.broadcasted_iota(jnp.int32, (1, _NPAD), 1)
    valid = sc > 0.0
    out_ref[...] = jnp.zeros((_TOPK + 4, 128), jnp.float32)
    li = lax.broadcasted_iota(jnp.int32, (1, 128), 1)

    def body(t, carry):
        excl, seld = carry
        availkey = jnp.where(valid & (excl == 0.0), sc, -2.0)
        m1 = jnp.max(availkey)
        has = m1 > 0.0
        bi = lax.cond(
            has,
            lambda: jnp.min(jnp.where(availkey == m1, iota, _NPAD)),
            lambda: jnp.min(jnp.where((seld == 0.0) & (iota < _K1), iota,
                                      _NPAD)))
        mb = iota == bi
        mbf = mb.astype(jnp.float32)
        blk = bt_ref[pl.ds((bi // 8) * 8, 8), :]
        si = lax.broadcasted_iota(jnp.int32, (8, 128), 0)
        l8 = lax.broadcasted_iota(jnp.int32, (8, 128), 1)
        hit = si == (bi % 8)
        bx1 = jnp.sum(jnp.where(hit & (l8 == 0), blk, 0.0))
        by1 = jnp.sum(jnp.where(hit & (l8 == 1), blk, 0.0))
        bx2 = jnp.sum(jnp.where(hit & (l8 == 2), blk, 0.0))
        by2 = jnp.sum(jnp.where(hit & (l8 == 3), blk, 0.0))
        bar = (bx2 - bx1) * (by2 - by1)
        iw = jnp.maximum(jnp.minimum(x2, bx2) - jnp.maximum(x1, bx1), 0.0)
        ih = jnp.maximum(jnp.minimum(y2, by2) - jnp.maximum(y1, by1), 0.0)
        inter = iw * ih
        iou = inter / (area + bar - inter)
        supf = (iou > 0.7).astype(jnp.float32)
        excl = jnp.maximum(excl, jnp.where(has, jnp.maximum(supf, mbf), mbf))
        seld = jnp.maximum(seld, mbf)
        outsc = jnp.where(has, m1, -jnp.inf)
        row = jnp.where(li == 0, bx1,
              jnp.where(li == 1, by1,
              jnp.where(li == 2, bx2,
              jnp.where(li == 3, by2,
              jnp.where(li == 4, outsc, 0.0)))))
        out_ref[pl.ds(t, 1), :] = row
        return excl, seld

    z = jnp.zeros((1, _NPAD), jnp.float32)
    lax.fori_loop(0, _TOPK, body, (z, z))


def kernel(image, feat, W_conv, b_conv, W_cls, b_cls, W_reg, b_reg):
    f32 = jnp.float32
    def conv2d(x, w, b, padding):
        out = lax.conv_general_dilated(x, w, window_strides=(1, 1),
                                       padding=padding,
                                       dimension_numbers=("NCHW", "OIHW", "NCHW"))
        return out + b[None, :, None, None]

    rpn = jax.nn.relu(conv2d(feat, W_conv, b_conv, "SAME"))
    cls = conv2d(rpn, W_cls, b_cls, "VALID")
    reg = conv2d(rpn, W_reg, b_reg, "VALID")
    score_flat = jax.nn.sigmoid(
        jnp.transpose(cls, (0, 2, 3, 1)).reshape(-1))
    deltas = jnp.transpose(reg[0].reshape(_A * 4, _P))
    deltas = jnp.pad(deltas, ((0, 0), (0, 64 - 4 * _A)))

    sel = np.zeros((64, 64), np.float32)
    for a in range(_A):
        for c in range(4):
            sel[4 * a + c, 16 * c + a] = 1.0
    sel = jnp.asarray(sel)
    aw, ah, acx, acy = _anchor_planes(image.shape, feat.shape)
    plane = lambda: pl.BlockSpec((_MB, _AL), lambda i: (i, 0))
    dec = pl.pallas_call(
        functools.partial(_decode_kernel, float(image.shape[-2]),
                          float(image.shape[-1])),
        grid=(_P // _MB,),
        in_specs=[
            pl.BlockSpec((_MB, 64), lambda i: (i, 0)),
            plane(), plane(), plane(), plane(),
            pl.BlockSpec((64, 64), lambda i: (0, 0)),
        ],
        out_specs=pl.BlockSpec((_MB, 128), lambda i: (i, 0)),
        out_shape=jax.ShapeDtypeStruct((_P, 128), f32),
    )(deltas, aw, ah, acx, acy, sel)

    lanes = jnp.arange(_AL)
    av = lanes[None, :] < _A
    score9 = score_flat.reshape(_P, _A)
    score16 = jnp.concatenate([score9, jnp.full((_P, _AL - _A), -1.0, f32)],
                              axis=1)
    ok16 = dec[:, 0:16]
    scf16 = jnp.where((ok16 > 0.0) & av, score16, -1.0)

    top_sc, top_idx = lax.top_k(score16.reshape(-1), _K1)
    scg = scf16.reshape(-1)[top_idx]
    order = jnp.argsort(-scg)
    idx_s = top_idx[order]
    sc_s = scg[order]
    padn = _NPAD - _K1
    idx_pad = jnp.pad(idx_s, (0, padn)).astype(jnp.int32)
    mesh = plsc.VectorSubcoreMesh(core_axis_name="c", subcore_axis_name="s")
    rows = pl.kernel(
        _sc_gather_rows, mesh=mesh,
        out_type=jax.ShapeDtypeStruct((_NPAD, 128), f32),
        scratch_types=[
            pltpu.VMEM((_BPW,), jnp.int32),
            pltpu.VMEM((_BPW,), jnp.int32),
            pltpu.VMEM((_BPW, 128), f32),
            pltpu.SemaphoreType.DMA,
        ])(dec, idx_pad)
    a_col = (idx_pad & 15)[:, None]
    box4 = jnp.concatenate(
        [jnp.take_along_axis(rows, 16 + 16 * c + a_col, axis=1)
         for c in range(4)], axis=1).T
    nms_in = jnp.concatenate([
        box4,
        jnp.pad(sc_s[None, :], ((0, 0), (0, padn)), constant_values=-1.0),
        jnp.zeros((3, _NPAD), f32)], axis=0)

    boxt = jnp.pad(box4.T, ((0, 0), (0, 124)))
    res = pl.pallas_call(
        _nms_kernel,
        out_shape=jax.ShapeDtypeStruct((_TOPK + 4, 128), f32),
    )(nms_in, boxt)
    return res[:_TOPK, 0:4], res[:_TOPK, 4]

# --- scband reference (transcript-rebuilt; emitter-appended) ---
"""Pipeline reference for scband-region-proposal-network-23854248362771 (READ-ONLY COPY).

The authoritative reference and input builder live on the scoring server;
editing this copy changes nothing except your own understanding.
"""

import jax, jax.numpy as jnp
import numpy as np
import math

IN_CHANNELS = 192
SCALES = (128.0, 256.0, 512.0)
ASPECT_RATIOS = (0.5, 1.0, 2.0)
NUM_ANCHORS = 9
RPN_NMS_THRESHOLD = 0.7
RPN_TEST_PRENMS_TOPK = 6000
RPN_TEST_TOPK = 300
MIN_SIZE = 16.0


def setup_inputs(seed: int = 0) -> dict:
    key = jax.random.key(seed)
    ks = jax.random.split(key, 8)
    image = jax.random.normal(ks[0], (1, 3, 512, 512), dtype=jnp.float32)
    feat = jax.random.normal(ks[1], (1, IN_CHANNELS, 64, 64), dtype=jnp.float32)
    W_conv = jax.random.normal(ks[2], (IN_CHANNELS, IN_CHANNELS, 3, 3), dtype=jnp.float32) * 0.01
    b_conv = jnp.zeros((IN_CHANNELS,), dtype=jnp.float32)
    W_cls = jax.random.normal(ks[3], (NUM_ANCHORS, IN_CHANNELS, 1, 1), dtype=jnp.float32) * 0.01
    b_cls = jnp.zeros((NUM_ANCHORS,), dtype=jnp.float32)
    W_reg = jax.random.normal(ks[4], (NUM_ANCHORS * 4, IN_CHANNELS, 1, 1), dtype=jnp.float32) * 0.01
    b_reg = jnp.zeros((NUM_ANCHORS * 4,), dtype=jnp.float32)
    return {"image": image, "feat": feat, "W_conv": W_conv, "b_conv": b_conv,
            "W_cls": W_cls, "b_cls": b_cls, "W_reg": W_reg, "b_reg": b_reg}


def _conv2d(x, w, b, padding):
    out = jax.lax.conv_general_dilated(x, w, window_strides=(1, 1), padding=padding,
                                       dimension_numbers=("NCHW", "OIHW", "NCHW"))
    return out + b[None, :, None, None]


def _generate_anchors(image_shape, feat_shape):
    grid_h, grid_w = feat_shape[-2], feat_shape[-1]
    image_h, image_w = image_shape[-2], image_shape[-1]
    stride_h = float(image_h // grid_h)
    stride_w = float(image_w // grid_w)
    scales = jnp.asarray(SCALES, dtype=jnp.float32)
    aspect_ratios = jnp.asarray(ASPECT_RATIOS, dtype=jnp.float32)
    h_ratios = jnp.sqrt(aspect_ratios)
    w_ratios = 1.0 / h_ratios
    ws = (w_ratios[:, None] * scales[None, :]).reshape(-1)
    hs = (h_ratios[:, None] * scales[None, :]).reshape(-1)
    base_anchors = jnp.round(jnp.stack([-ws, -hs, ws, hs], axis=1) / 2.0)
    shifts_x = jnp.arange(0, grid_w, dtype=jnp.float32) * stride_w
    shifts_y = jnp.arange(0, grid_h, dtype=jnp.float32) * stride_h
    sy, sx = jnp.meshgrid(shifts_y, shifts_x, indexing="ij")
    sx = sx.reshape(-1)
    sy = sy.reshape(-1)
    shifts = jnp.stack((sx, sy, sx, sy), axis=1)
    anchors = (shifts[:, None, :] + base_anchors[None, :, :]).reshape(-1, 4)
    return anchors


def _decode(box_transform_pred, anchors):
    w = anchors[:, 2] - anchors[:, 0]
    h = anchors[:, 3] - anchors[:, 1]
    cx = anchors[:, 0] + 0.5 * w
    cy = anchors[:, 1] + 0.5 * h
    dx = box_transform_pred[:, 0]
    dy = box_transform_pred[:, 1]
    dw = jnp.minimum(box_transform_pred[:, 2], math.log(1000.0 / 16))
    dh = jnp.minimum(box_transform_pred[:, 3], math.log(1000.0 / 16))
    pcx = dx * w + cx
    pcy = dy * h + cy
    pw = jnp.exp(dw) * w
    ph = jnp.exp(dh) * h
    return jnp.stack((pcx - 0.5 * pw, pcy - 0.5 * ph, pcx + 0.5 * pw, pcy + 0.5 * ph), axis=1)


def _iou(boxes1, boxes2):
    area1 = (boxes1[:, 2] - boxes1[:, 0]) * (boxes1[:, 3] - boxes1[:, 1])
    area2 = (boxes2[:, 2] - boxes2[:, 0]) * (boxes2[:, 3] - boxes2[:, 1])
    xl = jnp.maximum(boxes1[:, None, 0], boxes2[None, :, 0])
    yt = jnp.maximum(boxes1[:, None, 1], boxes2[None, :, 1])
    xr = jnp.minimum(boxes1[:, None, 2], boxes2[None, :, 2])
    yb = jnp.minimum(boxes1[:, None, 3], boxes2[None, :, 3])
    inter = jnp.maximum(xr - xl, 0.0) * jnp.maximum(yb - yt, 0.0)
    union = area1[:, None] + area2[None, :] - inter
    return inter / union


def _clamp_boxes(boxes, image_h, image_w):
    x1 = jnp.clip(boxes[:, 0], 0.0, float(image_w))
    y1 = jnp.clip(boxes[:, 1], 0.0, float(image_h))
    x2 = jnp.clip(boxes[:, 2], 0.0, float(image_w))
    y2 = jnp.clip(boxes[:, 3], 0.0, float(image_h))
    return jnp.stack((x1, y1, x2, y2), axis=1)


def _rpn_forward(image, feat, W_conv, b_conv, W_cls, b_cls, W_reg, b_reg):
    rpn_feat = jax.nn.relu(_conv2d(feat, W_conv, b_conv, "SAME"))
    cls_scores = _conv2d(rpn_feat, W_cls, b_cls, "VALID")
    box_pred = _conv2d(rpn_feat, W_reg, b_reg, "VALID")
    anchors = _generate_anchors(image.shape, feat.shape)
    n, a, gh, gw = cls_scores.shape
    cls_flat = jnp.transpose(cls_scores, (0, 2, 3, 1)).reshape(-1)
    box_flat = box_pred.reshape(n, a, 4, gh, gw)
    box_flat = jnp.transpose(box_flat, (0, 3, 4, 1, 2)).reshape(-1, 4)
    proposals = _decode(jax.lax.stop_gradient(box_flat), anchors)
    scores = jax.nn.sigmoid(cls_flat)
    k = min(RPN_TEST_PRENMS_TOPK, scores.shape[0])
    top_scores, top_idx = jax.lax.top_k(scores, k)
    props = proposals[top_idx]
    props = _clamp_boxes(props, image.shape[-2], image.shape[-1])
    ws_ = props[:, 2] - props[:, 0]
    hs_ = props[:, 3] - props[:, 1]
    keep_size = (ws_ >= MIN_SIZE) & (hs_ >= MIN_SIZE)
    sc = jnp.where(keep_size, top_scores, -1.0)
    order = jnp.argsort(-sc)
    boxes_s = props[order]
    sc_s = sc[order]
    iou = _iou(boxes_s, boxes_s)
    nboxes = boxes_s.shape[0]
    valid = sc_s > 0.0

    def body(i, keep):
        suppress = (iou[i] > RPN_NMS_THRESHOLD) & (jnp.arange(nboxes) > i) & keep[i]
        return keep & (~suppress)

    keep = jax.lax.stop_gradient(jax.lax.fori_loop(0, nboxes, body, valid))
    masked = jnp.where(keep, sc_s, -jnp.inf)
    fin_sc, fin_idx = jax.lax.top_k(masked, RPN_TEST_TOPK)
    fin_boxes = boxes_s[fin_idx]
    return fin_boxes, fin_sc


def reference(image, feat, W_conv, b_conv, W_cls, b_cls, W_reg, b_reg):
    return _rpn_forward(image, feat, W_conv, b_conv, W_cls, b_cls, W_reg, b_reg)

if __name__ == "__main__":
    import jax
    _d = setup_inputs()
    print(jax.jit(kernel)(*tuple(_d.values())))

</pallas_src>

<mosaic_0001>
#map = affine_map<(d0, d1) -> (0, 0)>
#map1 = affine_map<(d0, d1) -> (0)>
module attributes {stable_mosaic.version = 14 : i64} {
  func.func @_sc_gather_rows(%arg0: i32, %arg1: i32, %arg2: memref<4096x128xf32, #tpu.memory_space<hbm>>, %arg3: memref<6144xi32, #tpu.memory_space<hbm>>, %arg4: memref<6144x128xf32, #tpu.memory_space<hbm>>, %arg5: memref<192xi32, #tpu.memory_space<vmem>>, %arg6: memref<192xi32, #tpu.memory_space<vmem>>, %arg7: memref<192x128xf32, #tpu.memory_space<vmem>>, %arg8: memref<!tpu.dma_semaphore, #tpu.memory_space<semaphore_mem>>) attributes {dimension_semantics = [#tpu.dimension_semantics<core_parallel>, #tpu.dimension_semantics<subcore_parallel>], iteration_bounds = array<i64: 2, 16>, scalar_prefetch = 0 : i64, scratch_operands = 4 : i64, tpu.core_type = #tpu.core_type<sc_vector_subcore>, window_params = [{transform_indices = #map}, {transform_indices = #map1}, {transform_indices = #map}]} {
    %mul3A = arith.constant 2 : i32
    %mul3A_0 = arith.muli %arg1, %mul3A : i32
    %add3A = arith.addi %mul3A_0, %arg0 : i32
    %mul3A_1 = arith.constant 192 : i32
    %mul3A_2 = arith.muli %add3A, %mul3A_1 : i32
    "tpu.region"() ({
      %run_scoped3A = tpu.sem_alloc : memref<!tpu.dma_semaphore, #tpu.memory_space<semaphore_mem>>
      %dma_start3A_124 = tpu.memref_slice %arg3[%mul3A_2] : memref<6144xi32, #tpu.memory_space<hbm>> -> memref<192xi32, #tpu.memory_space<hbm>>
      %dma_start3A_125 = tpu.memref_slice %arg3[%mul3A_2] : memref<6144xi32, #tpu.memory_space<hbm>> -> memref<192xi32, #tpu.memory_space<hbm>>
      tpu.enqueue_dma source(%dma_start3A_125 : memref<192xi32, #tpu.memory_space<hbm>>) target(%arg5 : memref<192xi32, #tpu.memory_space<vmem>>) target_semaphore(%run_scoped3A : memref<!tpu.dma_semaphore, #tpu.memory_space<semaphore_mem>>)
      %dma_wait3A_126 = tpu.memref_slice %arg3[%mul3A_2] : memref<6144xi32, #tpu.memory_space<hbm>> -> memref<192xi32, #tpu.memory_space<hbm>>
      %dma_wait3A_127 = tpu.memref_slice %arg3[%mul3A_2] : memref<6144xi32, #tpu.memory_space<hbm>> -> memref<192xi32, #tpu.memory_space<hbm>>
      tpu.wait_dma2 semaphore(%run_scoped3A : memref<!tpu.dma_semaphore, #tpu.memory_space<semaphore_mem>>) src(%dma_wait3A_127 : memref<192xi32, #tpu.memory_space<hbm>>) dst(%arg5 : memref<192xi32, #tpu.memory_space<vmem>>)
      tpu.yield
    }) : () -> ()
    %get3A = arith.constant 0 : index
    %get3A_3 = tpu.vector_load %arg5[%get3A] {strides = array<i32>} : memref<192xi32, #tpu.memory_space<vmem>>, vector<16xi32>,
    %get3A_4 = vector.shape_cast %get3A_3 : vector<16xi32> to vector<16xi32>
    %shift_right_logical3A = arith.constant 4 : i32
    %shift_right_logical3A_5 = vector.broadcast %shift_right_logical3A : i32 to vector<16xi32>
    %shift_right_logical3A_6 = arith.shrui %get3A_4, %shift_right_logical3A_5 : vector<16xi32>
    %swap3A = arith.constant 0 : index
    %swap3A_7 = tpu.vector_load %arg6[%swap3A] {strides = array<i32>} : memref<192xi32, #tpu.memory_space<vmem>>, vector<16xi32>,
    %swap3A_8 = vector.shape_cast %swap3A_7 : vector<16xi32> to vector<16xi32>
    %swap3A_9 = vector.shape_cast %shift_right_logical3A_6 : vector<16xi32> to vector<16xi32>
    tpu.vector_store %arg6[%swap3A], %swap3A_9 {strides = array<i32>} : memref<192xi32, #tpu.memory_space<vmem>>, vector<16xi32>,
    %get3A_10 = arith.constant 16 : index
    %get3A_11 = tpu.vector_load %arg5[%get3A_10] {strides = array<i32>} : memref<192xi32, #tpu.memory_space<vmem>>, vector<16xi32>,
    %get3A_12 = vector.shape_cast %get3A_11 : vector<16xi32> to vector<16xi32>
    %shift_right_logical3A_13 = arith.constant 4 : i32
    %shift_right_logical3A_14 = vector.broadcast %shift_right_logical3A_13 : i32 to vector<16xi32>
    %shift_right_logical3A_15 = arith.shrui %get3A_12, %shift_right_logical3A_14 : vector<16xi32>
    %swap3A_16 = arith.constant 16 : index
    %swap3A_17 = tpu.vector_load %arg6[%swap3A_16] {strides = array<i32>} : memref<192xi32, #tpu.memory_space<vmem>>, vector<16xi32>,
    %swap3A_18 = vector.shape_cast %swap3A_17 : vector<16xi32> to vector<16xi32>
    %swap3A_19 = vector.shape_cast %shift_right_logical3A_15 : vector<16xi32> to vector<16xi32>
    tpu.vector_store %arg6[%swap3A_16], %swap3A_19 {strides = array<i32>} : memref<192xi32, #tpu.memory_space<vmem>>, vector<16xi32>,
    %get3A_20 = arith.constant 32 : index
    %get3A_21 = tpu.vector_load %arg5[%get3A_20] {strides = array<i32>} : memref<192xi32, #tpu.memory_space<vmem>>, vector<16xi32>,
    %get3A_22 = vector.shape_cast %get3A_21 : vector<16xi32> to vector<16xi32>
    %shift_right_logical3A_23 = arith.constant 4 : i32
    %shift_right_logical3A_24 = vector.broadcast %shift_right_logical3A_23 : i32 to vector<16xi32>
    %shift_right_logical3A_25 = arith.shrui %get3A_22, %shift_right_logical3A_24 : vector<16xi32>
    %swap3A_26 = arith.constant 32 : index
    %swap3A_27 = tpu.vector_load %arg6[%swap3A_26] {strides = array<i32>} : memref<192xi32, #tpu.memory_space<vmem>>, vector<16xi32>,
    %swap3A_28 = vector.shape_cast %swap3A_27 : vector<16xi32> to vector<16xi32>
    %swap3A_29 = vector.shape_cast %shift_right_logical3A_25 : vector<16xi32> to vector<16xi32>
    tpu.vector_store %arg6[%swap3A_26], %swap3A_29 {strides = array<i32>} : memref<192xi32, #tpu.memory_space<vmem>>, vector<16xi32>,
    %get3A_30 = arith.constant 48 : index
    %get3A_31 = tpu.vector_load %arg5[%get3A_30] {strides = array<i32>} : memref<192xi32, #tpu.memory_space<vmem>>, vector<16xi32>,
    %get3A_32 = vector.shape_cast %get3A_31 : vector<16xi32> to vector<16xi32>
    %shift_right_logical3A_33 = arith.constant 4 : i32
    %shift_right_logical3A_34 = vector.broadcast %shift_right_logical3A_33 : i32 to vector<16xi32>
    %shift_right_logical3A_35 = arith.shrui %get3A_32, %shift_right_logical3A_34 : vector<16xi32>
    %swap3A_36 = arith.constant 48 : index
    %swap3A_37 = tpu.vector_load %arg6[%swap3A_36] {strides = array<i32>} : memref<192xi32, #tpu.memory_space<vmem>>, vector<16xi32>,
    %swap3A_38 = vector.shape_cast %swap3A_37 : vector<16xi32> to vector<16xi32>
    %swap3A_39 = vector.shape_cast %shift_right_logical3A_35 : vector<16xi32> to vector<16xi32>
    tpu.vector_store %arg6[%swap3A_36], %swap3A_39 {strides = array<i32>} : memref<192xi32, #tpu.memory_space<vmem>>, vector<16xi32>,
    %get3A_40 = arith.constant 64 : index
    %get3A_41 = tpu.vector_load %arg5[%get3A_40] {strides = array<i32>} : memref<192xi32, #tpu.memory_space<vmem>>, vector<16xi32>,
    %get3A_42 = vector.shape_cast %get3A_41 : vector<16xi32> to vector<16xi32>
    %shift_right_logical3A_43 = arith.constant 4 : i32
    %shift_right_logical3A_44 = vector.broadcast %shift_right_logical3A_43 : i32 to vector<16xi32>
    %shift_right_logical3A_45 = arith.shrui %get3A_42, %shift_right_logical3A_44 : vector<16xi32>
    %swap3A_46 = arith.constant 64 : index
    %swap3A_47 = tpu.vector_load %arg6[%swap3A_46] {strides = array<i32>} : memref<192xi32, #tpu.memory_space<vmem>>, vector<16xi32>,
    %swap3A_48 = vector.shape_cast %swap3A_47 : vector<16xi32> to vector<16xi32>
    %swap3A_49 = vector.shape_cast %shift_right_logical3A_45 : vector<16xi32> to vector<16xi32>
    tpu.vector_store %arg6[%swap3A_46], %swap3A_49 {strides = array<i32>} : memref<192xi32, #tpu.memory_space<vmem>>, vector<16xi32>,
    %get3A_50 = arith.constant 80 : index
    %get3A_51 = tpu.vector_load %arg5[%get3A_50] {strides = array<i32>} : memref<192xi32, #tpu.memory_space<vmem>>, vector<16xi32>,
    %get3A_52 = vector.shape_cast %get3A_51 : vector<16xi32> to vector<16xi32>
    %shift_right_logical3A_53 = arith.constant 4 : i32
    %shift_right_logical3A_54 = vector.broadcast %shift_right_logical3A_53 : i32 to vector<16xi32>
    %shift_right_logical3A_55 = arith.shrui %get3A_52, %shift_right_logical3A_54 : vector<16xi32>
    %swap3A_56 = arith.constant 80 : index
    %swap3A_57 = tpu.vector_load %arg6[%swap3A_56] {strides = array<i32>} : memref<192xi32, #tpu.memory_space<vmem>>, vector<16xi32>,
    %swap3A_58 = vector.shape_cast %swap3A_57 : vector<16xi32> to vector<16xi32>
    %swap3A_59 = vector.shape_cast %shift_right_logical3A_55 : vector<16xi32> to vector<16xi32>
    tpu.vector_store %arg6[%swap3A_56], %swap3A_59 {strides = array<i32>} : memref<192xi32, #tpu.memory_space<vmem>>, vector<16xi32>,
    %get3A_60 = arith.constant 96 : index
    %get3A_61 = tpu.vector_load %arg5[%get3A_60] {strides = array<i32>} : memref<192xi32, #tpu.memory_space<vmem>>, vector<16xi32>,
    %get3A_62 = vector.shape_cast %get3A_61 : vector<16xi32> to vector<16xi32>
    %shift_right_logical3A_63 = arith.constant 4 : i32
    %shift_right_logical3A_64 = vector.broadcast %shift_right_logical3A_63 : i32 to vector<16xi32>
    %shift_right_logical3A_65 = arith.shrui %get3A_62, %shift_right_logical3A_64 : vector<16xi32>
    %swap3A_66 = arith.constant 96 : index
    %swap3A_67 = tpu.vector_load %arg6[%swap3A_66] {strides = array<i32>} : memref<192xi32, #tpu.memory_space<vmem>>, vector<16xi32>,
    %swap3A_68 = vector.shape_cast %swap3A_67 : vector<16xi32> to vector<16xi32>
    %swap3A_69 = vector.shape_cast %shift_right_logical3A_65 : vector<16xi32> to vector<16xi32>
    tpu.vector_store %arg6[%swap3A_66], %swap3A_69 {strides = array<i32>} : memref<192xi32, #tpu.memory_space<vmem>>, vector<16xi32>,
    %get3A_70 = arith.constant 112 : index
    %get3A_71 = tpu.vector_load %arg5[%get3A_70] {strides = array<i32>} : memref<192xi32, #tpu.memory_space<vmem>>, vector<16xi32>,
    %get3A_72 = vector.shape_cast %get3A_71 : vector<16xi32> to vector<16xi32>
    %shift_right_logical3A_73 = arith.constant 4 : i32
    %shift_right_logical3A_74 = vector.broadcast %shift_right_logical3A_73 : i32 to vector<16xi32>
    %shift_right_logical3A_75 = arith.shrui %get3A_72, %shift_right_logical3A_74 : vector<16xi32>
    %swap3A_76 = arith.constant 112 : index
    %swap3A_77 = tpu.vector_load %arg6[%swap3A_76] {strides = array<i32>} : memref<192xi32, #tpu.memory_space<vmem>>, vector<16xi32>,
    %swap3A_78 = vector.shape_cast %swap3A_77 : vector<16xi32> to vector<16xi32>
    %swap3A_79 = vector.shape_cast %shift_right_logical3A_75 : vector<16xi32> to vector<16xi32>
    tpu.vector_store %arg6[%swap3A_76], %swap3A_79 {strides = array<i32>} : memref<192xi32, #tpu.memory_space<vmem>>, vector<16xi32>,
    %get3A_80 = arith.constant 128 : index
    %get3A_81 = tpu.vector_load %arg5[%get3A_80] {strides = array<i32>} : memref<192xi32, #tpu.memory_space<vmem>>, vector<16xi32>,
    %get3A_82 = vector.shape_cast %get3A_81 : vector<16xi32> to vector<16xi32>
    %shift_right_logical3A_83 = arith.constant 4 : i32
    %shift_right_logical3A_84 = vector.broadcast %shift_right_logical3A_83 : i32 to vector<16xi32>
    %shift_right_logical3A_85 = arith.shrui %get3A_82, %shift_right_logical3A_84 : vector<16xi32>
    %swap3A_86 = arith.constant 128 : index
    %swap3A_87 = tpu.vector_load %arg6[%swap3A_86] {strides = array<i32>} : memref<192xi32, #tpu.memory_space<vmem>>, vector<16xi32>,
    %swap3A_88 = vector.shape_cast %swap3A_87 : vector<16xi32> to vector<16xi32>
    %swap3A_89 = vector.shape_cast %shift_right_logical3A_85 : vector<16xi32> to vector<16xi32>
    tpu.vector_store %arg6[%swap3A_86], %swap3A_89 {strides = array<i32>} : memref<192xi32, #tpu.memory_space<vmem>>, vector<16xi32>,
    %get3A_90 = arith.constant 144 : index
    %get3A_91 = tpu.vector_load %arg5[%get3A_90] {strides = array<i32>} : memref<192xi32, #tpu.memory_space<vmem>>, vector<16xi32>,
    %get3A_92 = vector.shape_cast %get3A_91 : vector<16xi32> to vector<16xi32>
    %shift_right_logical3A_93 = arith.constant 4 : i32
    %shift_right_logical3A_94 = vector.broadcast %shift_right_logical3A_93 : i32 to vector<16xi32>
    %shift_right_logical3A_95 = arith.shrui %get3A_92, %shift_right_logical3A_94 : vector<16xi32>
    %swap3A_96 = arith.constant 144 : index
    %swap3A_97 = tpu.vector_load %arg6[%swap3A_96] {strides = array<i32>} : memref<192xi32, #tpu.memory_space<vmem>>, vector<16xi32>,
    %swap3A_98 = vector.shape_cast %swap3A_97 : vector<16xi32> to vector<16xi32>
    %swap3A_99 = vector.shape_cast %shift_right_logical3A_95 : vector<16xi32> to vector<16xi32>
    tpu.vector_store %arg6[%swap3A_96], %swap3A_99 {strides = array<i32>} : memref<192xi32, #tpu.memory_space<vmem>>, vector<16xi32>,
    %get3A_100 = arith.constant 160 : index
    %get3A_101 = tpu.vector_load %arg5[%get3A_100] {strides = array<i32>} : memref<192xi32, #tpu.memory_space<vmem>>, vector<16xi32>,
    %get3A_102 = vector.shape_cast %get3A_101 : vector<16xi32> to vector<16xi32>
    %shift_right_logical3A_103 = arith.constant 4 : i32
    %shift_right_logical3A_104 = vector.broadcast %shift_right_logical3A_103 : i32 to vector<16xi32>
    %shift_right_logical3A_105 = arith.shrui %get3A_102, %shift_right_logical3A_104 : vector<16xi32>
    %swap3A_106 = arith.constant 160 : index
    %swap3A_107 = tpu.vector_load %arg6[%swap3A_106] {strides = array<i32>} : memref<192xi32, #tpu.memory_space<vmem>>, vector<16xi32>,
    %swap3A_108 = vector.shape_cast %swap3A_107 : vector<16xi32> to vector<16xi32>
    %swap3A_109 = vector.shape_cast %shift_right_logical3A_105 : vector<16xi32> to vector<16xi32>
    tpu.vector_store %arg6[%swap3A_106], %swap3A_109 {strides = array<i32>} : memref<192xi32, #tpu.memory_space<vmem>>, vector<16xi32>,
    %get3A_110 = arith.constant 176 : index
    %get3A_111 = tpu.vector_load %arg5[%get3A_110] {strides = array<i32>} : memref<192xi32, #tpu.memory_space<vmem>>, vector<16xi32>,
    %get3A_112 = vector.shape_cast %get3A_111 : vector<16xi32> to vector<16xi32>
    %shift_right_logical3A_113 = arith.constant 4 : i32
    %shift_right_logical3A_114 = vector.broadcast %shift_right_logical3A_113 : i32 to vector<16xi32>
    %shift_right_logical3A_115 = arith.shrui %get3A_112, %shift_right_logical3A_114 : vector<16xi32>
    %swap3A_116 = arith.constant 176 : index
    %swap3A_117 = tpu.vector_load %arg6[%swap3A_116] {strides = array<i32>} : memref<192xi32, #tpu.memory_space<vmem>>, vector<16xi32>,
    %swap3A_118 = vector.shape_cast %swap3A_117 : vector<16xi32> to vector<16xi32>
    %swap3A_119 = vector.shape_cast %shift_right_logical3A_115 : vector<16xi32> to vector<16xi32>
    tpu.vector_store %arg6[%swap3A_116], %swap3A_119 {strides = array<i32>} : memref<192xi32, #tpu.memory_space<vmem>>, vector<16xi32>,
    %dma_start3A = arith.constant 0 : i32
    %dma_start3A_120 = arith.constant 0 : i32
    %dma_start3A_121 = tpu.memref_slice %arg2[%dma_start3A, %dma_start3A_120] : memref<4096x128xf32, #tpu.memory_space<hbm>> -> memref<4096x128xf32, #tpu.memory_space<hbm>>
    tpu.enqueue_indirect_dma source(%dma_start3A_121 : memref<4096x128xf32, #tpu.memory_space<hbm>>) target(%arg7 : memref<192x128xf32, #tpu.memory_space<vmem>>) offsets(%arg6 : memref<192xi32, #tpu.memory_space<vmem>>) semaphore(%arg8 : memref<!tpu.dma_semaphore, #tpu.memory_space<semaphore_mem>>)
    %dma_wait3A = arith.constant 0 : i32
    %dma_wait3A_122 = arith.constant 0 : i32
    %dma_wait3A_123 = tpu.memref_slice %arg2[%dma_wait3A, %dma_wait3A_122] : memref<4096x128xf32, #tpu.memory_space<hbm>> -> memref<4096x128xf32, #tpu.memory_space<hbm>>
    tpu.wait_indirect_dma semaphore(%arg8 : memref<!tpu.dma_semaphore, #tpu.memory_space<semaphore_mem>>) src(%dma_wait3A_123 : memref<4096x128xf32, #tpu.memory_space<hbm>>) dst(%arg7 : memref<192x128xf32, #tpu.memory_space<vmem>>)
    "tpu.region"() ({
      %run_scoped3A = tpu.sem_alloc : memref<!tpu.dma_semaphore, #tpu.memory_space<semaphore_mem>>
      %dma_start3A_124 = arith.constant 0 : i32
      %dma_start3A_125 = tpu.memref_slice %arg4[%mul3A_2, %dma_start3A_124] : memref<6144x128xf32, #tpu.memory_space<hbm>> -> memref<192x128xf32, #tpu.memory_space<hbm>>
      %dma_start3A_126 = arith.constant 0 : i32
      %dma_start3A_127 = tpu.memref_slice %arg4[%mul3A_2, %dma_start3A_126] : memref<6144x128xf32, #tpu.memory_space<hbm>> -> memref<192x128xf32, #tpu.memory_space<hbm>>
      tpu.enqueue_dma source(%arg7 : memref<192x128xf32, #tpu.memory_space<vmem>>) target(%dma_start3A_127 : memref<192x128xf32, #tpu.memory_space<hbm>>) target_semaphore(%run_scoped3A : memref<!tpu.dma_semaphore, #tpu.memory_space<semaphore_mem>>)
      %dma_wait3A_128 = arith.constant 0 : i32
      %dma_wait3A_129 = tpu.memref_slice %arg4[%mul3A_2, %dma_wait3A_128] : memref<6144x128xf32, #tpu.memory_space<hbm>> -> memref<192x128xf32, #tpu.memory_space<hbm>>
      %dma_wait3A_130 = arith.constant 0 : i32
      %dma_wait3A_131 = tpu.memref_slice %arg4[%mul3A_2, %dma_wait3A_130] : memref<6144x128xf32, #tpu.memory_space<hbm>> -> memref<192x128xf32, #tpu.memory_space<hbm>>
      tpu.wait_dma2 semaphore(%run_scoped3A : memref<!tpu.dma_semaphore, #tpu.memory_space<semaphore_mem>>) src(%arg7 : memref<192x128xf32, #tpu.memory_space<vmem>>) dst(%dma_wait3A_131 : memref<192x128xf32, #tpu.memory_space<hbm>>)
      tpu.yield
    }) : () -> ()
    return
  }
}

module attributes {stable_mosaic.version = 14 : i64} {
  func.func @_decode_kernel(%arg0: i32, %arg1: memref<512x64xf32, #tpu.memory_space<vmem>>, %arg2: memref<512x16xf32, #tpu.memory_space<vmem>>, %arg3: memref<512x16xf32, #tpu.memory_space<vmem>>, %arg4: memref<512x16xf32, #tpu.memory_space<vmem>>, %arg5: memref<512x16xf32, #tpu.memory_space<vmem>>, %arg6: memref<64x64xf32, #tpu.memory_space<vmem>>, %arg7: memref<512x128xf32, #tpu.memory_space<vmem>>) attributes {dimension_semantics = [#tpu.dimension_semantics<arbitrary>], iteration_bounds = array<i64: 8>, scalar_prefetch = 0 : i64, scratch_operands = 0 : i64, tpu.core_type = #tpu.core_type<tc>, window_params = [{transform_indices = @transform_0, window_bounds = array<i64: 512, 64>}, {transform_indices = @transform_1, window_bounds = array<i64: 512, 16>}, {transform_indices = @transform_2, window_bounds = array<i64: 512, 16>}, {transform_indices = @transform_3, window_bounds = array<i64: 512, 16>}, {transform_indices = @transform_4, window_bounds = array<i64: 512, 16>}, {pipeline_mode = #tpu.pipeline_mode<synchronous>, transform_indices = @transform_5, window_bounds = array<i64: 64, 64>}, {transform_indices = @transform_6, window_bounds = array<i64: 512, 128>}]} {
    %get3A = arith.constant 0 : index
    %get3A_0 = arith.constant 0 : index
    %get3A_1 = vector.load %arg1[%get3A, %get3A_0] : memref<512x64xf32, #tpu.memory_space<vmem>>, vector<512x64xf32>
    %get3A_2 = arith.constant 0 : index
    %get3A_3 = arith.constant 0 : index
    %get3A_4 = vector.load %arg6[%get3A_2, %get3A_3] : memref<64x64xf32, #tpu.memory_space<vmem>>, vector<64x64xf32>
    %dot_general3A = arith.constant dense<0.000000e+00> : vector<512x64xf32>
    %dot_general3A_5 = tpu.matmul %get3A_1, %get3A_4, %dot_general3A {dimension_numbers = #tpu.dot_dimension_numbers<[1], [0], [0], [1], [0, 0, 1, 1], [], []>, transpose_lhs_hint = false} : vector<512x64xf32>, vector<64x64xf32>, vector<512x64xf32> -> vector<512x64xf32>
    %slice3A = vector.extract_strided_slice %dot_general3A_5 {offsets = [0, 0], sizes = [512, 16], strides = [1, 1]} : vector<512x64xf32> to vector<512x16xf32>
    %slice3A_6 = vector.extract_strided_slice %dot_general3A_5 {offsets = [0, 16], sizes = [512, 16], strides = [1, 1]} : vector<512x64xf32> to vector<512x16xf32>
    %slice3A_7 = vector.extract_strided_slice %dot_general3A_5 {offsets = [0, 32], sizes = [512, 16], strides = [1, 1]} : vector<512x64xf32> to vector<512x16xf32>
    %slice3A_8 = vector.extract_strided_slice %dot_general3A_5 {offsets = [0, 48], sizes = [512, 16], strides = [1, 1]} : vector<512x64xf32> to vector<512x16xf32>
    %get3A_9 = arith.constant 0 : index
    %get3A_10 = arith.constant 0 : index
    %get3A_11 = vector.load %arg2[%get3A_9, %get3A_10] : memref<512x16xf32, #tpu.memory_space<vmem>>, vector<512x16xf32>
    %get3A_12 = arith.constant 0 : index
    %get3A_13 = arith.constant 0 : index
    %get3A_14 = vector.load %arg3[%get3A_12, %get3A_13] : memref<512x16xf32, #tpu.memory_space<vmem>>, vector<512x16xf32>
    %mul3A = arith.mulf %slice3A, %get3A_11 : vector<512x16xf32>
    %get3A_15 = arith.constant 0 : index
    %get3A_16 = arith.constant 0 : index
    %get3A_17 = vector.load %arg4[%get3A_15, %get3A_16] : memref<512x16xf32, #tpu.memory_space<vmem>>, vector<512x16xf32>
    %add3A = arith.addf %mul3A, %get3A_17 : vector<512x16xf32>
    %mul3A_18 = arith.mulf %slice3A_6, %get3A_14 : vector<512x16xf32>
    %get3A_19 = arith.constant 0 : index
    %get3A_20 = arith.constant 0 : index
    %get3A_21 = vector.load %arg5[%get3A_19, %get3A_20] : memref<512x16xf32, #tpu.memory_space<vmem>>, vector<512x16xf32>
    %add3A_22 = arith.addf %mul3A_18, %get3A_21 : vector<512x16xf32>
    %min3A = arith.constant 4.13516665 : f32
    %min3A_23 = vector.broadcast %min3A : f32 to vector<512x16xf32>
    %min3A_24 = arith.minimumf %slice3A_7, %min3A_23 : vector<512x16xf32>
    %exp3A = math.exp %min3A_24 : vector<512x16xf32>
    %mul3A_25 = arith.mulf %exp3A, %get3A_11 : vector<512x16xf32>
    %min3A_26 = arith.constant 4.13516665 : f32
    %min3A_27 = vector.broadcast %min3A_26 : f32 to vector<512x16xf32>
    %min3A_28 = arith.minimumf %slice3A_8, %min3A_27 : vector<512x16xf32>
    %exp3A_29 = math.exp %min3A_28 : vector<512x16xf32>
    %mul3A_30 = arith.mulf %exp3A_29, %get3A_14 : vector<512x16xf32>
    %mul3A_31 = arith.constant 5.000000e-01 : f32
    %mul3A_32 = vector.broadcast %mul3A_31 : f32 to vector<512x16xf32>
    %mul3A_33 = arith.mulf %mul3A_32, %mul3A_25 : vector<512x16xf32>
    %sub3A = arith.subf %add3A, %mul3A_33 : vector<512x16xf32>
    %jit3A = arith.constant 0.000000e+00 : f32
    %jit3A_34 = arith.constant 5.120000e+02 : f32
    %max3A = vector.broadcast %jit3A : f32 to vector<512x16xf32>
    %max3A_35 = arith.maximumf %max3A, %sub3A : vector<512x16xf32>
    %min3A_36 = vector.broadcast %jit3A_34 : f32 to vector<512x16xf32>
    %min3A_37 = arith.minimumf %min3A_36, %max3A_35 : vector<512x16xf32>
    %mul3A_38 = arith.constant 5.000000e-01 : f32
    %mul3A_39 = vector.broadcast %mul3A_38 : f32 to vector<512x16xf32>
    %mul3A_40 = arith.mulf %mul3A_39, %mul3A_30 : vector<512x16xf32>
    %sub3A_41 = arith.subf %add3A_22, %mul3A_40 : vector<512x16xf32>
    %jit3A_42 = arith.constant 0.000000e+00 : f32
    %jit3A_43 = arith.constant 5.120000e+02 : f32
    %max3A_44 = vector.broadcast %jit3A_42 : f32 to vector<512x16xf32>
    %max3A_45 = arith.maximumf %max3A_44, %sub3A_41 : vector<512x16xf32>
    %min3A_46 = vector.broadcast %jit3A_43 : f32 to vector<512x16xf32>
    %min3A_47 = arith.minimumf %min3A_46, %max3A_45 : vector<512x16xf32>
    %mul3A_48 = arith.constant 5.000000e-01 : f32
    %mul3A_49 = vector.broadcast %mul3A_48 : f32 to vector<512x16xf32>
    %mul3A_50 = arith.mulf %mul3A_49, %mul3A_25 : vector<512x16xf32>
    %add3A_51 = arith.addf %add3A, %mul3A_50 : vector<512x16xf32>
    %jit3A_52 = arith.constant 0.000000e+00 : f32
    %jit3A_53 = arith.constant 5.120000e+02 : f32
    %max3A_54 = vector.broadcast %jit3A_52 : f32 to vector<512x16xf32>
    %max3A_55 = arith.maximumf %max3A_54, %add3A_51 : vector<512x16xf32>
    %min3A_56 = vector.broadcast %jit3A_53 : f32 to vector<512x16xf32>
    %min3A_57 = arith.minimumf %min3A_56, %max3A_55 : vector<512x16xf32>
    %mul3A_58 = arith.constant 5.000000e-01 : f32
    %mul3A_59 = vector.broadcast %mul3A_58 : f32 to vector<512x16xf32>
    %mul3A_60 = arith.mulf %mul3A_59, %mul3A_30 : vector<512x16xf32>
    %add3A_61 = arith.addf %add3A_22, %mul3A_60 : vector<512x16xf32>
    %jit3A_62 = arith.constant 0.000000e+00 : f32
    %jit3A_63 = arith.constant 5.120000e+02 : f32
    %max3A_64 = vector.broadcast %jit3A_62 : f32 to vector<512x16xf32>
    %max3A_65 = arith.maximumf %max3A_64, %add3A_61 : vector<512x16xf32>
    %min3A_66 = vector.broadcast %jit3A_63 : f32 to vector<512x16xf32>
    %min3A_67 = arith.minimumf %min3A_66, %max3A_65 : vector<512x16xf32>
    %sub3A_68 = arith.subf %min3A_57, %min3A_37 : vector<512x16xf32>
    %ge3A = arith.constant 1.600000e+01 : f32
    %ge3A_69 = vector.broadcast %ge3A : f32 to vector<512x16xf32>
    %ge3A_70 = arith.cmpf oge, %sub3A_68, %ge3A_69 : vector<512x16xf32>
    %sub3A_71 = arith.subf %min3A_67, %min3A_47 : vector<512x16xf32>
    %ge3A_72 = arith.constant 1.600000e+01 : f32
    %ge3A_73 = vector.broadcast %ge3A_72 : f32 to vector<512x16xf32>
    %ge3A_74 = arith.cmpf oge, %sub3A_71, %ge3A_73 : vector<512x16xf32>
    %and3A = arith.andi %ge3A_70, %ge3A_74 : vector<512x16xi1>
    %convert_element_type3A = arith.extui %and3A : vector<512x16xi1> to vector<512x16xi32>
    %convert_element_type3A_75 = arith.sitofp %convert_element_type3A : vector<512x16xi32> to vector<512x16xf32>
    %broadcast_in_dim3A = arith.constant 0.000000e+00 : f32
    %broadcast_in_dim3A_76 = vector.broadcast %broadcast_in_dim3A : f32 to vector<512x48xf32>
    %concatenate3A = tpu.concatenate %convert_element_type3A_75, %min3A_37, %min3A_47, %min3A_57, %min3A_67, %broadcast_in_dim3A_76 in 1 : vector<512x16xf32>, vector<512x16xf32>, vector<512x16xf32>, vector<512x16xf32>, vector<512x16xf32>, vector<512x48xf32> -> vector<512x128xf32>
    %swap3A = arith.constant 0 : index
    %swap3A_77 = arith.constant 0 : index
    %swap3A_78 = vector.load %arg7[%swap3A, %swap3A_77] : memref<512x128xf32, #tpu.memory_space<vmem>>, vector<512x128xf32>
    tpu.vector_store %arg7[%swap3A, %swap3A_77], %concatenate3A {strides = array<i32>} : memref<512x128xf32, #tpu.memory_space<vmem>>, vector<512x128xf32>,
    return
  }
  func.func @transform_0(%arg0: i32) -> (i32, i32) {
    %c0_i32 = arith.constant 0 : i32
    %c0_i32_0 = arith.constant 0 : i32
    return %arg0, %c0_i32 : i32, i32
  }
  func.func @transform_1(%arg0: i32) -> (i32, i32) {
    %c0_i32 = arith.constant 0 : i32
    %c0_i32_0 = arith.constant 0 : i32
    return %arg0, %c0_i32 : i32, i32
  }
  func.func @transform_2(%arg0: i32) -> (i32, i32) {
    %c0_i32 = arith.constant 0 : i32
    %c0_i32_0 = arith.constant 0 : i32
    return %arg0, %c0_i32 : i32, i32
  }
  func.func @transform_3(%arg0: i32) -> (i32, i32) {
    %c0_i32 = arith.constant 0 : i32
    %c0_i32_0 = arith.constant 0 : i32
    return %arg0, %c0_i32 : i32, i32
  }
  func.func @transform_4(%arg0: i32) -> (i32, i32) {
    %c0_i32 = arith.constant 0 : i32
    %c0_i32_0 = arith.constant 0 : i32
    return %arg0, %c0_i32 : i32, i32
  }
  func.func @transform_5(%arg0: i32) -> (i32, i32) {
    %c0_i32 = arith.constant 0 : i32
    %c0_i32_0 = arith.constant 0 : i32
    %c0_i32_1 = arith.constant 0 : i32
    return %c0_i32, %c0_i32_0 : i32, i32
  }
  func.func @transform_6(%arg0: i32) -> (i32, i32) {
    %c0_i32 = arith.constant 0 : i32
    %c0_i32_0 = arith.constant 0 : i32
    return %arg0, %c0_i32 : i32, i32
  }
}

module attributes {stable_mosaic.version = 14 : i64} {
  func.func @_nms_kernel(%arg0: memref<8x6144xf32, #tpu.memory_space<vmem>>, %arg1: memref<6144x128xf32, #tpu.memory_space<vmem>>, %arg2: memref<304x128xf32, #tpu.memory_space<vmem>>) attributes {dimension_semantics = [], scalar_prefetch = 0 : i64, scratch_operands = 0 : i64, tpu.core_type = #tpu.core_type<tc>} {
    %get3A = arith.constant 0 : index
    %get3A_0 = arith.constant 0 : index
    %get3A_1 = vector.load %arg0[%get3A, %get3A_0] : memref<8x6144xf32, #tpu.memory_space<vmem>>, vector<1x6144xf32>
    %get3A_2 = arith.constant 1 : index
    %get3A_3 = arith.constant 0 : index
    %get3A_4 = vector.load %arg0[%get3A_2, %get3A_3] : memref<8x6144xf32, #tpu.memory_space<vmem>>, vector<1x6144xf32>
    %get3A_5 = arith.constant 2 : index
    %get3A_6 = arith.constant 0 : index
    %get3A_7 = vector.load %arg0[%get3A_5, %get3A_6] : memref<8x6144xf32, #tpu.memory_space<vmem>>, vector<1x6144xf32>
    %get3A_8 = arith.constant 3 : index
    %get3A_9 = arith.constant 0 : index
    %get3A_10 = vector.load %arg0[%get3A_8, %get3A_9] : memref<8x6144xf32, #tpu.memory_space<vmem>>, vector<1x6144xf32>
    %get3A_11 = arith.constant 4 : index
    %get3A_12 = arith.constant 0 : index
    %get3A_13 = vector.load %arg0[%get3A_11, %get3A_12] : memref<8x6144xf32, #tpu.memory_space<vmem>>, vector<1x6144xf32>
    %sub3A = arith.subf %get3A_7, %get3A_1 : vector<1x6144xf32>
    %sub3A_14 = arith.subf %get3A_10, %get3A_4 : vector<1x6144xf32>
    %mul3A = arith.mulf %sub3A, %sub3A_14 : vector<1x6144xf32>
    %iota3A = tpu.iota {dimensions = array<i32: 1>} : vector<1x6144xi32>
    %gt3A = arith.constant 0.000000e+00 : f32
    %gt3A_15 = vector.broadcast %gt3A : f32 to vector<1x6144xf32>
    %gt3A_16 = arith.cmpf ogt, %get3A_13, %gt3A_15 : vector<1x6144xf32>
    %broadcast_in_dim3A = arith.constant 0.000000e+00 : f32
    %broadcast_in_dim3A_17 = vector.broadcast %broadcast_in_dim3A : f32 to vector<304x128xf32>
    %swap3A = arith.constant 0 : index
    %swap3A_18 = arith.constant 0 : index
    %swap3A_19 = vector.load %arg2[%swap3A, %swap3A_18] : memref<304x128xf32, #tpu.memory_space<vmem>>, vector<304x128xf32>
    tpu.vector_store %arg2[%swap3A, %swap3A_18], %broadcast_in_dim3A_17 {strides = array<i32>} : memref<304x128xf32, #tpu.memory_space<vmem>>, vector<304x128xf32>,
    %iota3A_20 = tpu.iota {dimensions = array<i32: 1>} : vector<1x128xi32>
    %broadcast_in_dim3A_21 = arith.constant 0.000000e+00 : f32
    %broadcast_in_dim3A_22 = vector.broadcast %broadcast_in_dim3A_21 : f32 to vector<1x6144xf32>
    %scan3A = arith.constant 0 : i32
    %scan3A_23 = arith.constant 300 : i32
    %scan3A_24 = arith.addi %scan3A, %scan3A_23 : i32
    %scan3A_25 = arith.constant 1 : i32
    %scan3A_26:2 = scf.for %scan3A_28 = %scan3A to %scan3A_24 step %scan3A_25 iter_args(%scan3A_29 = %broadcast_in_dim3A_22, %scan3A_30 = %broadcast_in_dim3A_22) -> (vector<1x6144xf32>, vector<1x6144xf32>)  : i32 {
      %eq3A = arith.constant 0.000000e+00 : f32
      %eq3A_31 = vector.broadcast %eq3A : f32 to vector<1x6144xf32>
      %eq3A_32 = arith.cmpf oeq, %scan3A_29, %eq3A_31 : vector<1x6144xf32>
      %and3A = arith.andi %gt3A_16, %eq3A_32 : vector<1x6144xi1>
      %jit3A = arith.constant -2.000000e+00 : f32
      %broadcast_in_dim3A_33 = vector.broadcast %jit3A : f32 to vector<1x6144xf32>
      %select_n3A = arith.select %and3A, %get3A_13, %broadcast_in_dim3A_33 : vector<1x6144xi1>, vector<1x6144xf32>
      %reduce_max3A = vector.shape_cast %select_n3A : vector<1x6144xf32> to vector<1x1x6144xf32>
      %reduce_max3A_34 = arith.constant dense<0xFF800000> : vector<1xf32>
      %reduce_max3A_35 = vector.multi_reduction <maximumf>, %reduce_max3A, %reduce_max3A_34 [1, 2] : vector<1x1x6144xf32> to vector<1xf32>
      %reduce_max3A_36 = vector.shape_cast %reduce_max3A_35 : vector<1xf32> to vector<1x1x1xf32>
      %reduce_max3A_37 = vector.extract %reduce_max3A_36[0, 0, 0] : f32 from vector<1x1x1xf32>
      %gt3A_38 = arith.constant 0.000000e+00 : f32
      %gt3A_39 = arith.cmpf ogt, %reduce_max3A_37, %gt3A_38 : f32
      %convert_element_type3A = arith.extui %gt3A_39 : i1 to i32
      %cond3A = arith.constant 0 : i32
      %cond3A_40 = arith.cmpi ne, %convert_element_type3A, %cond3A : i32
      %cond3A_41 = scf.if %cond3A_40 -> (i32) {
        %eq3A_199 = vector.broadcast %reduce_max3A_37 : f32 to vector<1x6144xf32>
        %eq3A_200 = arith.cmpf oeq, %select_n3A, %eq3A_199 : vector<1x6144xf32>
        %jit3A_201 = arith.constant 6144 : i32
        %broadcast_in_dim3A_202 = vector.broadcast %jit3A_201 : i32 to vector<1x6144xi32>
        %select_n3A_203 = arith.select %eq3A_200, %iota3A, %broadcast_in_dim3A_202 : vector<1x6144xi1>, vector<1x6144xi32>
        %reduce_min3A = vector.shape_cast %select_n3A_203 : vector<1x6144xi32> to vector<1x1x6144xi32>
        %reduce_min3A_204 = arith.constant dense<2147483647> : vector<1xi32>
        %reduce_min3A_205 = vector.multi_reduction <minsi>, %reduce_min3A, %reduce_min3A_204 [1, 2] : vector<1x1x6144xi32> to vector<1xi32>
        %reduce_min3A_206 = vector.shape_cast %reduce_min3A_205 : vector<1xi32> to vector<1x1x1xi32>
        %reduce_min3A_207 = vector.extract %reduce_min3A_206[0, 0, 0] : i32 from vector<1x1x1xi32>
        scf.yield %reduce_min3A_207 : i32
      } else {
        %eq3A_199 = arith.constant 0.000000e+00 : f32
        %eq3A_200 = vector.broadcast %eq3A_199 : f32 to vector<1x6144xf32>
        %eq3A_201 = arith.cmpf oeq, %scan3A_30, %eq3A_200 : vector<1x6144xf32>
        %lt3A_202 = arith.constant 6000 : i32
        %lt3A_203 = vector.broadcast %lt3A_202 : i32 to vector<1x6144xi32>
        %lt3A_204 = arith.cmpi slt, %iota3A, %lt3A_203 : vector<1x6144xi32>
        %and3A_205 = arith.andi %eq3A_201, %lt3A_204 : vector<1x6144xi1>
        %jit3A_206 = arith.constant 6144 : i32
        %broadcast_in_dim3A_207 = vector.broadcast %jit3A_206 : i32 to vector<1x6144xi32>
        %select_n3A_208 = arith.select %and3A_205, %iota3A, %broadcast_in_dim3A_207 : vector<1x6144xi1>, vector<1x6144xi32>
        %reduce_min3A = vector.shape_cast %select_n3A_208 : vector<1x6144xi32> to vector<1x1x6144xi32>
        %reduce_min3A_209 = arith.constant dense<2147483647> : vector<1xi32>
        %reduce_min3A_210 = vector.multi_reduction <minsi>, %reduce_min3A, %reduce_min3A_209 [1, 2] : vector<1x1x6144xi32> to vector<1xi32>
        %reduce_min3A_211 = vector.shape_cast %reduce_min3A_210 : vector<1xi32> to vector<1x1x1xi32>
        %reduce_min3A_212 = vector.extract %reduce_min3A_211[0, 0, 0] : i32 from vector<1x1x1xi32>
        scf.yield %reduce_min3A_212 : i32
      }
      %eq3A_42 = vector.broadcast %cond3A_41 : i32 to vector<1x6144xi32>
      %eq3A_43 = arith.cmpi eq, %iota3A, %eq3A_42 : vector<1x6144xi32>
      %convert_element_type3A_44 = arith.extui %eq3A_43 : vector<1x6144xi1> to vector<1x6144xi32>
      %convert_element_type3A_45 = arith.sitofp %convert_element_type3A_44 : vector<1x6144xi32> to vector<1x6144xf32>
      %jit3A_46 = arith.constant 8 : i32
      %div3A = arith.divsi %cond3A_41, %jit3A_46 : i32
      %sign3A = arith.constant 0 : i32
      %sign3A_47 = arith.cmpi sgt, %cond3A_41, %sign3A : i32
      %sign3A_48 = arith.extui %sign3A_47 : i1 to i32
      %sign3A_49 = arith.constant 0 : i32
      %sign3A_50 = arith.cmpi slt, %cond3A_41, %sign3A_49 : i32
      %sign3A_51 = arith.extui %sign3A_50 : i1 to i32
      %sign3A_52 = arith.subi %sign3A_48, %sign3A_51 : i32
      %sign3A_53 = arith.constant 0 : i32
      %sign3A_54 = arith.cmpi sgt, %jit3A_46, %sign3A_53 : i32
      %sign3A_55 = arith.extui %sign3A_54 : i1 to i32
      %sign3A_56 = arith.constant 0 : i32
      %sign3A_57 = arith.cmpi slt, %jit3A_46, %sign3A_56 : i32
      %sign3A_58 = arith.extui %sign3A_57 : i1 to i32
      %sign3A_59 = arith.subi %sign3A_55, %sign3A_58 : i32
      %ne3A = arith.cmpi ne, %sign3A_52, %sign3A_59 : i32
      %rem3A = arith.remsi %cond3A_41, %jit3A_46 : i32
      %ne3A_60 = arith.constant 0 : i32
      %ne3A_61 = arith.cmpi ne, %rem3A, %ne3A_60 : i32
      %and3A_62 = arith.andi %ne3A, %ne3A_61 : i1
      %sub3A_63 = arith.constant 1 : i32
      %sub3A_64 = arith.subi %div3A, %sub3A_63 : i32
      %select_n3A_65 = arith.select %and3A_62, %sub3A_64, %div3A : i32
      %mul3A_66 = arith.constant 8 : i32
      %mul3A_67 = arith.muli %select_n3A_65, %mul3A_66 : i32
      %get3A_68 = arith.index_cast %mul3A_67 : i32 to index
      %get3A_69 = arith.constant 0 : index
      %get3A_70 = vector.load %arg1[%get3A_68, %get3A_69] : memref<6144x128xf32, #tpu.memory_space<vmem>>, vector<8x128xf32>
      %iota3A_71 = tpu.iota {dimensions = array<i32: 0>} : vector<8x128xi32>
      %iota3A_72 = tpu.iota {dimensions = array<i32: 1>} : vector<8x128xi32>
      %jit3A_73 = arith.constant 8 : i32
      %eq3A_74 = arith.constant 0 : i32
      %eq3A_75 = arith.cmpi eq, %jit3A_73, %eq3A_74 : i32
      %jit3A_76 = arith.constant 1 : i32
      %select_n3A_77 = arith.select %eq3A_75, %jit3A_76, %jit3A_73 : i32
      %rem3A_78 = arith.remsi %cond3A_41, %select_n3A_77 : i32
      %ne3A_79 = arith.constant 0 : i32
      %ne3A_80 = arith.cmpi ne, %rem3A_78, %ne3A_79 : i32
      %lt3A = arith.constant 0 : i32
      %lt3A_81 = arith.cmpi slt, %rem3A_78, %lt3A : i32
      %lt3A_82 = arith.constant 0 : i32
      %lt3A_83 = arith.cmpi slt, %select_n3A_77, %lt3A_82 : i32
      %ne3A_84 = arith.xori %lt3A_81, %lt3A_83 : i1
      %and3A_85 = arith.andi %ne3A_84, %ne3A_80 : i1
      %add3A = arith.addi %rem3A_78, %select_n3A_77 : i32
      %select_n3A_86 = arith.select %and3A_85, %add3A, %rem3A_78 : i32
      %eq3A_87 = vector.broadcast %select_n3A_86 : i32 to vector<8x128xi32>
      %eq3A_88 = arith.cmpi eq, %iota3A_71, %eq3A_87 : vector<8x128xi32>
      %eq3A_89 = arith.constant 0 : i32
      %eq3A_90 = vector.broadcast %eq3A_89 : i32 to vector<8x128xi32>
      %eq3A_91 = arith.cmpi eq, %iota3A_72, %eq3A_90 : vector<8x128xi32>
      %and3A_92 = arith.andi %eq3A_88, %eq3A_91 : vector<8x128xi1>
      %jit3A_93 = arith.constant 0.000000e+00 : f32
      %broadcast_in_dim3A_94 = vector.broadcast %jit3A_93 : f32 to vector<8x128xf32>
      %select_n3A_95 = arith.select %and3A_92, %get3A_70, %broadcast_in_dim3A_94 : vector<8x128xi1>, vector<8x128xf32>
      %reduce_sum3A = vector.shape_cast %select_n3A_95 : vector<8x128xf32> to vector<1x8x128xf32>
      %reduce_sum3A_96 = arith.constant dense<0.000000e+00> : vector<1xf32>
      %reduce_sum3A_97 = vector.multi_reduction <add>, %reduce_sum3A, %reduce_sum3A_96 [1, 2] : vector<1x8x128xf32> to vector<1xf32>
      %reduce_sum3A_98 = vector.shape_cast %reduce_sum3A_97 : vector<1xf32> to vector<1x1x1xf32>
      %reduce_sum3A_99 = vector.extract %reduce_sum3A_98[0, 0, 0] : f32 from vector<1x1x1xf32>
      %eq3A_100 = arith.constant 1 : i32
      %eq3A_101 = vector.broadcast %eq3A_100 : i32 to vector<8x128xi32>
      %eq3A_102 = arith.cmpi eq, %iota3A_72, %eq3A_101 : vector<8x128xi32>
      %and3A_103 = arith.andi %eq3A_88, %eq3A_102 : vector<8x128xi1>
      %jit3A_104 = arith.constant 0.000000e+00 : f32
      %broadcast_in_dim3A_105 = vector.broadcast %jit3A_104 : f32 to vector<8x128xf32>
      %select_n3A_106 = arith.select %and3A_103, %get3A_70, %broadcast_in_dim3A_105 : vector<8x128xi1>, vector<8x128xf32>
      %reduce_sum3A_107 = vector.shape_cast %select_n3A_106 : vector<8x128xf32> to vector<1x8x128xf32>
      %reduce_sum3A_108 = arith.constant dense<0.000000e+00> : vector<1xf32>
      %reduce_sum3A_109 = vector.multi_reduction <add>, %reduce_sum3A_107, %reduce_sum3A_108 [1, 2] : vector<1x8x128xf32> to vector<1xf32>
      %reduce_sum3A_110 = vector.shape_cast %reduce_sum3A_109 : vector<1xf32> to vector<1x1x1xf32>
      %reduce_sum3A_111 = vector.extract %reduce_sum3A_110[0, 0, 0] : f32 from vector<1x1x1xf32>
      %eq3A_112 = arith.constant 2 : i32
      %eq3A_113 = vector.broadcast %eq3A_112 : i32 to vector<8x128xi32>
      %eq3A_114 = arith.cmpi eq, %iota3A_72, %eq3A_113 : vector<8x128xi32>
      %and3A_115 = arith.andi %eq3A_88, %eq3A_114 : vector<8x128xi1>
      %jit3A_116 = arith.constant 0.000000e+00 : f32
      %broadcast_in_dim3A_117 = vector.broadcast %jit3A_116 : f32 to vector<8x128xf32>
      %select_n3A_118 = arith.select %and3A_115, %get3A_70, %broadcast_in_dim3A_117 : vector<8x128xi1>, vector<8x128xf32>
      %reduce_sum3A_119 = vector.shape_cast %select_n3A_118 : vector<8x128xf32> to vector<1x8x128xf32>
      %reduce_sum3A_120 = arith.constant dense<0.000000e+00> : vector<1xf32>
      %reduce_sum3A_121 = vector.multi_reduction <add>, %reduce_sum3A_119, %reduce_sum3A_120 [1, 2] : vector<1x8x128xf32> to vector<1xf32>
      %reduce_sum3A_122 = vector.shape_cast %reduce_sum3A_121 : vector<1xf32> to vector<1x1x1xf32>
      %reduce_sum3A_123 = vector.extract %reduce_sum3A_122[0, 0, 0] : f32 from vector<1x1x1xf32>
      %eq3A_124 = arith.constant 3 : i32
      %eq3A_125 = vector.broadcast %eq3A_124 : i32 to vector<8x128xi32>
      %eq3A_126 = arith.cmpi eq, %iota3A_72, %eq3A_125 : vector<8x128xi32>
      %and3A_127 = arith.andi %eq3A_88, %eq3A_126 : vector<8x128xi1>
      %jit3A_128 = arith.constant 0.000000e+00 : f32
      %broadcast_in_dim3A_129 = vector.broadcast %jit3A_128 : f32 to vector<8x128xf32>
      %select_n3A_130 = arith.select %and3A_127, %get3A_70, %broadcast_in_dim3A_129 : vector<8x128xi1>, vector<8x128xf32>
      %reduce_sum3A_131 = vector.shape_cast %select_n3A_130 : vector<8x128xf32> to vector<1x8x128xf32>
      %reduce_sum3A_132 = arith.constant dense<0.000000e+00> : vector<1xf32>
      %reduce_sum3A_133 = vector.multi_reduction <add>, %reduce_sum3A_131, %reduce_sum3A_132 [1, 2] : vector<1x8x128xf32> to vector<1xf32>
      %reduce_sum3A_134 = vector.shape_cast %reduce_sum3A_133 : vector<1xf32> to vector<1x1x1xf32>
      %reduce_sum3A_135 = vector.extract %reduce_sum3A_134[0, 0, 0] : f32 from vector<1x1x1xf32>
      %sub3A_136 = arith.subf %reduce_sum3A_123, %reduce_sum3A_99 : f32
      %sub3A_137 = arith.subf %reduce_sum3A_135, %reduce_sum3A_111 : f32
      %mul3A_138 = arith.mulf %sub3A_136, %sub3A_137 : f32
      %min3A = vector.broadcast %reduce_sum3A_123 : f32 to vector<1x6144xf32>
      %min3A_139 = arith.minimumf %get3A_7, %min3A : vector<1x6144xf32>
      %max3A = vector.broadcast %reduce_sum3A_99 : f32 to vector<1x6144xf32>
      %max3A_140 = arith.maximumf %get3A_1, %max3A : vector<1x6144xf32>
      %sub3A_141 = arith.subf %min3A_139, %max3A_140 : vector<1x6144xf32>
      %max3A_142 = arith.constant 0.000000e+00 : f32
      %max3A_143 = vector.broadcast %max3A_142 : f32 to vector<1x6144xf32>
      %max3A_144 = arith.maximumf %sub3A_141, %max3A_143 : vector<1x6144xf32>
      %min3A_145 = vector.broadcast %reduce_sum3A_135 : f32 to vector<1x6144xf32>
      %min3A_146 = arith.minimumf %get3A_10, %min3A_145 : vector<1x6144xf32>
      %max3A_147 = vector.broadcast %reduce_sum3A_111 : f32 to vector<1x6144xf32>
      %max3A_148 = arith.maximumf %get3A_4, %max3A_147 : vector<1x6144xf32>
      %sub3A_149 = arith.subf %min3A_146, %max3A_148 : vector<1x6144xf32>
      %max3A_150 = arith.constant 0.000000e+00 : f32
      %max3A_151 = vector.broadcast %max3A_150 : f32 to vector<1x6144xf32>
      %max3A_152 = arith.maximumf %sub3A_149, %max3A_151 : vector<1x6144xf32>
      %mul3A_153 = arith.mulf %max3A_144, %max3A_152 : vector<1x6144xf32>
      %add3A_154 = vector.broadcast %mul3A_138 : f32 to vector<1x6144xf32>
      %add3A_155 = arith.addf %mul3A, %add3A_154 : vector<1x6144xf32>
      %sub3A_156 = arith.subf %add3A_155, %mul3A_153 : vector<1x6144xf32>
      %div3A_157 = arith.divf %mul3A_153, %sub3A_156 : vector<1x6144xf32>
      %gt3A_158 = arith.constant 0.699999988 : f32
      %gt3A_159 = vector.broadcast %gt3A_158 : f32 to vector<1x6144xf32>
      %gt3A_160 = arith.cmpf ogt, %div3A_157, %gt3A_159 : vector<1x6144xf32>
      %convert_element_type3A_161 = arith.extui %gt3A_160 : vector<1x6144xi1> to vector<1x6144xi32>
      %convert_element_type3A_162 = arith.sitofp %convert_element_type3A_161 : vector<1x6144xi32> to vector<1x6144xf32>
      %max3A_163 = arith.maximumf %convert_element_type3A_162, %convert_element_type3A_45 : vector<1x6144xf32>
      %select_n3A_164 = arith.select %gt3A_39, %max3A_163, %convert_element_type3A_45 : vector<1x6144xf32>
      %max3A_165 = arith.maximumf %scan3A_29, %select_n3A_164 : vector<1x6144xf32>
      %max3A_166 = arith.maximumf %scan3A_30, %convert_element_type3A_45 : vector<1x6144xf32>
      %jit3A_167 = arith.constant 0xFF800000 : f32
      %select_n3A_168 = arith.select %gt3A_39, %reduce_max3A_37, %jit3A_167 : f32
      %eq3A_169 = arith.constant 0 : i32
      %eq3A_170 = vector.broadcast %eq3A_169 : i32 to vector<1x128xi32>
      %eq3A_171 = arith.cmpi eq, %iota3A_20, %eq3A_170 : vector<1x128xi32>
      %eq3A_172 = arith.constant 1 : i32
      %eq3A_173 = vector.broadcast %eq3A_172 : i32 to vector<1x128xi32>
      %eq3A_174 = arith.cmpi eq, %iota3A_20, %eq3A_173 : vector<1x128xi32>
      %eq3A_175 = arith.constant 2 : i32
      %eq3A_176 = vector.broadcast %eq3A_175 : i32 to vector<1x128xi32>
      %eq3A_177 = arith.cmpi eq, %iota3A_20, %eq3A_176 : vector<1x128xi32>
      %eq3A_178 = arith.constant 3 : i32
      %eq3A_179 = vector.broadcast %eq3A_178 : i32 to vector<1x128xi32>
      %eq3A_180 = arith.cmpi eq, %iota3A_20, %eq3A_179 : vector<1x128xi32>
      %eq3A_181 = arith.constant 4 : i32
      %eq3A_182 = vector.broadcast %eq3A_181 : i32 to vector<1x128xi32>
      %eq3A_183 = arith.cmpi eq, %iota3A_20, %eq3A_182 : vector<1x128xi32>
      %jit3A_184 = arith.constant 0.000000e+00 : f32
      %broadcast_in_dim3A_185 = vector.broadcast %select_n3A_168 : f32 to vector<1x128xf32>
      %broadcast_in_dim3A_186 = vector.broadcast %jit3A_184 : f32 to vector<1x128xf32>
      %select_n3A_187 = arith.select %eq3A_183, %broadcast_in_dim3A_185, %broadcast_in_dim3A_186 : vector<1x128xi1>, vector<1x128xf32>
      %broadcast_in_dim3A_188 = vector.broadcast %reduce_sum3A_135 : f32 to vector<1x128xf32>
      %select_n3A_189 = arith.select %eq3A_180, %broadcast_in_dim3A_188, %select_n3A_187 : vector<1x128xi1>, vector<1x128xf32>
      %broadcast_in_dim3A_190 = vector.broadcast %reduce_sum3A_123 : f32 to vector<1x128xf32>
      %select_n3A_191 = arith.select %eq3A_177, %broadcast_in_dim3A_190, %select_n3A_189 : vector<1x128xi1>, vector<1x128xf32>
      %broadcast_in_dim3A_192 = vector.broadcast %reduce_sum3A_111 : f32 to vector<1x128xf32>
      %select_n3A_193 = arith.select %eq3A_174, %broadcast_in_dim3A_192, %select_n3A_191 : vector<1x128xi1>, vector<1x128xf32>
      %broadcast_in_dim3A_194 = vector.broadcast %reduce_sum3A_99 : f32 to vector<1x128xf32>
      %select_n3A_195 = arith.select %eq3A_171, %broadcast_in_dim3A_194, %select_n3A_193 : vector<1x128xi1>, vector<1x128xf32>
      %swap3A_196 = arith.index_cast %scan3A_28 : i32 to index
      %swap3A_197 = arith.constant 0 : index
      %swap3A_198 = vector.load %arg2[%swap3A_196, %swap3A_197] : memref<304x128xf32, #tpu.memory_space<vmem>>, vector<1x128xf32>
      tpu.vector_store %arg2[%swap3A_196, %swap3A_197], %select_n3A_195 {strides = array<i32>} : memref<304x128xf32, #tpu.memory_space<vmem>>, vector<1x128xf32>,
      scf.yield %max3A_165, %max3A_166 : vector<1x6144xf32>, vector<1x6144xf32>
    }
    %scan3A_27 = arith.constant 300 : i32
    return
  }
}

</mosaic_0001>

<sc_bundles>
// kernel: gather_offload_async_start.1
scs
__scs_entry_jumppad:
0x0: {  	(pc) =	sbr.rel $0x88, $3  }
0x1: {  	(tag) =	ssettag $0x0;
	lr =	simm.s32 $0x1  }
0x2: {  	[smem:$0x3F9A] =	sst lr;
	_ =	strace $0xD0000000  }
0x3: {  	_ = 	snop  }
0x4: {  	_ = 	snop  }
0x5: {  	_ = 	snop  }
0x6: {  	_ = 	snop  }
0x7: {  	_ = 	snop  }
__scs_overlays_trampoline_lowered:
0x8: {  	[smem:$0x3FA9] =	sst s0  }
0x9: {  	[smem:$0x3FAA] =	sst s1  }
0xa: {  	[smem:$0x3FAB] =	sst s2  }
0xb: {  	[smem:$0x3FAC] =	sst s3  }
0xc: {  	[smem:$0x3FAD] =	sst s4  }
0xd: {  	[smem:$0x3FAE] =	sst s5  }
0xe: {  	[smem:$0x3FAF] =	sst s6  }
0xf: {  	[smem:$0x3FB0] =	sst s7  }
0x10: {  	[smem:$0x3FB1] =	sst s8  }
0x11: {  	[smem:$0x3FB2] =	sst s9;
	s0 =	simm.s32 @!p0 $0x0  }
0x12: {  	s1 =	sld [smem:$0x3F98];
	s0 =	simm.s32 @p0 $0x1  }
0x13: {  	[smem:$0x3FB3] =	sst s0;
	s0 =	simm.s32 @!p1 $0x0  }
0x14: {  	s2 =	sld [smem:$0x3F97];
	s0 =	simm.s32 @p1 $0x1  }
0x15: {  	[smem:$0x3FB4] =	sst s0;
	s0 =	simm.s32 @!p2 $0x0  }
0x16: {  	s3 =	sld [smem:$0x3FDB];
	s0 =	simm.s32 @p2 $0x1  }
0x17: {  	s4 =	simm.s32 $0x1BF5;
	[smem:$0x3FB6] =	sst s0  }
0x18: {  	s0 =	sld [smem:$0x3F99];
	_ =	swait.ge [sflag:s4], $0x0  }
0x19: {  	s7 =	sld [smem:$0x3F9A]  }
0x1a: {  	s8 =	sadd.s32 $0xFFFFE003, lr  }
0x1b: {  	s9 =	sadd.s32 $0xFFFFFEF7, lr;
	s5 =	simm.s32 $0xFFFFFFFF;
	p2 =	slt.u32 s8, $0xFFFFF086  }
0x1c: {  	p1 =	slt.u32 s9, $0xF7A;
	s5 =	simm.s32 @!p2 $0x0  }
0x1d: {  	s5 =	simm.s32 @p1 $0x1;
	p0 =	seq.s32 s7, s2  }
0x1e: {  	s7 =	smul.u32 @!p0 $0xF7A, s2;
	p2 =	seq.s32 @!p0 s5, $0x0  }
0x1f: {  	s9 =	smul.u32 $0xF7A, s1;
	s8 =	simm.s32 @!p0 $0x1BF5;
	p2 =	por !p2, p0  }
0x20: {  	[sflag:s8] =	ssyncset.s32 @!p0 $0xFFFFF086;
	s6 =	sadd.s32 @!p0 s3, s7;
	s7 =	simm.s32 @!p0 $0x108  }
0x21: {  	s3 =	sadd.s32 s3, s9;
	s6 =	sadd.s32 @!p0 $0x88, s6;
	s7 =	simm.s32 @p2 $0x1082  }
0x22: {  	[simem:s7], [sflag:s8] =	dma.local @!p0 [hbm:s6], $0xF7A  }
0x23: {  	s9 =	sor.u32 $0xD0000000, s2;
	s6 =	simm.s32 $0x108;
	_ =	swait.ge @!p0 [sflag:s8], $0x0  }
0x24: {  	s3 =	sadd.s32 $0x88, s3;
	s6 =	simm.s32 @!p1 $0x1082;
	[sflag:s4] =	ssyncset.s32 $0xFFFFF086  }
0x25: {  	[simem:s6], [sflag:s4] =	dma.local [hbm:s3], $0xF7A  }
0x26: {  	[smem:$0x3F9A] =	sst s1;
	(tag) =	ssettag s2;
	_ =	strace s9  }
0x27: {  	s1 =	sld [smem:$0x3FAA]  }
0x28: {  	s2 =	sld [smem:$0x3FAB]  }
0x29: {  	s4 =	sld [smem:$0x3FAD]  }
0x2a: {  	p0 =	seq.s32 s5, $0x0;
	s5 =	sld [smem:$0x3FAE]  }
0x2b: {  	s6 =	sld [smem:$0x3FAF]  }
0x2c: {  	s7 =	sld [smem:$0x3FB0]  }
0x2d: {  	s3 =	simm.s32 $0x108;
	s8 =	sld [smem:$0x3FB1]  }
0x2e: {  	s3 =	simm.s32 @!p0 $0x1082;
	s9 =	sld [smem:$0x3FB2]  }
0x2f: {  	lr =	sadd.s32 s0, s3;
	s0 =	sld [smem:$0x3FA9]  }
0x30: {  	s3 =	sld [smem:$0x3FAC]  }
0x31: {  	[smem:$0x3FB5] =	sst s10  }
0x32: {  	s10 =	sld [smem:$0x3FB3];
	_ =	sdelay $0x3  }
0x33: {  	p0 =	seq.s32 s10, $0x1;
	s10 =	sld [smem:$0x3FB5];
	_ =	sdelay $0x3  }
0x34: {  	[smem:$0x3FB5] =	sst s10  }
0x35: {  	s10 =	sld [smem:$0x3FB4];
	_ =	sdelay $0x3  }
0x36: {  	p1 =	seq.s32 s10, $0x1;
	s10 =	sld [smem:$0x3FB5];
	_ =	sdelay $0x3  }
0x37: {  	[smem:$0x3FB5] =	sst s10  }
0x38: {  	s10 =	sld [smem:$0x3FB6]  }
0x39: {  	_ = 	snop;
	(pc) =	sbr.ind lr, $3  }
0x3a: {  	_ = 	snop  }
0x3b: {  	_ = 	snop  }
0x3c: {  	p2 =	seq.s32 s10, $0x1;
	s10 =	sld [smem:$0x3FB5]  }
0x3d: {  	_ =	shalt  }
0x3e: {  	_ =	shalt  }
0x3f: {  	_ =	shalt  }
0x40: {  	_ =	shalt  }
0x41: {  	_ =	shalt  }
0x42: {  	_ =	shalt  }
0x43: {  	_ =	shalt  }
0x44: {  	_ =	shalt  }
0x45: {  	_ =	shalt  }
0x46: {  	_ =	shalt  }
0x47: {  	_ =	shalt  }
0x48: {  	_ =	shalt  }
0x49: {  	_ =	shalt  }
0x4a: {  	_ =	shalt  }
0x4b: {  	_ =	shalt  }
0x4c: {  	_ =	shalt  }
0x4d: {  	_ =	shalt  }
0x4e: {  	_ =	shalt  }
0x4f: {  	_ =	shalt  }
0x50: {  	_ =	shalt  }
0x51: {  	_ =	shalt  }
0x52: {  	_ =	shalt  }
0x53: {  	_ =	shalt  }
0x54: {  	_ =	shalt  }
0x55: {  	_ =	shalt  }
0x56: {  	_ =	shalt  }
0x57: {  	_ =	shalt  }
0x58: {  	_ =	shalt  }
0x59: {  	_ =	shalt  }
0x5a: {  	_ =	shalt  }
0x5b: {  	_ =	shalt  }
0x5c: {  	_ =	shalt  }
0x5d: {  	_ =	shalt  }
0x5e: {  	_ =	shalt  }
0x5f: {  	_ =	shalt  }
0x60: {  	_ =	shalt  }
0x61: {  	_ =	shalt  }
0x62: {  	_ =	shalt  }
0x63: {  	_ =	shalt  }
0x64: {  	_ =	shalt  }
0x65: {  	_ =	shalt  }
0x66: {  	_ =	shalt  }
0x67: {  	_ =	shalt  }
0x68: {  	_ =	shalt  }
0x69: {  	_ =	shalt  }
0x6a: {  	_ =	shalt  }
0x6b: {  	_ =	shalt  }
0x6c: {  	_ =	shalt  }
0x6d: {  	_ =	shalt  }
0x6e: {  	_ =	shalt  }
0x6f: {  	_ =	shalt  }
0x70: {  	_ =	shalt  }
0x71: {  	_ =	shalt  }
0x72: {  	_ =	shalt  }
0x73: {  	_ =	shalt  }
0x74: {  	_ =	shalt  }
0x75: {  	_ =	shalt  }
0x76: {  	_ =	shalt  }
0x77: {  	_ =	shalt  }
0x78: {  	_ =	shalt  }
0x79: {  	_ =	shalt  }
0x7a: {  	_ =	shalt  }
0x7b: {  	_ =	shalt  }
0x7c: {  	_ =	shalt  }
0x7d: {  	_ =	shalt  }
0x7e: {  	_ =	shalt  }
0x7f: {  	_ =	shalt  }
0x80: {  	_ =	shalt  }
0x81: {  	_ =	shalt  }
0x82: {  	_ =	shalt  }
0x83: {  	_ =	shalt  }
0x84: {  	_ =	shalt  }
0x85: {  	_ =	shalt  }
0x86: {  	_ =	shalt  }
0x87: {  	_ =	shalt  }
.Lfunc_end0:
.L_simem_size_0:
called_computation.1_lowered:
.L_overlay_start_0:
0x88: {  	s0 =	sld [smem:$0x3FD9]  }
0x89: {  	s1 =	sld [smem:$0x3FFE];
	_ =	sdelay $0x3  }
0x8a: {  	s0 =	sadd.s32 s1, s0  }
0x8b: {  	[smem:$0x3FC1] =	sst s0  }
0x8c: {  	_ = 	snop  }
0x8d: {  	(tm) =	ssettm $0x1  }
0x8e: {  	s15 =	sld [smem:$0x3FFB];
	_ =	sdelay $0x3  }
0x8f: {  	_ =	strace s15  }
0x90: {  	s0 =	sld [smem:$0x3FFC];
	_ =	sdelay $0x3  }
0x91: {  	_ =	strace s0  }
0x92: {  	s0 =	sld [smem:$0x3FFD];
	_ =	sdelay $0x3  }
0x93: {  	_ =	strace s0  }
0x94: {  	_ =	strace $0x8FFFFFFF  }
0x95: {  	s16 =	sld [smem:$0x3FDB];
	_ =	sdelay $0x1  }
0x96: {  	s17 =	simm.s32 $_scs_section_size  }
0x97: {  	s2 =	simm.s32 $_size__tile_overlayer_lowered;
	s3 =	simm.s32 $_tile_overlayer_lowered  }
0x98: {  	s20 =	simm.s32 $0x1BFF;
	s19 =	sshll.u32 s3, $0x1;
	s0 =	sadd.s32 s17, s16  }
0x99: {  	s4 =	simm.s32 $0x0;
	s18 =	sshll.u32 s2, $0x1;
	s2 =	sadd.s32 s19, s0  }
0x9a: {  	[timem:s4], [sflag:s20] =	dma.local [hbm:s2], s18  }
0x9b: {  	_ =	swait.ge [sflag:s20], s18  }
0x9c: {  	s1 =	ssub.s32 $0x0, s18;
	[sflag:s20] =	ssyncset.done $0x0  }
0x9d: {  	[sflag:s20] =	ssyncadd.s32 s1;
	_ =	sdelay $0x1  }
0x9e: {  	s21 =	simm.s32 $0x1B8B  }
0x9f: {  	_ =	swait.ge [sflag:s21], $0x1  }
0xa0: {  	[sflag:s21] =	ssyncset.done $0x0  }
0xa1: {  	s23 =	simm.s32 $0x1B8E;
	s22 =	sld [smem:$0x3FFE];
	[sflag:s21] =	ssyncadd.s32 $0xFFFFFFFF  }
0xa2: {  	s24 =	simm.s32 $execute0_lowered;
	[smem:$0x3FD2] =	sst s23  }
0xa3: {  	s2 =	sshll.u32 s24, $0x1;
	_ =	strace $0x80000049;
	[dreg:$0x1] =	wrdreg $0xFFFFFFFF  }
0xa4: {  	s25 =	simm.s32 $_size_execute0_lowered;
	s0 =	sadd.s32 s0, s2;
	[dreg:$0x0] =	wrdreg $0x0  }
0xa5: {  	s2 =	sshll.u32 s25, $0x1;
	[dreg:$0x2] =	wrdreg s0  }
0xa6: {  	[dreg:$0x3] =	wrdreg s2  }
0xa7: {  	[dreg:$0x4] =	wrdreg $0xC0  }
0xa8: {  	_ =	task [dreg:s4], $0x5FFFF  }
0xa9: {  	[dreg:$0x1] =	wrdreg $0xFFFFFFFF  }
0xaa: {  	[dreg:$0x0] =	wrdreg $0x60  }
0xab: {  	[dreg:$0x2] =	wrdreg s22  }
0xac: {  	[dreg:$0x3] =	wrdreg $0x9  }
0xad: {  	_ =	task.clear_ibuf [dreg:s4], $0x4FFFF;
	_ =	strace $0x90000049  }
0xae: {  	s26 =	simm.s32 $0x9;
	_ =	strace $0x8000004B  }
0xaf: {  	_ =	swait.ge [sflag:s26], $0x1  }
0xb0: {  	[sflag:s26] =	ssyncadd.s32 $0xFFFFFFFF  }
0xb1: {  	_ =	strace $0x9000004B  }
0xb2: {  	_ =	sfence  }
0xb3: {  	s28 =	sld [smem:$0x0];
	_ =	sdelay $0x1  }
0xb4: {  	s29 =	srdreg.scid  }
0xb5: {  	s30 =	sshll.u32 s29, $0xD;
	s31 =	sshrl.u32 s29, $0x2  }
0xb6: {  	s1 =	sand.u32 $0x1, s29;
	s2 =	sand.u32 $0x4000, s30;
	s0 =	sadd.s32 s31, s28  }
0xb7: {  	s1 =	sor.u32 s2, s1;
	s0 =	sshll.u32 s0, $0x11  }
0xb8: {  	s0 =	sor.u32 s0, s1  }
0xb9: {  	s0 =	sadd.s32 $0x8F2B, s0  }
0xba: {  	[sflag:s0] =	ssyncadd.remote.s32 $0x1  }
0xbb: {  	_ =	sfence.sel $0xFFFF  }
0xbc: {  	[dreg:$0x0] =	wrdreg $0xFFFFFFFF;
	(pc) =	sbr.abs _section_cstart, $3  }
0xbd: {  	[dreg:$0x1] =	wrdreg $0xFFFFFFFF  }
0xbe: {  	_ =	task.clear_ibuf [dreg:s4], $0x2FFFF;
	_ =	strace $0x9FFFFFFF  }
0xbf: {  	(tm) =	ssettm $0x7FFFFFFF  }
tec
execute0_lowered:
.L_overlay_start_1:
0x0: {  	(tag) =	ssettag $0x1  }
0x1: {  	s8 =	rddreg [dreg:$0x0]  }
0x2: {  	s0 =	rddreg [dreg:$0x1];
	_ =	strace $0x8000004A  }
0x3: {  	s4 =	simm.s32 $0x1;
	s1 =	stileid.u32;
	s7 =	simm.s32 $0x1  }
0x4: {  	s9 =	simm.s32 $0x1;
	s6 =	simm.s32 $0x2;
	s10 =	simm.s32 $0x3  }
0x5: {  	s13 =	simm.s32 $0x0;
	s12 =	simm.s32 $0x0;
	s2 =	sadd.s32 $0x10000, s8  }
.Ltmp0:
0x6: {  	s3 =	sadd.s32 $0x10400, s8;
	p0 =	slt.u32 s1, $0xA;
	(pc) =	sbr.rel .LBB2_1-.Ltmp0, $4  }
0x7: {  	[sflag:s4] =	ssyncpa.u1 $0x0;
	s7 =	simm.s32 @!p0 $0x0;
	p0 =	sne.s32 s1, $0x9  }
0x8: {  	s5 =	smul.u32 $0xF0, s1;
	[sflag:s6] =	ssyncpa.u1 $0x0;
	s9 =	simm.s32 @!p0 $0x0  }
0x9: {  	s8 =	sadd.s32 $0x10800, s8;
	[sflag:s10] =	ssyncpa.u1 $0x0;
	s7 =	sadd.s32 s9, s7  }
0xa: {  	vm0 =	vmmov $0xffff;
	s10 =	simm.s32 $0x0;
	s11 =	smov.u32 s5;
	s9 =	sadd.s32 $0x1, s7  }
.LBB2_4:
0xb: {  	v2 =	vnsel vm1, $0x0, v2  }
0xc: {  	vm1 =	vgt.s32 v0, $0x0;
	v2 =	vmin.u32 v2, $0x176F  }
0xd: {  	v0 =	vnsel vm1, $0x0, v0  }
0xe: {  	v0 =	vmin.u32 v0, $0x176F  }
0xf: {  	[tilespmem:s18], [sflag:$0x1] =	stream.indirect_vreg.gather [hbm4b:s2+s10], $0x1, v1, vm0, $0x4038;
	[tilespmem:$0x3C0] =	vst v63  }
0x10: {  	(ifvalue) =	ssetifvalue $0x7FFFFFFF  }
0x11: {  	[tilespmem:s15], [sflag:$0x1] =	stream.indirect_vreg.gather [hbm4b:s2+s10], $0x1, v2, vm0, $0x4038;
	[tilespmem:$0x3C0] =	vst v63  }
0x12: {  	s29 =	sadd.s32 $0x10, s15;
	(ifvalue) =	ssetifvalue $0x7FFFFFFF  }
0x13: {  	[tilespmem:s29], [sflag:$0x1] =	stream.indirect_vreg.gather [hbm4b:s2+s10], $0x1, v0, vm0, $0x4038;
	[tilespmem:$0x3C0] =	vst v63  }
0x14: {  	_ =	swait.ge [sflag:s4], $0xF0  }
0x15: {  	s30 =	sshrl.u32 s13, $0x3;
	[sflag:s4] =	ssyncset.done $0x0  }
0x16: {  	s31 =	sand.u32 $0x7, s13;
	s15 =	sadd.s32 s8, s30;
	[sflag:s4] =	ssyncadd.s32 $0xFFFFFF10  }
0x17: {  	[hbm4b:s15+s31] =	stream.linear.scatter [tilespmem:s14], [sflag:$0x3], $0xF0, $0x38;
	[tilespmem:$0x3C0] =	vst v63  }
.LBB2_5:
0x18: {  	s15 =	sadd.s32 $0xF00, s11  }
0x19: {  	p1 =	sgt.s32 s15, $0x176F  }
0x1a: {  	s15 =	smov.u32 @p1 s5;
	p1 =	sne.s32 s12, s9  }
.Ltmp1:
0x1b: {  	p0 =	slt.u32 s12, $0x2;
	(pc) =	sbr.rel @!p1 .LBB2_6-.Ltmp1, $4  }
0x1c: {  	s14 =	simm.s32 @!p0 $0x3  }
0x1d: {  	_ =	swait.ge @!p0 [sflag:s14], $0xF0  }
0x1e: {  	s16 =	sadd.s32 $0x1, s12;
	s13 =	smov.u32 s11;
	[sflag:s14] =	ssyncset.done @!p0 $0x0  }
0x1f: {  	s12 =	smov.u32 s16;
	s11 =	smov.u32 s15;
	[sflag:s14] =	ssyncadd.s32 @!p0 $0xFFFFFF10  }
.LBB2_1:
0x20: {  	p0 =	sge.u32 s12, s7  }
0x21: {  	s14 =	sxor.u32 @!p0 $0x1, s12  }
0x22: {  	s14 =	smul.u32 @!p0 $0x3C0, s14  }
0x23: {  	s31 =	sadd.s32 $0xFFFFFFFF, s12;
	s15 =	sshrl.u32 @!p0 s11, $0x3  }
0x24: {  	s16 =	sand.u32 @!p0 $0x7, s11;
	s15 =	sadd.s32 @!p0 s3, s15;
	s14 =	sshra.s32 @!p0 s14, $0x2  }
0x25: {  	[tilespmem:s14], [sflag:$0x2] =	stream.linear.gather @!p0 [hbm4b:s15+s16], $0xF0, $0x38;
	[tilespmem:$0x3C0] =	vst v63  }
0x26: {  	p0 =	sge.u32 s31, s7  }
.Ltmp2:
0x27: {  	_ = 	snop;
	(pc) =	sbr.rel @p0 .LBB2_5-.Ltmp2, $1  }
0x28: {  	_ =	sdelay $0x3  }
0x29: {  	s14 =	sand.u32 $0x1, s12  }
0x2a: {  	_ =	swait.ge [sflag:s6], $0xF0;
	p0 =	seq.s32 s14, $0x1;
	s14 =	simm.s32 $0xF0  }
0x2b: {  	[sflag:s6] =	ssyncset.done $0x0;
	s14 =	simm.s32 @!p0 $0x0  }
0x2c: {  	[sflag:s6] =	ssyncadd.s32 $0xFFFFFF10;
	(ifvalue) =	ssetifvalue $0x7FFFFFFF;
	v0 =	vld.msk [tilespmem:s14+$0x0 ss:$0x1], $0xffff;
	_ =	sdelay $0x4  }
0x2d: {  	s15 =	sadd.s32 $0x10, s14;
	vm1 =	vgt.s32 v0, $0x0  }
0x2e: {  	v2 =	vld.msk [tilespmem:s15+$0x0 ss:$0x1], $0xffff;
	v1 =	vnsel vm1, $0x0, v0  }
0x2f: {  	v1 =	vmin.u32 v1, $0x176F;
	_ =	sdelay $0x2  }
0x30: {  	s17 =	simm.s32 $0x20;
	s14 =	sadd.s32 $0x1E0, s14;
	s16 =	sadd.s32 $0x10, s15  }
0x31: {  	s15 =	sadd.s32 $0x10, s14;
	s18 =	smov.u32 s14;
	v0 =	vld.msk [tilespmem:s16+$0x0 ss:$0x1], $0xffff;
	vm1 =	vgt.s32 v2, $0x0;
	(ifvalue) =	ssetifvalue $0x7FFFFFFF  }
.LBB2_3:
0x32: {  	[tilespmem:s18], [sflag:$0x1] =	stream.indirect_vreg.gather [hbm4b:s2+s10], $0x1, v1, vm0, $0x4038;
	[tilespmem:$0x3C0] =	vst v63  }
0x33: {  	s17 =	sadd.s32 $0x10, s17  }
0x34: {  	v2 =	vnsel vm1, $0x0, v2;
	p0 =	slt.u32 s17, $0xE0  }
.Ltmp3:
0x35: {  	s18 =	smov.u32 s15;
	v1 =	vmin.u32 v2, $0x176F;
	(pc) =	sbr.rel @p0 .LBB2_3-.Ltmp3, $3  }
0x36: {  	_ =	sdelay $0x1  }
0x37: {  	s16 =	sadd.s32 $0x10, s16  }
0x38: {  	vm1 =	vgt.s32 v0, $0x0;
	s15 =	sadd.s32 $0x10, s15;
	v2 =	vmov v0;
	(ifvalue) =	ssetifvalue $0x7FFFFFFF;
	v0 =	vld.msk [tilespmem:s16+$0x0 ss:$0x1], $0xffff  }
.Ltmp4:
0x39: {  	_ = 	snop;
	(pc) =	sbr.rel .LBB2_4-.Ltmp4, $1  }
0x3a: {  	_ =	sdelay $0x3  }
.LBB2_6:
0x3b: {  	_ =	sfence.sel $0x180000  }
0x3c: {  	s2 =	simm.s32 $0x2;
	[bflag:$0x0] =	sbarrier.arrive $0xFFFF  }
0x3d: {  	s30 =	simm.s32 $0x3;
	[sflag:s2] =	ssyncpa.u1 $0x1  }
0x3e: {  	s31 =	simm.s32 $0x1;
	[sflag:s30] =	ssyncpa.u1 $0x1  }
0x3f: {  	[sflag:s31] =	ssyncpa.u1 $0x1  }
0x40: {  	p0 =	sne.s32 s1, $0x0;
	_ =	strace $0x9000004A  }
0x41: {  	s0 =	sadd.s32 @!p0 $0x100000, s0;
	[bflag:$0x2] =	sbarrier.arrive $0xFFFF  }
0x42: {  	[sflag:s0] =	ssyncadd.tile.s32 @!p0 $0x1;
	_ =	shalt  }
.Lfunc_end2:
_tile_overlayer_lowered:
.L_overlay_start_2:
0x43: {  	(tag) =	ssettag $0x2  }
0x44: {  	s0 =	rddreg [dreg:$0x0];
	s2 =	stileid.u32  }
0x45: {  	s1 =	rddreg [dreg:$0x1];
	p0 =	sne.s32 s2, $0x0  }
0x46: {  	s3 =	rddreg [dreg:$0x2];
	[bflag:$0x3] =	sbarrier.arrive $0xFFFF;
	s2 =	simm.s32 @!p0 $0x1C01  }
0x47: {  	[timem:s3], [sflag:s2] =	dma.local @!p0 [hbm:s0], s1  }
0x48: {  	s0 =	simm.s32 @!p0 $0x1  }
0x49: {  	_ =	swait.ge @!p0 [sflag:s0], s1  }
0x4a: {  	s1 =	ssub.s32 @!p0 $0x0, s1;
	[sflag:s0] =	ssyncset.done @!p0 $0x0  }
0x4b: {  	[sflag:s0] =	ssyncadd.s32 @!p0 s1  }
0x4c: {  	[bflag:$0x3] =	sbarrier.arrive $0xFFFF  }
0x4d: {  	_ =	shalt  }

// kernel: gather_offload_async_start.2
scs
__scs_entry_jumppad:
0x0: {  	(pc) =	sbr.rel $0x88, $3  }
0x1: {  	(tag) =	ssettag $0x0;
	lr =	simm.s32 $0x1  }
0x2: {  	[smem:$0x3F9A] =	sst lr;
	_ =	strace $0xD0000000  }
0x3: {  	_ = 	snop  }
0x4: {  	_ = 	snop  }
0x5: {  	_ = 	snop  }
0x6: {  	_ = 	snop  }
0x7: {  	_ = 	snop  }
__scs_overlays_trampoline_lowered:
0x8: {  	[smem:$0x3FA9] =	sst s0  }
0x9: {  	[smem:$0x3FAA] =	sst s1  }
0xa: {  	[smem:$0x3FAB] =	sst s2  }
0xb: {  	[smem:$0x3FAC] =	sst s3  }
0xc: {  	[smem:$0x3FAD] =	sst s4  }
0xd: {  	[smem:$0x3FAE] =	sst s5  }
0xe: {  	[smem:$0x3FAF] =	sst s6  }
0xf: {  	[smem:$0x3FB0] =	sst s7  }
0x10: {  	[smem:$0x3FB1] =	sst s8  }
0x11: {  	[smem:$0x3FB2] =	sst s9;
	s0 =	simm.s32 @!p0 $0x0  }
0x12: {  	s1 =	sld [smem:$0x3F98];
	s0 =	simm.s32 @p0 $0x1  }
0x13: {  	[smem:$0x3FB3] =	sst s0;
	s0 =	simm.s32 @!p1 $0x0  }
0x14: {  	s2 =	sld [smem:$0x3F97];
	s0 =	simm.s32 @p1 $0x1  }
0x15: {  	[smem:$0x3FB4] =	sst s0;
	s0 =	simm.s32 @!p2 $0x0  }
0x16: {  	s3 =	sld [smem:$0x3FDB];
	s0 =	simm.s32 @p2 $0x1  }
0x17: {  	s4 =	simm.s32 $0x1BF5;
	[smem:$0x3FB6] =	sst s0  }
0x18: {  	s0 =	sld [smem:$0x3F99];
	_ =	swait.ge [sflag:s4], $0x0  }
0x19: {  	s7 =	sld [smem:$0x3F9A]  }
0x1a: {  	s8 =	sadd.s32 $0xFFFFE003, lr  }
0x1b: {  	s9 =	sadd.s32 $0xFFFFFEF7, lr;
	s5 =	simm.s32 $0xFFFFFFFF;
	p2 =	slt.u32 s8, $0xFFFFF086  }
0x1c: {  	p1 =	slt.u32 s9, $0xF7A;
	s5 =	simm.s32 @!p2 $0x0  }
0x1d: {  	s5 =	simm.s32 @p1 $0x1;
	p0 =	seq.s32 s7, s2  }
0x1e: {  	s7 =	smul.u32 @!p0 $0xF7A, s2;
	p2 =	seq.s32 @!p0 s5, $0x0  }
0x1f: {  	s9 =	smul.u32 $0xF7A, s1;
	s8 =	simm.s32 @!p0 $0x1BF5;
	p2 =	por !p2, p0  }
0x20: {  	[sflag:s8] =	ssyncset.s32 @!p0 $0xFFFFF086;
	s6 =	sadd.s32 @!p0 s3, s7;
	s7 =	simm.s32 @!p0 $0x108  }
0x21: {  	s3 =	sadd.s32 s3, s9;
	s6 =	sadd.s32 @!p0 $0x88, s6;
	s7 =	simm.s32 @p2 $0x1082  }
0x22: {  	[simem:s7], [sflag:s8] =	dma.local @!p0 [hbm:s6], $0xF7A  }
0x23: {  	s9 =	sor.u32 $0xD0000000, s2;
	s6 =	simm.s32 $0x108;
	_ =	swait.ge @!p0 [sflag:s8], $0x0  }
0x24: {  	s3 =	sadd.s32 $0x88, s3;
	s6 =	simm.s32 @!p1 $0x1082;
	[sflag:s4] =	ssyncset.s32 $0xFFFFF086  }
0x25: {  	[simem:s6], [sflag:s4] =	dma.local [hbm:s3], $0xF7A  }
0x26: {  	[smem:$0x3F9A] =	sst s1;
	(tag) =	ssettag s2;
	_ =	strace s9  }
0x27: {  	s1 =	sld [smem:$0x3FAA]  }
0x28: {  	s2 =	sld [smem:$0x3FAB]  }
0x29: {  	s4 =	sld [smem:$0x3FAD]  }
0x2a: {  	p0 =	seq.s32 s5, $0x0;
	s5 =	sld [smem:$0x3FAE]  }
0x2b: {  	s6 =	sld [smem:$0x3FAF]  }
0x2c: {  	s7 =	sld [smem:$0x3FB0]  }
0x2d: {  	s3 =	simm.s32 $0x108;
	s8 =	sld [smem:$0x3FB1]  }
0x2e: {  	s3 =	simm.s32 @!p0 $0x1082;
	s9 =	sld [smem:$0x3FB2]  }
0x2f: {  	lr =	sadd.s32 s0, s3;
	s0 =	sld [smem:$0x3FA9]  }
0x30: {  	s3 =	sld [smem:$0x3FAC]  }
0x31: {  	[smem:$0x3FB5] =	sst s10  }
0x32: {  	s10 =	sld [smem:$0x3FB3];
	_ =	sdelay $0x3  }
0x33: {  	p0 =	seq.s32 s10, $0x1;
	s10 =	sld [smem:$0x3FB5];
	_ =	sdelay $0x3  }
0x34: {  	[smem:$0x3FB5] =	sst s10  }
0x35: {  	s10 =	sld [smem:$0x3FB4];
	_ =	sdelay $0x3  }
0x36: {  	p1 =	seq.s32 s10, $0x1;
	s10 =	sld [smem:$0x3FB5];
	_ =	sdelay $0x3  }
0x37: {  	[smem:$0x3FB5] =	sst s10  }
0x38: {  	s10 =	sld [smem:$0x3FB6]  }
0x39: {  	_ = 	snop;
	(pc) =	sbr.ind lr, $3  }
0x3a: {  	_ = 	snop  }
0x3b: {  	_ = 	snop  }
0x3c: {  	p2 =	seq.s32 s10, $0x1;
	s10 =	sld [smem:$0x3FB5]  }
0x3d: {  	_ =	shalt  }
0x3e: {  	_ =	shalt  }
0x3f: {  	_ =	shalt  }
0x40: {  	_ =	shalt  }
0x41: {  	_ =	shalt  }
0x42: {  	_ =	shalt  }
0x43: {  	_ =	shalt  }
0x44: {  	_ =	shalt  }
0x45: {  	_ =	shalt  }
0x46: {  	_ =	shalt  }
0x47: {  	_ =	shalt  }
0x48: {  	_ =	shalt  }
0x49: {  	_ =	shalt  }
0x4a: {  	_ =	shalt  }
0x4b: {  	_ =	shalt  }
0x4c: {  	_ =	shalt  }
0x4d: {  	_ =	shalt  }
0x4e: {  	_ =	shalt  }
0x4f: {  	_ =	shalt  }
0x50: {  	_ =	shalt  }
0x51: {  	_ =	shalt  }
0x52: {  	_ =	shalt  }
0x53: {  	_ =	shalt  }
0x54: {  	_ =	shalt  }
0x55: {  	_ =	shalt  }
0x56: {  	_ =	shalt  }
0x57: {  	_ =	shalt  }
0x58: {  	_ =	shalt  }
0x59: {  	_ =	shalt  }
0x5a: {  	_ =	shalt  }
0x5b: {  	_ =	shalt  }
0x5c: {  	_ =	shalt  }
0x5d: {  	_ =	shalt  }
0x5e: {  	_ =	shalt  }
0x5f: {  	_ =	shalt  }
0x60: {  	_ =	shalt  }
0x61: {  	_ =	shalt  }
0x62: {  	_ =	shalt  }
0x63: {  	_ =	shalt  }
0x64: {  	_ =	shalt  }
0x65: {  	_ =	shalt  }
0x66: {  	_ =	shalt  }
0x67: {  	_ =	shalt  }
0x68: {  	_ =	shalt  }
0x69: {  	_ =	shalt  }
0x6a: {  	_ =	shalt  }
0x6b: {  	_ =	shalt  }
0x6c: {  	_ =	shalt  }
0x6d: {  	_ =	shalt  }
0x6e: {  	_ =	shalt  }
0x6f: {  	_ =	shalt  }
0x70: {  	_ =	shalt  }
0x71: {  	_ =	shalt  }
0x72: {  	_ =	shalt  }
0x73: {  	_ =	shalt  }
0x74: {  	_ =	shalt  }
0x75: {  	_ =	shalt  }
0x76: {  	_ =	shalt  }
0x77: {  	_ =	shalt  }
0x78: {  	_ =	shalt  }
0x79: {  	_ =	shalt  }
0x7a: {  	_ =	shalt  }
0x7b: {  	_ =	shalt  }
0x7c: {  	_ =	shalt  }
0x7d: {  	_ =	shalt  }
0x7e: {  	_ =	shalt  }
0x7f: {  	_ =	shalt  }
0x80: {  	_ =	shalt  }
0x81: {  	_ =	shalt  }
0x82: {  	_ =	shalt  }
0x83: {  	_ =	shalt  }
0x84: {  	_ =	shalt  }
0x85: {  	_ =	shalt  }
0x86: {  	_ =	shalt  }
0x87: {  	_ =	shalt  }
.Lfunc_end0:
.L_simem_size_0:
called_computation.2_lowered:
.L_overlay_start_0:
0x88: {  	s0 =	sld [smem:$0x3FD9]  }
0x89: {  	s1 =	sld [smem:$0x3FFE];
	_ =	sdelay $0x3  }
0x8a: {  	s0 =	sadd.s32 s1, s0  }
0x8b: {  	[smem:$0x3FC1] =	sst s0  }
0x8c: {  	_ = 	snop  }
0x8d: {  	(tm) =	ssettm $0x1  }
0x8e: {  	s15 =	sld [smem:$0x3FFB];
	_ =	sdelay $0x3  }
0x8f: {  	_ =	strace s15  }
0x90: {  	s0 =	sld [smem:$0x3FFC];
	_ =	sdelay $0x3  }
0x91: {  	_ =	strace s0  }
0x92: {  	s0 =	sld [smem:$0x3FFD];
	_ =	sdelay $0x3  }
0x93: {  	_ =	strace s0  }
0x94: {  	_ =	strace $0x8FFFFFFF  }
0x95: {  	s16 =	sld [smem:$0x3FDB];
	_ =	sdelay $0x1  }
0x96: {  	s17 =	simm.s32 $_scs_section_size  }
0x97: {  	s2 =	simm.s32 $_size__tile_overlayer_lowered;
	s3 =	simm.s32 $_tile_overlayer_lowered  }
0x98: {  	s20 =	simm.s32 $0x1BFF;
	s19 =	sshll.u32 s3, $0x1;
	s0 =	sadd.s32 s17, s16  }
0x99: {  	s4 =	simm.s32 $0x0;
	s18 =	sshll.u32 s2, $0x1;
	s2 =	sadd.s32 s19, s0  }
0x9a: {  	[timem:s4], [sflag:s20] =	dma.local [hbm:s2], s18  }
0x9b: {  	_ =	swait.ge [sflag:s20], s18  }
0x9c: {  	s1 =	ssub.s32 $0x0, s18;
	[sflag:s20] =	ssyncset.done $0x0  }
0x9d: {  	[sflag:s20] =	ssyncadd.s32 s1;
	_ =	sdelay $0x1  }
0x9e: {  	s21 =	simm.s32 $0x1B8B  }
0x9f: {  	_ =	swait.ge [sflag:s21], $0x1  }
0xa0: {  	[sflag:s21] =	ssyncset.done $0x0  }
0xa1: {  	s23 =	simm.s32 $0x1B8E;
	s22 =	sld [smem:$0x3FFE];
	[sflag:s21] =	ssyncadd.s32 $0xFFFFFFFF  }
0xa2: {  	s24 =	simm.s32 $execute0_lowered;
	[smem:$0x3FD2] =	sst s23  }
0xa3: {  	s2 =	sshll.u32 s24, $0x1;
	_ =	strace $0x8000004C;
	[dreg:$0x1] =	wrdreg $0xFFFFFFFF  }
0xa4: {  	s25 =	simm.s32 $_size_execute0_lowered;
	s0 =	sadd.s32 s0, s2;
	[dreg:$0x0] =	wrdreg $0x0  }
0xa5: {  	s2 =	sshll.u32 s25, $0x1;
	[dreg:$0x2] =	wrdreg s0  }
0xa6: {  	[dreg:$0x3] =	wrdreg s2  }
0xa7: {  	[dreg:$0x4] =	wrdreg $0xC0  }
0xa8: {  	_ =	task [dreg:s4], $0x5FFFF  }
0xa9: {  	[dreg:$0x1] =	wrdreg $0xFFFFFFFF  }
0xaa: {  	[dreg:$0x0] =	wrdreg $0x60  }
0xab: {  	[dreg:$0x2] =	wrdreg s22  }
0xac: {  	[dreg:$0x3] =	wrdreg $0x9  }
0xad: {  	_ =	task.clear_ibuf [dreg:s4], $0x4FFFF;
	_ =	strace $0x9000004C  }
0xae: {  	s26 =	simm.s32 $0x9;
	_ =	strace $0x8000004E  }
0xaf: {  	_ =	swait.ge [sflag:s26], $0x1  }
0xb0: {  	[sflag:s26] =	ssyncadd.s32 $0xFFFFFFFF  }
0xb1: {  	_ =	strace $0x9000004E  }
0xb2: {  	_ =	sfence  }
0xb3: {  	s28 =	sld [smem:$0x0];
	_ =	sdelay $0x1  }
0xb4: {  	s29 =	srdreg.scid  }
0xb5: {  	s30 =	sshll.u32 s29, $0xD;
	s31 =	sshrl.u32 s29, $0x2  }
0xb6: {  	s1 =	sand.u32 $0x1, s29;
	s2 =	sand.u32 $0x4000, s30;
	s0 =	sadd.s32 s31, s28  }
0xb7: {  	s1 =	sor.u32 s2, s1;
	s0 =	sshll.u32 s0, $0x11  }
0xb8: {  	s0 =	sor.u32 s0, s1  }
0xb9: {  	s0 =	sadd.s32 $0x8F2B, s0  }
0xba: {  	[sflag:s0] =	ssyncadd.remote.s32 $0x1  }
0xbb: {  	_ =	sfence.sel $0xFFFF  }
0xbc: {  	[dreg:$0x0] =	wrdreg $0xFFFFFFFF;
	(pc) =	sbr.abs _section_cstart, $3  }
0xbd: {  	[dreg:$0x1] =	wrdreg $0xFFFFFFFF  }
0xbe: {  	_ =	task.clear_ibuf [dreg:s4], $0x2FFFF;
	_ =	strace $0x9FFFFFFF  }
0xbf: {  	(tm) =	ssettm $0x7FFFFFFF  }
tec
execute0_lowered:
.L_overlay_start_1:
0x0: {  	(tag) =	ssettag $0x1  }
0x1: {  	s8 =	rddreg [dreg:$0x0]  }
0x2: {  	s0 =	rddreg [dreg:$0x1];
	_ =	strace $0x8000004D  }
0x3: {  	s4 =	simm.s32 $0x1;
	s1 =	stileid.u32;
	s7 =	simm.s32 $0x1  }
0x4: {  	s9 =	simm.s32 $0x1;
	s6 =	simm.s32 $0x2;
	s10 =	simm.s32 $0x3  }
0x5: {  	s13 =	simm.s32 $0x0;
	s12 =	simm.s32 $0x0;
	s2 =	sadd.s32 $0x12800, s8  }
.Ltmp0:
0x6: {  	s3 =	sadd.s32 $0x10400, s8;
	p0 =	slt.u32 s1, $0xA;
	(pc) =	sbr.rel .LBB2_1-.Ltmp0, $4  }
0x7: {  	[sflag:s4] =	ssyncpa.u1 $0x0;
	s7 =	simm.s32 @!p0 $0x0;
	p0 =	sne.s32 s1, $0x9  }
0x8: {  	s5 =	smul.u32 $0xF0, s1;
	[sflag:s6] =	ssyncpa.u1 $0x0;
	s9 =	simm.s32 @!p0 $0x0  }
0x9: {  	s8 =	sadd.s32 $0x10800, s8;
	[sflag:s10] =	ssyncpa.u1 $0x0;
	s7 =	sadd.s32 s9, s7  }
0xa: {  	vm0 =	vmmov $0xffff;
	s10 =	simm.s32 $0x0;
	s11 =	smov.u32 s5;
	s9 =	sadd.s32 $0x1, s7  }
.LBB2_4:
0xb: {  	v2 =	vnsel vm1, $0x0, v2  }
0xc: {  	vm1 =	vgt.s32 v0, $0x0;
	v2 =	vmin.u32 v2, $0x176F  }
0xd: {  	v0 =	vnsel vm1, $0x0, v0  }
0xe: {  	v0 =	vmin.u32 v0, $0x176F  }
0xf: {  	[tilespmem:s18], [sflag:$0x1] =	stream.indirect_vreg.gather [hbm4b:s2+s10], $0x1, v1, vm0, $0x4038;
	[tilespmem:$0x3C0] =	vst v63  }
0x10: {  	(ifvalue) =	ssetifvalue $0x7FFFFFFF  }
0x11: {  	[tilespmem:s15], [sflag:$0x1] =	stream.indirect_vreg.gather [hbm4b:s2+s10], $0x1, v2, vm0, $0x4038;
	[tilespmem:$0x3C0] =	vst v63  }
0x12: {  	s29 =	sadd.s32 $0x10, s15;
	(ifvalue) =	ssetifvalue $0x7FFFFFFF  }
0x13: {  	[tilespmem:s29], [sflag:$0x1] =	stream.indirect_vreg.gather [hbm4b:s2+s10], $0x1, v0, vm0, $0x4038;
	[tilespmem:$0x3C0] =	vst v63  }
0x14: {  	_ =	swait.ge [sflag:s4], $0xF0  }
0x15: {  	s30 =	sshrl.u32 s13, $0x3;
	[sflag:s4] =	ssyncset.done $0x0  }
0x16: {  	s31 =	sand.u32 $0x7, s13;
	s15 =	sadd.s32 s8, s30;
	[sflag:s4] =	ssyncadd.s32 $0xFFFFFF10  }
0x17: {  	[hbm4b:s15+s31] =	stream.linear.scatter [tilespmem:s14], [sflag:$0x3], $0xF0, $0x38;
	[tilespmem:$0x3C0] =	vst v63  }
.LBB2_5:
0x18: {  	s15 =	sadd.s32 $0xF00, s11  }
0x19: {  	p1 =	sgt.s32 s15, $0x176F  }
0x1a: {  	s15 =	smov.u32 @p1 s5;
	p1 =	sne.s32 s12, s9  }
.Ltmp1:
0x1b: {  	p0 =	slt.u32 s12, $0x2;
	(pc) =	sbr.rel @!p1 .LBB2_6-.Ltmp1, $4  }
0x1c: {  	s14 =	simm.s32 @!p0 $0x3  }
0x1d: {  	_ =	swait.ge @!p0 [sflag:s14], $0xF0  }
0x1e: {  	s16 =	sadd.s32 $0x1, s12;
	s13 =	smov.u32 s11;
	[sflag:s14] =	ssyncset.done @!p0 $0x0  }
0x1f: {  	s12 =	smov.u32 s16;
	s11 =	smov.u32 s15;
	[sflag:s14] =	ssyncadd.s32 @!p0 $0xFFFFFF10  }
.LBB2_1:
0x20: {  	p0 =	sge.u32 s12, s7  }
0x21: {  	s14 =	sxor.u32 @!p0 $0x1, s12  }
0x22: {  	s14 =	smul.u32 @!p0 $0x3C0, s14  }
0x23: {  	s31 =	sadd.s32 $0xFFFFFFFF, s12;
	s15 =	sshrl.u32 @!p0 s11, $0x3  }
0x24: {  	s16 =	sand.u32 @!p0 $0x7, s11;
	s15 =	sadd.s32 @!p0 s3, s15;
	s14 =	sshra.s32 @!p0 s14, $0x2  }
0x25: {  	[tilespmem:s14], [sflag:$0x2] =	stream.linear.gather @!p0 [hbm4b:s15+s16], $0xF0, $0x38;
	[tilespmem:$0x3C0] =	vst v63  }
0x26: {  	p0 =	sge.u32 s31, s7  }
.Ltmp2:
0x27: {  	_ = 	snop;
	(pc) =	sbr.rel @p0 .LBB2_5-.Ltmp2, $1  }
0x28: {  	_ =	sdelay $0x3  }
0x29: {  	s14 =	sand.u32 $0x1, s12  }
0x2a: {  	_ =	swait.ge [sflag:s6], $0xF0;
	p0 =	seq.s32 s14, $0x1;
	s14 =	simm.s32 $0xF0  }
0x2b: {  	[sflag:s6] =	ssyncset.done $0x0;
	s14 =	simm.s32 @!p0 $0x0  }
0x2c: {  	[sflag:s6] =	ssyncadd.s32 $0xFFFFFF10;
	(ifvalue) =	ssetifvalue $0x7FFFFFFF;
	v0 =	vld.msk [tilespmem:s14+$0x0 ss:$0x1], $0xffff;
	_ =	sdelay $0x4  }
0x2d: {  	s15 =	sadd.s32 $0x10, s14;
	vm1 =	vgt.s32 v0, $0x0  }
0x2e: {  	v2 =	vld.msk [tilespmem:s15+$0x0 ss:$0x1], $0xffff;
	v1 =	vnsel vm1, $0x0, v0  }
0x2f: {  	v1 =	vmin.u32 v1, $0x176F;
	_ =	sdelay $0x2  }
0x30: {  	s17 =	simm.s32 $0x20;
	s14 =	sadd.s32 $0x1E0, s14;
	s16 =	sadd.s32 $0x10, s15  }
0x31: {  	s15 =	sadd.s32 $0x10, s14;
	s18 =	smov.u32 s14;
	v0 =	vld.msk [tilespmem:s16+$0x0 ss:$0x1], $0xffff;
	vm1 =	vgt.s32 v2, $0x0;
	(ifvalue) =	ssetifvalue $0x7FFFFFFF  }
.LBB2_3:
0x32: {  	[tilespmem:s18], [sflag:$0x1] =	stream.indirect_vreg.gather [hbm4b:s2+s10], $0x1, v1, vm0, $0x4038;
	[tilespmem:$0x3C0] =	vst v63  }
0x33: {  	s17 =	sadd.s32 $0x10, s17  }
0x34: {  	v2 =	vnsel vm1, $0x0, v2;
	p0 =	slt.u32 s17, $0xE0  }
.Ltmp3:
0x35: {  	s18 =	smov.u32 s15;
	v1 =	vmin.u32 v2, $0x176F;
	(pc) =	sbr.rel @p0 .LBB2_3-.Ltmp3, $3  }
0x36: {  	_ =	sdelay $0x1  }
0x37: {  	s16 =	sadd.s32 $0x10, s16  }
0x38: {  	vm1 =	vgt.s32 v0, $0x0;
	s15 =	sadd.s32 $0x10, s15;
	v2 =	vmov v0;
	(ifvalue) =	ssetifvalue $0x7FFFFFFF;
	v0 =	vld.msk [tilespmem:s16+$0x0 ss:$0x1], $0xffff  }
.Ltmp4:
0x39: {  	_ = 	snop;
	(pc) =	sbr.rel .LBB2_4-.Ltmp4, $1  }
0x3a: {  	_ =	sdelay $0x3  }
.LBB2_6:
0x3b: {  	_ =	sfence.sel $0x180000  }
0x3c: {  	s2 =	simm.s32 $0x2;
	[bflag:$0x0] =	sbarrier.arrive $0xFFFF  }
0x3d: {  	s30 =	simm.s32 $0x3;
	[sflag:s2] =	ssyncpa.u1 $0x1  }
0x3e: {  	s31 =	simm.s32 $0x1;
	[sflag:s30] =	ssyncpa.u1 $0x1  }
0x3f: {  	[sflag:s31] =	ssyncpa.u1 $0x1  }
0x40: {  	p0 =	sne.s32 s1, $0x0;
	_ =	strace $0x9000004D  }
0x41: {  	s0 =	sadd.s32 @!p0 $0x100000, s0;
	[bflag:$0x2] =	sbarrier.arrive $0xFFFF  }
0x42: {  	[sflag:s0] =	ssyncadd.tile.s32 @!p0 $0x1;
	_ =	shalt  }
.Lfunc_end2:
_tile_overlayer_lowered:
.L_overlay_start_2:
0x43: {  	(tag) =	ssettag $0x2  }
0x44: {  	s0 =	rddreg [dreg:$0x0];
	s2 =	stileid.u32  }
0x45: {  	s1 =	rddreg [dreg:$0x1];
	p0 =	sne.s32 s2, $0x0  }
0x46: {  	s3 =	rddreg [dreg:$0x2];
	[bflag:$0x3] =	sbarrier.arrive $0xFFFF;
	s2 =	simm.s32 @!p0 $0x1C01  }
0x47: {  	[timem:s3], [sflag:s2] =	dma.local @!p0 [hbm:s0], s1  }
0x48: {  	s0 =	simm.s32 @!p0 $0x1  }
0x49: {  	_ =	swait.ge @!p0 [sflag:s0], s1  }
0x4a: {  	s1 =	ssub.s32 @!p0 $0x0, s1;
	[sflag:s0] =	ssyncset.done @!p0 $0x0  }
0x4b: {  	[sflag:s0] =	ssyncadd.s32 @!p0 s1  }
0x4c: {  	[bflag:$0x3] =	sbarrier.arrive $0xFFFF  }
0x4d: {  	_ =	shalt  }

// kernel: gather_offload_async_start.3
scs
__scs_entry_jumppad:
0x0: {  	(pc) =	sbr.rel $0x88, $3  }
0x1: {  	(tag) =	ssettag $0x0;
	lr =	simm.s32 $0x1  }
0x2: {  	[smem:$0x3F9A] =	sst lr;
	_ =	strace $0xD0000000  }
0x3: {  	_ = 	snop  }
0x4: {  	_ = 	snop  }
0x5: {  	_ = 	snop  }
0x6: {  	_ = 	snop  }
0x7: {  	_ = 	snop  }
__scs_overlays_trampoline_lowered:
0x8: {  	[smem:$0x3FA9] =	sst s0  }
0x9: {  	[smem:$0x3FAA] =	sst s1  }
0xa: {  	[smem:$0x3FAB] =	sst s2  }
0xb: {  	[smem:$0x3FAC] =	sst s3  }
0xc: {  	[smem:$0x3FAD] =	sst s4  }
0xd: {  	[smem:$0x3FAE] =	sst s5  }
0xe: {  	[smem:$0x3FAF] =	sst s6  }
0xf: {  	[smem:$0x3FB0] =	sst s7  }
0x10: {  	[smem:$0x3FB1] =	sst s8  }
0x11: {  	[smem:$0x3FB2] =	sst s9;
	s0 =	simm.s32 @!p0 $0x0  }
0x12: {  	s1 =	sld [smem:$0x3F98];
	s0 =	simm.s32 @p0 $0x1  }
0x13: {  	[smem:$0x3FB3] =	sst s0;
	s0 =	simm.s32 @!p1 $0x0  }
0x14: {  	s2 =	sld [smem:$0x3F97];
	s0 =	simm.s32 @p1 $0x1  }
0x15: {  	[smem:$0x3FB4] =	sst s0;
	s0 =	simm.s32 @!p2 $0x0  }
0x16: {  	s3 =	sld [smem:$0x3FDB];
	s0 =	simm.s32 @p2 $0x1  }
0x17: {  	s4 =	simm.s32 $0x1BF5;
	[smem:$0x3FB6] =	sst s0  }
0x18: {  	s0 =	sld [smem:$0x3F99];
	_ =	swait.ge [sflag:s4], $0x0  }
0x19: {  	s7 =	sld [smem:$0x3F9A]  }
0x1a: {  	s8 =	sadd.s32 $0xFFFFE003, lr  }
0x1b: {  	s9 =	sadd.s32 $0xFFFFFEF7, lr;
	s5 =	simm.s32 $0xFFFFFFFF;
	p2 =	slt.u32 s8, $0xFFFFF086  }
0x1c: {  	p1 =	slt.u32 s9, $0xF7A;
	s5 =	simm.s32 @!p2 $0x0  }
0x1d: {  	s5 =	simm.s32 @p1 $0x1;
	p0 =	seq.s32 s7, s2  }
0x1e: {  	s7 =	smul.u32 @!p0 $0xF7A, s2;
	p2 =	seq.s32 @!p0 s5, $0x0  }
0x1f: {  	s9 =	smul.u32 $0xF7A, s1;
	s8 =	simm.s32 @!p0 $0x1BF5;
	p2 =	por !p2, p0  }
0x20: {  	[sflag:s8] =	ssyncset.s32 @!p0 $0xFFFFF086;
	s6 =	sadd.s32 @!p0 s3, s7;
	s7 =	simm.s32 @!p0 $0x108  }
0x21: {  	s3 =	sadd.s32 s3, s9;
	s6 =	sadd.s32 @!p0 $0x88, s6;
	s7 =	simm.s32 @p2 $0x1082  }
0x22: {  	[simem:s7], [sflag:s8] =	dma.local @!p0 [hbm:s6], $0xF7A  }
0x23: {  	s9 =	sor.u32 $0xD0000000, s2;
	s6 =	simm.s32 $0x108;
	_ =	swait.ge @!p0 [sflag:s8], $0x0  }
0x24: {  	s3 =	sadd.s32 $0x88, s3;
	s6 =	simm.s32 @!p1 $0x1082;
	[sflag:s4] =	ssyncset.s32 $0xFFFFF086  }
0x25: {  	[simem:s6], [sflag:s4] =	dma.local [hbm:s3], $0xF7A  }
0x26: {  	[smem:$0x3F9A] =	sst s1;
	(tag) =	ssettag s2;
	_ =	strace s9  }
0x27: {  	s1 =	sld [smem:$0x3FAA]  }
0x28: {  	s2 =	sld [smem:$0x3FAB]  }
0x29: {  	s4 =	sld [smem:$0x3FAD]  }
0x2a: {  	p0 =	seq.s32 s5, $0x0;
	s5 =	sld [smem:$0x3FAE]  }
0x2b: {  	s6 =	sld [smem:$0x3FAF]  }
0x2c: {  	s7 =	sld [smem:$0x3FB0]  }
0x2d: {  	s3 =	simm.s32 $0x108;
	s8 =	sld [smem:$0x3FB1]  }
0x2e: {  	s3 =	simm.s32 @!p0 $0x1082;
	s9 =	sld [smem:$0x3FB2]  }
0x2f: {  	lr =	sadd.s32 s0, s3;
	s0 =	sld [smem:$0x3FA9]  }
0x30: {  	s3 =	sld [smem:$0x3FAC]  }
0x31: {  	[smem:$0x3FB5] =	sst s10  }
0x32: {  	s10 =	sld [smem:$0x3FB3];
	_ =	sdelay $0x3  }
0x33: {  	p0 =	seq.s32 s10, $0x1;
	s10 =	sld [smem:$0x3FB5];
	_ =	sdelay $0x3  }
0x34: {  	[smem:$0x3FB5] =	sst s10  }
0x35: {  	s10 =	sld [smem:$0x3FB4];
	_ =	sdelay $0x3  }
0x36: {  	p1 =	seq.s32 s10, $0x1;
	s10 =	sld [smem:$0x3FB5];
	_ =	sdelay $0x3  }
0x37: {  	[smem:$0x3FB5] =	sst s10  }
0x38: {  	s10 =	sld [smem:$0x3FB6]  }
0x39: {  	_ = 	snop;
	(pc) =	sbr.ind lr, $3  }
0x3a: {  	_ = 	snop  }
0x3b: {  	_ = 	snop  }
0x3c: {  	p2 =	seq.s32 s10, $0x1;
	s10 =	sld [smem:$0x3FB5]  }
0x3d: {  	_ =	shalt  }
0x3e: {  	_ =	shalt  }
0x3f: {  	_ =	shalt  }
0x40: {  	_ =	shalt  }
0x41: {  	_ =	shalt  }
0x42: {  	_ =	shalt  }
0x43: {  	_ =	shalt  }
0x44: {  	_ =	shalt  }
0x45: {  	_ =	shalt  }
0x46: {  	_ =	shalt  }
0x47: {  	_ =	shalt  }
0x48: {  	_ =	shalt  }
0x49: {  	_ =	shalt  }
0x4a: {  	_ =	shalt  }
0x4b: {  	_ =	shalt  }
0x4c: {  	_ =	shalt  }
0x4d: {  	_ =	shalt  }
0x4e: {  	_ =	shalt  }
0x4f: {  	_ =	shalt  }
0x50: {  	_ =	shalt  }
0x51: {  	_ =	shalt  }
0x52: {  	_ =	shalt  }
0x53: {  	_ =	shalt  }
0x54: {  	_ =	shalt  }
0x55: {  	_ =	shalt  }
0x56: {  	_ =	shalt  }
0x57: {  	_ =	shalt  }
0x58: {  	_ =	shalt  }
0x59: {  	_ =	shalt  }
0x5a: {  	_ =	shalt  }
0x5b: {  	_ =	shalt  }
0x5c: {  	_ =	shalt  }
0x5d: {  	_ =	shalt  }
0x5e: {  	_ =	shalt  }
0x5f: {  	_ =	shalt  }
0x60: {  	_ =	shalt  }
0x61: {  	_ =	shalt  }
0x62: {  	_ =	shalt  }
0x63: {  	_ =	shalt  }
0x64: {  	_ =	shalt  }
0x65: {  	_ =	shalt  }
0x66: {  	_ =	shalt  }
0x67: {  	_ =	shalt  }
0x68: {  	_ =	shalt  }
0x69: {  	_ =	shalt  }
0x6a: {  	_ =	shalt  }
0x6b: {  	_ =	shalt  }
0x6c: {  	_ =	shalt  }
0x6d: {  	_ =	shalt  }
0x6e: {  	_ =	shalt  }
0x6f: {  	_ =	shalt  }
0x70: {  	_ =	shalt  }
0x71: {  	_ =	shalt  }
0x72: {  	_ =	shalt  }
0x73: {  	_ =	shalt  }
0x74: {  	_ =	shalt  }
0x75: {  	_ =	shalt  }
0x76: {  	_ =	shalt  }
0x77: {  	_ =	shalt  }
0x78: {  	_ =	shalt  }
0x79: {  	_ =	shalt  }
0x7a: {  	_ =	shalt  }
0x7b: {  	_ =	shalt  }
0x7c: {  	_ =	shalt  }
0x7d: {  	_ =	shalt  }
0x7e: {  	_ =	shalt  }
0x7f: {  	_ =	shalt  }
0x80: {  	_ =	shalt  }
0x81: {  	_ =	shalt  }
0x82: {  	_ =	shalt  }
0x83: {  	_ =	shalt  }
0x84: {  	_ =	shalt  }
0x85: {  	_ =	shalt  }
0x86: {  	_ =	shalt  }
0x87: {  	_ =	shalt  }
.Lfunc_end0:
.L_simem_size_0:
called_computation.3_lowered:
.L_overlay_start_0:
0x88: {  	s2 =	sld [smem:$0x3FD9]  }
0x89: {  	s3 =	sld [smem:$0x3FFE];
	_ =	sdelay $0x1  }
0x8a: {  	s1 =	srdreg.scid  }
0x8b: {  	s0 =	sand.u32 $0x1, s1  }
0x8c: {  	s16 =	sshll.u32 s0, $0xA;
	s2 =	sadd.s32 s3, s2  }
0x8d: {  	s2 =	sadd.s32 s2, s16  }
0x8e: {  	[smem:$0x3FC1] =	sst s2  }
0x8f: {  	_ = 	snop  }
0x90: {  	(tm) =	ssettm $0x1  }
0x91: {  	s17 =	sld [smem:$0x3FFB];
	_ =	sdelay $0x3  }
0x92: {  	_ =	strace s17  }
0x93: {  	s2 =	sld [smem:$0x3FFC];
	_ =	sdelay $0x3  }
0x94: {  	_ =	strace s2  }
0x95: {  	s2 =	sld [smem:$0x3FFD];
	_ =	sdelay $0x3  }
0x96: {  	_ =	strace s2  }
0x97: {  	_ =	strace $0x8FFFFFFF  }
0x98: {  	s18 =	sld [smem:$0x3FDB];
	_ =	sdelay $0x1  }
0x99: {  	s19 =	simm.s32 $_scs_section_size  }
0x9a: {  	s4 =	simm.s32 $_size__tile_overlayer_lowered;
	s5 =	simm.s32 $_tile_overlayer_lowered  }
0x9b: {  	s22 =	simm.s32 $0x1BFF;
	s21 =	sshll.u32 s5, $0x1;
	s2 =	sadd.s32 s19, s18  }
0x9c: {  	s6 =	simm.s32 $0x0;
	s20 =	sshll.u32 s4, $0x1;
	s4 =	sadd.s32 s21, s2  }
0x9d: {  	[timem:s6], [sflag:s22] =	dma.local [hbm:s4], s20  }
0x9e: {  	_ =	swait.ge [sflag:s22], s20  }
0x9f: {  	s3 =	ssub.s32 $0x0, s20;
	[sflag:s22] =	ssyncset.done $0x0  }
0xa0: {  	[sflag:s22] =	ssyncadd.s32 s3;
	_ =	sdelay $0x1  }
0xa1: {  	s23 =	simm.s32 $0x1B8B  }
0xa2: {  	_ =	swait.ge [sflag:s23], $0x1  }
0xa3: {  	[sflag:s23] =	ssyncset.done $0x0  }
0xa4: {  	s25 =	simm.s32 $0x1B8E;
	s24 =	sld [smem:$0x3FFE];
	[sflag:s23] =	ssyncadd.s32 $0xFFFFFFFF  }
0xa5: {  	s26 =	simm.s32 $execute0_lowered;
	[smem:$0x3FD2] =	sst s25  }
0xa6: {  	s4 =	sshll.u32 s26, $0x1;
	_ =	strace $0x80000052;
	[dreg:$0x1] =	wrdreg $0xFFFFFFFF  }
0xa7: {  	s28 =	simm.s32 $_size_execute0_lowered;
	s2 =	sadd.s32 s2, s4;
	[dreg:$0x0] =	wrdreg $0x0  }
0xa8: {  	s4 =	sshll.u32 s28, $0x1;
	[dreg:$0x2] =	wrdreg s2  }
0xa9: {  	[dreg:$0x3] =	wrdreg s4  }
0xaa: {  	[dreg:$0x4] =	wrdreg $0xC0  }
0xab: {  	_ =	task [dreg:s6], $0x5FFFF  }
0xac: {  	[dreg:$0x1] =	wrdreg $0xFFFFFFFF  }
0xad: {  	[dreg:$0x0] =	wrdreg $0x60  }
0xae: {  	[dreg:$0x2] =	wrdreg s24  }
0xaf: {  	[dreg:$0x3] =	wrdreg $0x9  }
0xb0: {  	_ =	task.clear_ibuf [dreg:s6], $0x4FFFF;
	_ =	strace $0x90000052  }
0xb1: {  	s29 =	simm.s32 $0x9;
	_ =	strace $0x80000054  }
0xb2: {  	_ =	swait.ge [sflag:s29], $0x1  }
0xb3: {  	[sflag:s29] =	ssyncadd.s32 $0xFFFFFFFF  }
0xb4: {  	_ =	strace $0x90000054  }
0xb5: {  	_ =	sfence  }
0xb6: {  	s30 =	sld [smem:$0x0];
	_ =	sdelay $0x2  }
0xb7: {  	s31 =	sshll.u32 s1, $0xD;
	s1 =	sshrl.u32 s1, $0x2  }
0xb8: {  	s3 =	sand.u32 $0x4000, s31;
	s1 =	sadd.s32 s1, s30  }
0xb9: {  	s0 =	sor.u32 s3, s0;
	s1 =	sshll.u32 s1, $0x11  }
0xba: {  	s0 =	sor.u32 s1, s0  }
0xbb: {  	s0 =	sadd.s32 $0x8F2B, s0  }
0xbc: {  	[sflag:s0] =	ssyncadd.remote.s32 $0x1  }
0xbd: {  	_ =	sfence.sel $0xFFFF  }
0xbe: {  	[dreg:$0x0] =	wrdreg $0xFFFFFFFF;
	(pc) =	sbr.abs _section_cstart, $3  }
0xbf: {  	[dreg:$0x1] =	wrdreg $0xFFFFFFFF  }
0xc0: {  	_ =	task.clear_ibuf [dreg:s6], $0x2FFFF;
	_ =	strace $0x9FFFFFFF  }
0xc1: {  	(tm) =	ssettm $0x7FFFFFFF  }
tec
execute0_lowered:
.L_overlay_start_1:
0x0: {  	(tag) =	ssettag $0x1  }
0x1: {  	s0 =	srdreg.scid;
	s5 =	rddreg [dreg:$0x0]  }
0x2: {  	s1 =	stileid.u32;
	s6 =	simm.s32 $0x1;
	s9 =	simm.s32 $0x1  }
0x3: {  	s10 =	simm.s32 $0x3;
	s13 =	simm.s32 $0x0;
	s2 =	sshll.u32 s0, $0x7  }
0x4: {  	s12 =	simm.s32 $0x0;
	s3 =	sshll.u32 s1, $0x8;
	s2 =	sand.u32 $0x80, s2  }
0x5: {  	s0 =	rddreg [dreg:$0x1];
	_ =	strace $0x80000053;
	s2 =	sor.u32 s3, s2  }
0x6: {  	s4 =	sadd.s32 $0x10400, s5;
	[sflag:s6] =	ssyncpa.u1 $0x0;
	s8 =	ssub.s32 $0x1800, s2  }
.Ltmp0:
0x7: {  	s3 =	sadd.s32 $0x12C00, s5;
	s7 =	sand.u32 $0xF80, s8;
	(pc) =	sbr.rel .LBB2_1-.Ltmp0, $4  }
0x8: {  	s5 =	sadd.s32 $0x11400, s5;
	s11 =	smov.u32 s2;
	p0 =	sne.s32 s7, $0x0  }
0x9: {  	s8 =	sshrl.u32 s8, $0xC;
	s7 =	simm.s32 $0x2;
	s9 =	simm.s32 @!p0 $0x0  }
0xa: {  	[sflag:s7] =	ssyncpa.u1 $0x0;
	p0 =	por $0x0, $0x0;
	s8 =	sadd.s32 s9, s8  }
0xb: {  	vm0 =	vmmov $0xffff;
	[sflag:s10] =	ssyncpa.u1 $0x0;
	s10 =	simm.s32 $0x0;
	s9 =	sadd.s32 $0x1, s8  }
.LBB2_4:
0xc: {  	v5 =	vshrl.u32 v1, $0xD;
	v6 =	vshll.u32 v1, $0x7  }
0xd: {  	vm1 =	veq.s32 v1, $0x80000000;
	v58 =	vand.u32 $0x7F, v5;
	v59 =	vand.u32 $0xFFF80, v6  }
0xe: {  	v1 =	vsel vm1, $0xFFFFFFFF, v58;
	v5 =	vsel vm1, $0xFFFFFF80, v59  }
0xf: {  	v3 =	vor.u32 v4, v3;
	v60 =	vand.u32 $0xFFFFFC00, v5;
	v61 =	vand.u32 $0xFFFFFC00, v1  }
0x10: {  	v2 =	vor.u32 v2, v3;
	v63 =	vand.u32 $0x380, v5;
	v62 =	vadd.s32 v61, v60  }
0x11: {  	v1 =	vand.u32 $0x7F, v1;
	v3 =	vor.u32 v63, v62  }
0x12: {  	v1 =	vor.u32 v1, v3  }
0x13: {  	[tilespmem:s15], [sflag:$0x1] =	stream.indirect_vreg.gather [hbm4b:s3+s10], $0x1, v0, vm0, $0x4038;
	[tilespmem:$0x200] =	vst v63  }
0x14: {  	(ifvalue) =	ssetifvalue $0x7FFFFFFF  }
0x15: {  	[tilespmem:s16], [sflag:$0x1] =	stream.indirect_vreg.gather [hbm4b:s3+s10], $0x1, v2, vm0, $0x4038;
	[tilespmem:$0x200] =	vst v63  }
0x16: {  	s29 =	sadd.s32 $0x10, s16;
	(ifvalue) =	ssetifvalue $0x7FFFFFFF  }
0x17: {  	[tilespmem:s29], [sflag:$0x1] =	stream.indirect_vreg.gather [hbm4b:s3+s10], $0x1, v1, vm0, $0x4038;
	[tilespmem:$0x200] =	vst v63  }
0x18: {  	_ =	swait.ge [sflag:s6], $0x80  }
0x19: {  	s30 =	sshrl.u32 s13, $0x3;
	[sflag:s6] =	ssyncset.done $0x0  }
0x1a: {  	s31 =	sand.u32 $0x7, s13;
	s15 =	sadd.s32 s5, s30;
	[sflag:s6] =	ssyncadd.s32 $0xFFFFFF80  }
0x1b: {  	[hbm4b:s15+s31] =	stream.linear.scatter [tilespmem:s14], [sflag:$0x3], $0x80, $0x38;
	[tilespmem:$0x200] =	vst v63  }
.LBB2_5:
0x1c: {  	s15 =	sadd.s32 $0x1000, s11  }
0x1d: {  	p2 =	sgt.s32 s15, $0x17FF  }
0x1e: {  	s15 =	smov.u32 @p2 s2;
	p2 =	sne.s32 s12, s9  }
.Ltmp1:
0x1f: {  	p1 =	slt.u32 s12, $0x2;
	(pc) =	sbr.rel @!p2 .LBB2_6-.Ltmp1, $4  }
0x20: {  	s14 =	simm.s32 @!p1 $0x3  }
0x21: {  	s16 =	sadd.s32 $0x1, s12;
	_ =	swait.ge @!p1 [sflag:s14], $0x80  }
0x22: {  	s13 =	smov.u32 s11;
	p0 =	por !p0, !p0;
	[sflag:s14] =	ssyncset.done @!p1 $0x0  }
0x23: {  	s12 =	smov.u32 s16;
	s11 =	smov.u32 s15;
	[sflag:s14] =	ssyncadd.s32 @!p1 $0xFFFFFF80  }
.LBB2_1:
0x24: {  	p1 =	sge.u32 s12, s8  }
0x25: {  	s14 =	sxor.u32 @!p1 $0xFFFFFFFF, s12  }
0x26: {  	s31 =	sadd.s32 $0xFFFFFFFF, s12;
	s15 =	sshrl.u32 @!p1 s11, $0x3;
	s14 =	sshll.u32 @!p1 s14, $0x7  }
0x27: {  	s16 =	sand.u32 @!p1 $0x7, s11;
	s15 =	sadd.s32 @!p1 s4, s15;
	s14 =	sand.u32 @!p1 $0x80, s14  }
0x28: {  	[tilespmem:s14], [sflag:$0x2] =	stream.linear.gather @!p1 [hbm4b:s15+s16], $0x80, $0x38;
	[tilespmem:$0x200] =	vst v63  }
0x29: {  	p1 =	sge.u32 s31, s8  }
.Ltmp2:
0x2a: {  	_ = 	snop;
	(pc) =	sbr.rel @p1 .LBB2_5-.Ltmp2, $1  }
0x2b: {  	_ =	sdelay $0x3  }
0x2c: {  	s14 =	simm.s32 $0x1  }
0x2d: {  	_ =	swait.ge [sflag:s7], $0x80;
	s14 =	simm.s32 @!p0 $0x0  }
0x2e: {  	[sflag:s7] =	ssyncset.done $0x0;
	s14 =	sshll.u32 s14, $0x7  }
0x2f: {  	[sflag:s7] =	ssyncadd.s32 $0xFFFFFF80;
	(ifvalue) =	ssetifvalue $0x7FFFFFFF;
	v0 =	vld.msk [tilespmem:s14+$0x0 ss:$0x1], $0xffff;
	_ =	sdelay $0x4  }
0x30: {  	s15 =	sadd.s32 $0x10, s14;
	v2 =	vshrl.u32 v0, $0xD;
	v3 =	vshll.u32 v0, $0x7  }
0x31: {  	v1 =	vld.msk [tilespmem:s15+$0x0 ss:$0x1], $0xffff;
	vm1 =	veq.s32 v0, $0x80000000;
	v0 =	vand.u32 $0x7F, v2;
	v2 =	vand.u32 $0xFFF80, v3  }
0x32: {  	v0 =	vsel vm1, $0xFFFFFFFF, v0;
	v2 =	vsel vm1, $0xFFFFFF80, v2  }
0x33: {  	v3 =	vand.u32 $0xFFFFFC00, v2;
	v4 =	vand.u32 $0xFFFFFC00, v0  }
0x34: {  	v2 =	vand.u32 $0x380, v2;
	v3 =	vadd.s32 v4, v3  }
0x35: {  	v0 =	vand.u32 $0x7F, v0;
	v2 =	vor.u32 v2, v3  }
0x36: {  	v5 =	vshll.u32 v1, $0x7;
	v4 =	vshrl.u32 v1, $0xD;
	v0 =	vor.u32 v0, v2  }
0x37: {  	s16 =	sshll.u32 s12, $0x7;
	vm1 =	veq.s32 v1, $0x80000000;
	v1 =	vand.u32 $0x7F, v4;
	v4 =	vand.u32 $0xFFF80, v5  }
0x38: {  	s16 =	sand.u32 $0x80, s16;
	s18 =	sadd.s32 $0x10, s15;
	v3 =	vsel vm1, $0xFFFFFFFF, v1;
	v4 =	vsel vm1, $0xFFFFFF80, v4  }
0x39: {  	s17 =	simm.s32 $0x20;
	s15 =	sor.u32 $0x100, s14;
	s14 =	sor.u32 $0x100, s16;
	v1 =	vld.msk [tilespmem:s18+$0x0 ss:$0x1], $0xffff;
	v5 =	vand.u32 $0xFFFFFC00, v4;
	v6 =	vand.u32 $0xFFFFFC00, v3  }
0x3a: {  	s16 =	sadd.s32 $0x10, s15;
	s18 =	sadd.s32 $0x10, s18;
	(ifvalue) =	ssetifvalue $0x7FFFFFFF;
	v2 =	vand.u32 $0x7F, v3;
	v4 =	vand.u32 $0x380, v4;
	v3 =	vadd.s32 v6, v5  }
.LBB2_3:
0x3b: {  	[tilespmem:s15], [sflag:$0x1] =	stream.indirect_vreg.gather [hbm4b:s3+s10], $0x1, v0, vm0, $0x4038;
	[tilespmem:$0x200] =	vst v63  }
0x3c: {  	s17 =	sadd.s32 $0x10, s17  }
0x3d: {  	v3 =	vor.u32 v4, v3;
	p1 =	slt.u32 s17, $0x70  }
.Ltmp3:
0x3e: {  	v4 =	vshrl.u32 v1, $0xD;
	v5 =	vshll.u32 v1, $0x7;
	s15 =	smov.u32 s16;
	v0 =	vor.u32 v2, v3;
	v2 =	vmovc v1;
	v1 =	vld.msk [tilespmem:s18+$0x0 ss:$0x1], $0xffff;
	(pc) =	sbr.rel @p1 .LBB2_3-.Ltmp3, $4  }
0x3f: {  	v3 =	vand.u32 $0xFFF80, v5;
	vm1 =	veq.s32 v2, $0x80000000;
	v2 =	vand.u32 $0x7F, v4  }
0x40: {  	v4 =	vsel vm1, $0xFFFFFFFF, v2;
	v5 =	vsel vm1, $0xFFFFFF80, v3  }
0x41: {  	v2 =	vand.u32 $0x7F, v4;
	v3 =	vand.u32 $0xFFFFFC00, v5;
	v4 =	vand.u32 $0xFFFFFC00, v4  }
0x42: {  	s16 =	sadd.s32 $0x10, s16;
	s18 =	sadd.s32 $0x10, s18;
	v3 =	vadd.s32 v4, v3;
	v4 =	vand.u32 $0x380, v5;
	(ifvalue) =	ssetifvalue $0x7FFFFFFF  }
.Ltmp4:
0x43: {  	_ = 	snop;
	(pc) =	sbr.rel .LBB2_4-.Ltmp4, $1  }
0x44: {  	_ =	sdelay $0x3  }
.LBB2_6:
0x45: {  	_ =	sfence.sel $0x180000  }
0x46: {  	s2 =	simm.s32 $0x2;
	[bflag:$0x0] =	sbarrier.arrive $0xFFFF  }
0x47: {  	s30 =	simm.s32 $0x3;
	[sflag:s2] =	ssyncpa.u1 $0x1  }
0x48: {  	s31 =	simm.s32 $0x1;
	[sflag:s30] =	ssyncpa.u1 $0x1  }
0x49: {  	[sflag:s31] =	ssyncpa.u1 $0x1  }
0x4a: {  	p0 =	sne.s32 s1, $0x0;
	_ =	strace $0x90000053  }
0x4b: {  	s0 =	sadd.s32 @!p0 $0x100000, s0;
	[bflag:$0x2] =	sbarrier.arrive $0xFFFF  }
0x4c: {  	[sflag:s0] =	ssyncadd.tile.s32 @!p0 $0x1;
	_ =	shalt  }
.Lfunc_end2:
_tile_overlayer_lowered:
.L_overlay_start_2:
0x4d: {  	(tag) =	ssettag $0x2  }
0x4e: {  	s0 =	rddreg [dreg:$0x0];
	s2 =	stileid.u32  }
0x4f: {  	s1 =	rddreg [dreg:$0x1];
	p0 =	sne.s32 s2, $0x0  }
0x50: {  	s3 =	rddreg [dreg:$0x2];
	[bflag:$0x3] =	sbarrier.arrive $0xFFFF;
	s2 =	simm.s32 @!p0 $0x1C01  }
0x51: {  	[timem:s3], [sflag:s2] =	dma.local @!p0 [hbm:s0], s1  }
0x52: {  	s0 =	simm.s32 @!p0 $0x1  }
0x53: {  	_ =	swait.ge @!p0 [sflag:s0], s1  }
0x54: {  	s1 =	ssub.s32 @!p0 $0x0, s1;
	[sflag:s0] =	ssyncset.done @!p0 $0x0  }
0x55: {  	[sflag:s0] =	ssyncadd.s32 @!p0 s1  }
0x56: {  	[bflag:$0x3] =	sbarrier.arrive $0xFFFF  }
0x57: {  	_ =	shalt  }

// kernel: gather_offload_async_start.4
scs
__scs_entry_jumppad:
0x0: {  	(pc) =	sbr.rel $0x88, $3  }
0x1: {  	(tag) =	ssettag $0x0;
	lr =	simm.s32 $0x1  }
0x2: {  	[smem:$0x3F9A] =	sst lr;
	_ =	strace $0xD0000000  }
0x3: {  	_ = 	snop  }
0x4: {  	_ = 	snop  }
0x5: {  	_ = 	snop  }
0x6: {  	_ = 	snop  }
0x7: {  	_ = 	snop  }
__scs_overlays_trampoline_lowered:
0x8: {  	[smem:$0x3FA9] =	sst s0  }
0x9: {  	[smem:$0x3FAA] =	sst s1  }
0xa: {  	[smem:$0x3FAB] =	sst s2  }
0xb: {  	[smem:$0x3FAC] =	sst s3  }
0xc: {  	[smem:$0x3FAD] =	sst s4  }
0xd: {  	[smem:$0x3FAE] =	sst s5  }
0xe: {  	[smem:$0x3FAF] =	sst s6  }
0xf: {  	[smem:$0x3FB0] =	sst s7  }
0x10: {  	[smem:$0x3FB1] =	sst s8  }
0x11: {  	[smem:$0x3FB2] =	sst s9;
	s0 =	simm.s32 @!p0 $0x0  }
0x12: {  	s1 =	sld [smem:$0x3F98];
	s0 =	simm.s32 @p0 $0x1  }
0x13: {  	[smem:$0x3FB3] =	sst s0;
	s0 =	simm.s32 @!p1 $0x0  }
0x14: {  	s2 =	sld [smem:$0x3F97];
	s0 =	simm.s32 @p1 $0x1  }
0x15: {  	[smem:$0x3FB4] =	sst s0;
	s0 =	simm.s32 @!p2 $0x0  }
0x16: {  	s3 =	sld [smem:$0x3FDB];
	s0 =	simm.s32 @p2 $0x1  }
0x17: {  	s4 =	simm.s32 $0x1BF5;
	[smem:$0x3FB6] =	sst s0  }
0x18: {  	s0 =	sld [smem:$0x3F99];
	_ =	swait.ge [sflag:s4], $0x0  }
0x19: {  	s7 =	sld [smem:$0x3F9A]  }
0x1a: {  	s8 =	sadd.s32 $0xFFFFE003, lr  }
0x1b: {  	s9 =	sadd.s32 $0xFFFFFEF7, lr;
	s5 =	simm.s32 $0xFFFFFFFF;
	p2 =	slt.u32 s8, $0xFFFFF086  }
0x1c: {  	p1 =	slt.u32 s9, $0xF7A;
	s5 =	simm.s32 @!p2 $0x0  }
0x1d: {  	s5 =	simm.s32 @p1 $0x1;
	p0 =	seq.s32 s7, s2  }
0x1e: {  	s7 =	smul.u32 @!p0 $0xF7A, s2;
	p2 =	seq.s32 @!p0 s5, $0x0  }
0x1f: {  	s9 =	smul.u32 $0xF7A, s1;
	s8 =	simm.s32 @!p0 $0x1BF5;
	p2 =	por !p2, p0  }
0x20: {  	[sflag:s8] =	ssyncset.s32 @!p0 $0xFFFFF086;
	s6 =	sadd.s32 @!p0 s3, s7;
	s7 =	simm.s32 @!p0 $0x108  }
0x21: {  	s3 =	sadd.s32 s3, s9;
	s6 =	sadd.s32 @!p0 $0x88, s6;
	s7 =	simm.s32 @p2 $0x1082  }
0x22: {  	[simem:s7], [sflag:s8] =	dma.local @!p0 [hbm:s6], $0xF7A  }
0x23: {  	s9 =	sor.u32 $0xD0000000, s2;
	s6 =	simm.s32 $0x108;
	_ =	swait.ge @!p0 [sflag:s8], $0x0  }
0x24: {  	s3 =	sadd.s32 $0x88, s3;
	s6 =	simm.s32 @!p1 $0x1082;
	[sflag:s4] =	ssyncset.s32 $0xFFFFF086  }
0x25: {  	[simem:s6], [sflag:s4] =	dma.local [hbm:s3], $0xF7A  }
0x26: {  	[smem:$0x3F9A] =	sst s1;
	(tag) =	ssettag s2;
	_ =	strace s9  }
0x27: {  	s1 =	sld [smem:$0x3FAA]  }
0x28: {  	s2 =	sld [smem:$0x3FAB]  }
0x29: {  	s4 =	sld [smem:$0x3FAD]  }
0x2a: {  	p0 =	seq.s32 s5, $0x0;
	s5 =	sld [smem:$0x3FAE]  }
0x2b: {  	s6 =	sld [smem:$0x3FAF]  }
0x2c: {  	s7 =	sld [smem:$0x3FB0]  }
0x2d: {  	s3 =	simm.s32 $0x108;
	s8 =	sld [smem:$0x3FB1]  }
0x2e: {  	s3 =	simm.s32 @!p0 $0x1082;
	s9 =	sld [smem:$0x3FB2]  }
0x2f: {  	lr =	sadd.s32 s0, s3;
	s0 =	sld [smem:$0x3FA9]  }
0x30: {  	s3 =	sld [smem:$0x3FAC]  }
0x31: {  	[smem:$0x3FB5] =	sst s10  }
0x32: {  	s10 =	sld [smem:$0x3FB3];
	_ =	sdelay $0x3  }
0x33: {  	p0 =	seq.s32 s10, $0x1;
	s10 =	sld [smem:$0x3FB5];
	_ =	sdelay $0x3  }
0x34: {  	[smem:$0x3FB5] =	sst s10  }
0x35: {  	s10 =	sld [smem:$0x3FB4];
	_ =	sdelay $0x3  }
0x36: {  	p1 =	seq.s32 s10, $0x1;
	s10 =	sld [smem:$0x3FB5];
	_ =	sdelay $0x3  }
0x37: {  	[smem:$0x3FB5] =	sst s10  }
0x38: {  	s10 =	sld [smem:$0x3FB6]  }
0x39: {  	_ = 	snop;
	(pc) =	sbr.ind lr, $3  }
0x3a: {  	_ = 	snop  }
0x3b: {  	_ = 	snop  }
0x3c: {  	p2 =	seq.s32 s10, $0x1;
	s10 =	sld [smem:$0x3FB5]  }
0x3d: {  	_ =	shalt  }
0x3e: {  	_ =	shalt  }
0x3f: {  	_ =	shalt  }
0x40: {  	_ =	shalt  }
0x41: {  	_ =	shalt  }
0x42: {  	_ =	shalt  }
0x43: {  	_ =	shalt  }
0x44: {  	_ =	shalt  }
0x45: {  	_ =	shalt  }
0x46: {  	_ =	shalt  }
0x47: {  	_ =	shalt  }
0x48: {  	_ =	shalt  }
0x49: {  	_ =	shalt  }
0x4a: {  	_ =	shalt  }
0x4b: {  	_ =	shalt  }
0x4c: {  	_ =	shalt  }
0x4d: {  	_ =	shalt  }
0x4e: {  	_ =	shalt  }
0x4f: {  	_ =	shalt  }
0x50: {  	_ =	shalt  }
0x51: {  	_ =	shalt  }
0x52: {  	_ =	shalt  }
0x53: {  	_ =	shalt  }
0x54: {  	_ =	shalt  }
0x55: {  	_ =	shalt  }
0x56: {  	_ =	shalt  }
0x57: {  	_ =	shalt  }
0x58: {  	_ =	shalt  }
0x59: {  	_ =	shalt  }
0x5a: {  	_ =	shalt  }
0x5b: {  	_ =	shalt  }
0x5c: {  	_ =	shalt  }
0x5d: {  	_ =	shalt  }
0x5e: {  	_ =	shalt  }
0x5f: {  	_ =	shalt  }
0x60: {  	_ =	shalt  }
0x61: {  	_ =	shalt  }
0x62: {  	_ =	shalt  }
0x63: {  	_ =	shalt  }
0x64: {  	_ =	shalt  }
0x65: {  	_ =	shalt  }
0x66: {  	_ =	shalt  }
0x67: {  	_ =	shalt  }
0x68: {  	_ =	shalt  }
0x69: {  	_ =	shalt  }
0x6a: {  	_ =	shalt  }
0x6b: {  	_ =	shalt  }
0x6c: {  	_ =	shalt  }
0x6d: {  	_ =	shalt  }
0x6e: {  	_ =	shalt  }
0x6f: {  	_ =	shalt  }
0x70: {  	_ =	shalt  }
0x71: {  	_ =	shalt  }
0x72: {  	_ =	shalt  }
0x73: {  	_ =	shalt  }
0x74: {  	_ =	shalt  }
0x75: {  	_ =	shalt  }
0x76: {  	_ =	shalt  }
0x77: {  	_ =	shalt  }
0x78: {  	_ =	shalt  }
0x79: {  	_ =	shalt  }
0x7a: {  	_ =	shalt  }
0x7b: {  	_ =	shalt  }
0x7c: {  	_ =	shalt  }
0x7d: {  	_ =	shalt  }
0x7e: {  	_ =	shalt  }
0x7f: {  	_ =	shalt  }
0x80: {  	_ =	shalt  }
0x81: {  	_ =	shalt  }
0x82: {  	_ =	shalt  }
0x83: {  	_ =	shalt  }
0x84: {  	_ =	shalt  }
0x85: {  	_ =	shalt  }
0x86: {  	_ =	shalt  }
0x87: {  	_ =	shalt  }
.Lfunc_end0:
.L_simem_size_0:
called_computation.4_lowered:
.L_overlay_start_0:
0x88: {  	s2 =	sld [smem:$0x3FD9]  }
0x89: {  	s3 =	sld [smem:$0x3FFE];
	_ =	sdelay $0x1  }
0x8a: {  	s1 =	srdreg.scid  }
0x8b: {  	s0 =	sand.u32 $0x1, s1  }
0x8c: {  	s17 =	sshll.u32 s0, $0xA;
	s2 =	sadd.s32 s3, s2  }
0x8d: {  	s2 =	sadd.s32 s2, s17  }
0x8e: {  	[smem:$0x3FC1] =	sst s2  }
0x8f: {  	_ = 	snop  }
0x90: {  	(tm) =	ssettm $0x1  }
0x91: {  	s18 =	sld [smem:$0x3FFB];
	_ =	sdelay $0x3  }
0x92: {  	_ =	strace s18  }
0x93: {  	s2 =	sld [smem:$0x3FFC];
	_ =	sdelay $0x3  }
0x94: {  	_ =	strace s2  }
0x95: {  	s2 =	sld [smem:$0x3FFD];
	_ =	sdelay $0x3  }
0x96: {  	_ =	strace s2  }
0x97: {  	_ =	strace $0x8FFFFFFF  }
0x98: {  	s19 =	sld [smem:$0x3FDB];
	_ =	sdelay $0x1  }
0x99: {  	s20 =	simm.s32 $_scs_section_size  }
0x9a: {  	s4 =	simm.s32 $_size__tile_overlayer_lowered;
	s5 =	simm.s32 $_tile_overlayer_lowered  }
0x9b: {  	s6 =	simm.s32 $0x1BFF;
	s21 =	sshll.u32 s5, $0x1;
	s3 =	sadd.s32 s20, s19  }
0x9c: {  	s22 =	simm.s32 $0x0;
	s4 =	sshll.u32 s4, $0x1;
	s5 =	sadd.s32 s21, s3  }
0x9d: {  	[timem:s22], [sflag:s6] =	dma.local [hbm:s5], s4  }
0x9e: {  	_ =	swait.ge [sflag:s6], s4  }
0x9f: {  	s4 =	ssub.s32 $0x0, s4;
	[sflag:s6] =	ssyncset.done $0x0  }
0xa0: {  	[sflag:s6] =	ssyncadd.s32 s4;
	_ =	sdelay $0x1  }
0xa1: {  	s23 =	simm.s32 $0x1B8B  }
0xa2: {  	_ =	swait.ge [sflag:s23], $0x1  }
0xa3: {  	[sflag:s23] =	ssyncset.done $0x0  }
0xa4: {  	[sflag:s23] =	ssyncadd.s32 $0xFFFFFFFF  }
0xa5: {  	s4 =	sld [smem:$0x0]  }
0xa6: {  	s5 =	sand.u32 $0xFFFFFFFE, s1  }
0xa7: {  	p0 =	sne.s32 s1, s5  }
0xa8: {  	s5 =	sshll.u32 @p0 s5, $0xE  }
0xa9: {  	s5 =	sadd.s32 @p0 $0x11B8D, s5;
	s6 =	sshll.u32 @p0 s4, $0x11  }
0xaa: {  	s5 =	sor.u32 @p0 s6, s5  }
0xab: {  	[sflag:s5] =	ssyncadd.remote.s32 @p0 $0x1;
	_ =	sdelay $0x1  }
0xac: {  	s5 =	simm.s32 @p0 $0x1B8D  }
0xad: {  	_ =	swait.eq @p0 [sflag:s5], $0x1  }
0xae: {  	[sflag:s5] =	ssyncadd.s32 @p0 $0xFFFFFFFF  }
0xaf: {  	s6 =	sshll.u32 @!p0 s1, $0xE  }
0xb0: {  	s6 =	sor.u32 @!p0 $0x4000, s6;
	s5 =	simm.s32 @!p0 $0x1B8D  }
0xb1: {  	s4 =	sshll.u32 @!p0 s4, $0x11;
	s6 =	sadd.s32 @!p0 $0x11B8D, s6;
	_ =	swait.eq @!p0 [sflag:s5], $0x1  }
0xb2: {  	s4 =	sor.u32 @!p0 s4, s6;
	[sflag:s5] =	ssyncadd.s32 @!p0 $0xFFFFFFFF  }
0xb3: {  	s25 =	simm.s32 $0x1B8E;
	s24 =	sld [smem:$0x3FFE];
	[sflag:s4] =	ssyncadd.remote.s32 @!p0 $0x1  }
0xb4: {  	s26 =	simm.s32 $execute0_lowered;
	[smem:$0x3FD2] =	sst s25  }
0xb5: {  	s5 =	sshll.u32 s26, $0x1;
	_ =	strace $0x80000055;
	[dreg:$0x1] =	wrdreg $0xFFFFFFFF  }
0xb6: {  	s28 =	simm.s32 $_size_execute0_lowered;
	s3 =	sadd.s32 s3, s5;
	[dreg:$0x0] =	wrdreg $0x0  }
0xb7: {  	s5 =	sshll.u32 s28, $0x1;
	[dreg:$0x2] =	wrdreg s3  }
0xb8: {  	[dreg:$0x3] =	wrdreg s5  }
0xb9: {  	[dreg:$0x4] =	wrdreg $0xC0  }
0xba: {  	_ =	task [dreg:s22], $0x5FFFF  }
0xbb: {  	[dreg:$0x1] =	wrdreg $0xFFFFFFFF  }
0xbc: {  	[dreg:$0x0] =	wrdreg $0x60  }
0xbd: {  	[dreg:$0x2] =	wrdreg s24  }
0xbe: {  	[dreg:$0x3] =	wrdreg $0xA  }
0xbf: {  	_ =	task.clear_ibuf [dreg:s22], $0x4FFFF;
	_ =	strace $0x90000055  }
0xc0: {  	s29 =	simm.s32 $0xA;
	_ =	strace $0x80000057  }
0xc1: {  	_ =	swait.ge [sflag:s29], $0x1  }
0xc2: {  	[sflag:s29] =	ssyncadd.s32 $0xFFFFFFFF  }
0xc3: {  	_ =	strace $0x90000057  }
0xc4: {  	_ =	sfence  }
0xc5: {  	s30 =	sld [smem:$0x0];
	_ =	sdelay $0x2  }
0xc6: {  	s31 =	sshll.u32 s1, $0xD;
	s1 =	sshrl.u32 s1, $0x2  }
0xc7: {  	s4 =	sand.u32 $0x4000, s31;
	s1 =	sadd.s32 s1, s30  }
0xc8: {  	s0 =	sor.u32 s4, s0;
	s1 =	sshll.u32 s1, $0x11  }
0xc9: {  	s0 =	sor.u32 s1, s0  }
0xca: {  	s0 =	sadd.s32 $0x8F2B, s0  }
0xcb: {  	[sflag:s0] =	ssyncadd.remote.s32 $0x1  }
0xcc: {  	_ =	sfence.sel $0xFFFF  }
0xcd: {  	[dreg:$0x0] =	wrdreg $0xFFFFFFFF;
	(pc) =	sbr.abs _section_cstart, $3  }
0xce: {  	[dreg:$0x1] =	wrdreg $0xFFFFFFFF  }
0xcf: {  	_ =	task.clear_ibuf [dreg:s22], $0x2FFFF;
	_ =	strace $0x9FFFFFFF  }
0xd0: {  	(tm) =	ssettm $0x7FFFFFFF  }
0xd1: {  	_ =	shalt  }
tec
execute0_lowered:
.L_overlay_start_1:
0x0: {  	(tag) =	ssettag $0x1  }
0x1: {  	s0 =	srdreg.scid;
	s5 =	rddreg [dreg:$0x0]  }
0x2: {  	s1 =	stileid.u32;
	s6 =	simm.s32 $0x1;
	s9 =	simm.s32 $0x1  }
0x3: {  	s10 =	simm.s32 $0x3;
	s13 =	simm.s32 $0x0;
	s2 =	sshll.u32 s0, $0x7  }
0x4: {  	s12 =	simm.s32 $0x0;
	s3 =	sshll.u32 s1, $0x8;
	s2 =	sand.u32 $0x80, s2  }
0x5: {  	s0 =	rddreg [dreg:$0x1];
	_ =	strace $0x80000056;
	s2 =	sor.u32 s3, s2  }
0x6: {  	s4 =	sadd.s32 $0x10800, s5;
	[sflag:s6] =	ssyncpa.u1 $0x0;
	s8 =	ssub.s32 $0x1800, s2  }
.Ltmp0:
0x7: {  	s3 =	sadd.s32 $0x12C00, s5;
	s7 =	sand.u32 $0xF80, s8;
	(pc) =	sbr.rel .LBB2_1-.Ltmp0, $4  }
0x8: {  	s5 =	sadd.s32 $0x11800, s5;
	s11 =	smov.u32 s2;
	p0 =	sne.s32 s7, $0x0  }
0x9: {  	s8 =	sshrl.u32 s8, $0xC;
	s7 =	simm.s32 $0x2;
	s9 =	simm.s32 @!p0 $0x0  }
0xa: {  	[sflag:s7] =	ssyncpa.u1 $0x0;
	p0 =	por $0x0, $0x0;
	s8 =	sadd.s32 s9, s8  }
0xb: {  	vm0 =	vmmov $0xffff;
	[sflag:s10] =	ssyncpa.u1 $0x0;
	s10 =	simm.s32 $0x0;
	s9 =	sadd.s32 $0x1, s8  }
.LBB2_4:
0xc: {  	v5 =	vshrl.u32 v1, $0xD;
	v6 =	vshll.u32 v1, $0x7  }
0xd: {  	vm1 =	veq.s32 v1, $0x80000000;
	v58 =	vand.u32 $0x7F, v5;
	v59 =	vand.u32 $0xFFF80, v6  }
0xe: {  	v1 =	vsel vm1, $0xFFFFFFFF, v58;
	v5 =	vsel vm1, $0xFFFFFF80, v59  }
0xf: {  	v3 =	vor.u32 v4, v3;
	v60 =	vand.u32 $0xFFFFFC00, v5;
	v61 =	vand.u32 $0xFFFFFC00, v1  }
0x10: {  	v2 =	vor.u32 v2, v3;
	v63 =	vand.u32 $0x380, v5;
	v62 =	vadd.s32 v61, v60  }
0x11: {  	v1 =	vand.u32 $0x7F, v1;
	v3 =	vor.u32 v63, v62  }
0x12: {  	v1 =	vor.u32 v1, v3  }
0x13: {  	[tilespmem:s15], [sflag:$0x1] =	stream.indirect_vreg.gather [hbm4b:s3+s10], $0x1, v0, vm0, $0x4038;
	[tilespmem:$0x200] =	vst v63  }
0x14: {  	(ifvalue) =	ssetifvalue $0x7FFFFFFF  }
0x15: {  	[tilespmem:s16], [sflag:$0x1] =	stream.indirect_vreg.gather [hbm4b:s3+s10], $0x1, v2, vm0, $0x4038;
	[tilespmem:$0x200] =	vst v63  }
0x16: {  	s29 =	sadd.s32 $0x10, s16;
	(ifvalue) =	ssetifvalue $0x7FFFFFFF  }
0x17: {  	[tilespmem:s29], [sflag:$0x1] =	stream.indirect_vreg.gather [hbm4b:s3+s10], $0x1, v1, vm0, $0x4038;
	[tilespmem:$0x200] =	vst v63  }
0x18: {  	_ =	swait.ge [sflag:s6], $0x80  }
0x19: {  	s30 =	sshrl.u32 s13, $0x3;
	[sflag:s6] =	ssyncset.done $0x0  }
0x1a: {  	s31 =	sand.u32 $0x7, s13;
	s15 =	sadd.s32 s5, s30;
	[sflag:s6] =	ssyncadd.s32 $0xFFFFFF80  }
0x1b: {  	[hbm4b:s15+s31] =	stream.linear.scatter [tilespmem:s14], [sflag:$0x3], $0x80, $0x38;
	[tilespmem:$0x200] =	vst v63  }
.LBB2_5:
0x1c: {  	s15 =	sadd.s32 $0x1000, s11  }
0x1d: {  	p2 =	sgt.s32 s15, $0x17FF  }
0x1e: {  	s15 =	smov.u32 @p2 s2;
	p2 =	sne.s32 s12, s9  }
.Ltmp1:
0x1f: {  	p1 =	slt.u32 s12, $0x2;
	(pc) =	sbr.rel @!p2 .LBB2_6-.Ltmp1, $4  }
0x20: {  	s14 =	simm.s32 @!p1 $0x3  }
0x21: {  	s16 =	sadd.s32 $0x1, s12;
	_ =	swait.ge @!p1 [sflag:s14], $0x80  }
0x22: {  	s13 =	smov.u32 s11;
	p0 =	por !p0, !p0;
	[sflag:s14] =	ssyncset.done @!p1 $0x0  }
0x23: {  	s12 =	smov.u32 s16;
	s11 =	smov.u32 s15;
	[sflag:s14] =	ssyncadd.s32 @!p1 $0xFFFFFF80  }
.LBB2_1:
0x24: {  	p1 =	sge.u32 s12, s8  }
0x25: {  	s14 =	sxor.u32 @!p1 $0xFFFFFFFF, s12  }
0x26: {  	s31 =	sadd.s32 $0xFFFFFFFF, s12;
	s15 =	sshrl.u32 @!p1 s11, $0x3;
	s14 =	sshll.u32 @!p1 s14, $0x7  }
0x27: {  	s16 =	sand.u32 @!p1 $0x7, s11;
	s15 =	sadd.s32 @!p1 s4, s15;
	s14 =	sand.u32 @!p1 $0x80, s14  }
0x28: {  	[tilespmem:s14], [sflag:$0x2] =	stream.linear.gather @!p1 [hbm4b:s15+s16], $0x80, $0x38;
	[tilespmem:$0x200] =	vst v63  }
0x29: {  	p1 =	sge.u32 s31, s8  }
.Ltmp2:
0x2a: {  	_ = 	snop;
	(pc) =	sbr.rel @p1 .LBB2_5-.Ltmp2, $1  }
0x2b: {  	_ =	sdelay $0x3  }
0x2c: {  	s14 =	simm.s32 $0x1  }
0x2d: {  	_ =	swait.ge [sflag:s7], $0x80;
	s14 =	simm.s32 @!p0 $0x0  }
0x2e: {  	[sflag:s7] =	ssyncset.done $0x0;
	s14 =	sshll.u32 s14, $0x7  }
0x2f: {  	[sflag:s7] =	ssyncadd.s32 $0xFFFFFF80;
	(ifvalue) =	ssetifvalue $0x7FFFFFFF;
	v0 =	vld.msk [tilespmem:s14+$0x0 ss:$0x1], $0xffff;
	_ =	sdelay $0x4  }
0x30: {  	s15 =	sadd.s32 $0x10, s14;
	v2 =	vshrl.u32 v0, $0xD;
	v3 =	vshll.u32 v0, $0x7  }
0x31: {  	v1 =	vld.msk [tilespmem:s15+$0x0 ss:$0x1], $0xffff;
	vm1 =	veq.s32 v0, $0x80000000;
	v0 =	vand.u32 $0x7F, v2;
	v2 =	vand.u32 $0xFFF80, v3  }
0x32: {  	v0 =	vsel vm1, $0xFFFFFFFF, v0;
	v2 =	vsel vm1, $0xFFFFFF80, v2  }
0x33: {  	v3 =	vand.u32 $0xFFFFFC00, v2;
	v4 =	vand.u32 $0xFFFFFC00, v0  }
0x34: {  	v2 =	vand.u32 $0x380, v2;
	v3 =	vadd.s32 v4, v3  }
0x35: {  	v0 =	vand.u32 $0x7F, v0;
	v2 =	vor.u32 v2, v3  }
0x36: {  	v5 =	vshll.u32 v1, $0x7;
	v4 =	vshrl.u32 v1, $0xD;
	v0 =	vor.u32 v0, v2  }
0x37: {  	s16 =	sshll.u32 s12, $0x7;
	vm1 =	veq.s32 v1, $0x80000000;
	v1 =	vand.u32 $0x7F, v4;
	v4 =	vand.u32 $0xFFF80, v5  }
0x38: {  	s16 =	sand.u32 $0x80, s16;
	s18 =	sadd.s32 $0x10, s15;
	v3 =	vsel vm1, $0xFFFFFFFF, v1;
	v4 =	vsel vm1, $0xFFFFFF80, v4  }
0x39: {  	s17 =	simm.s32 $0x20;
	s15 =	sor.u32 $0x100, s14;
	s14 =	sor.u32 $0x100, s16;
	v1 =	vld.msk [tilespmem:s18+$0x0 ss:$0x1], $0xffff;
	v5 =	vand.u32 $0xFFFFFC00, v4;
	v6 =	vand.u32 $0xFFFFFC00, v3  }
0x3a: {  	s16 =	sadd.s32 $0x10, s15;
	s18 =	sadd.s32 $0x10, s18;
	(ifvalue) =	ssetifvalue $0x7FFFFFFF;
	v2 =	vand.u32 $0x7F, v3;
	v4 =	vand.u32 $0x380, v4;
	v3 =	vadd.s32 v6, v5  }
.LBB2_3:
0x3b: {  	[tilespmem:s15], [sflag:$0x1] =	stream.indirect_vreg.gather [hbm4b:s3+s10], $0x1, v0, vm0, $0x4038;
	[tilespmem:$0x200] =	vst v63  }
0x3c: {  	s17 =	sadd.s32 $0x10, s17  }
0x3d: {  	v3 =	vor.u32 v4, v3;
	p1 =	slt.u32 s17, $0x70  }
.Ltmp3:
0x3e: {  	v4 =	vshrl.u32 v1, $0xD;
	v5 =	vshll.u32 v1, $0x7;
	s15 =	smov.u32 s16;
	v0 =	vor.u32 v2, v3;
	v2 =	vmovc v1;
	v1 =	vld.msk [tilespmem:s18+$0x0 ss:$0x1], $0xffff;
	(pc) =	sbr.rel @p1 .LBB2_3-.Ltmp3, $4  }
0x3f: {  	v3 =	vand.u32 $0xFFF80, v5;
	vm1 =	veq.s32 v2, $0x80000000;
	v2 =	vand.u32 $0x7F, v4  }
0x40: {  	v4 =	vsel vm1, $0xFFFFFFFF, v2;
	v5 =	vsel vm1, $0xFFFFFF80, v3  }
0x41: {  	v2 =	vand.u32 $0x7F, v4;
	v3 =	vand.u32 $0xFFFFFC00, v5;
	v4 =	vand.u32 $0xFFFFFC00, v4  }
0x42: {  	s16 =	sadd.s32 $0x10, s16;
	s18 =	sadd.s32 $0x10, s18;
	v3 =	vadd.s32 v4, v3;
	v4 =	vand.u32 $0x380, v5;
	(ifvalue) =	ssetifvalue $0x7FFFFFFF  }
.Ltmp4:
0x43: {  	_ = 	snop;
	(pc) =	sbr.rel .LBB2_4-.Ltmp4, $1  }
0x44: {  	_ =	sdelay $0x3  }
.LBB2_6:
0x45: {  	_ =	sfence.sel $0x180000  }
0x46: {  	s2 =	simm.s32 $0x2;
	[bflag:$0x0] =	sbarrier.arrive $0xFFFF  }
0x47: {  	s30 =	simm.s32 $0x3;
	[sflag:s2] =	ssyncpa.u1 $0x1  }
0x48: {  	s31 =	simm.s32 $0x1;
	[sflag:s30] =	ssyncpa.u1 $0x1  }
0x49: {  	[sflag:s31] =	ssyncpa.u1 $0x1  }
0x4a: {  	p0 =	sne.s32 s1, $0x0;
	_ =	strace $0x90000056  }
0x4b: {  	s0 =	sadd.s32 @!p0 $0x100000, s0;
	[bflag:$0x2] =	sbarrier.arrive $0xFFFF  }
0x4c: {  	[sflag:s0] =	ssyncadd.tile.s32 @!p0 $0x1;
	_ =	shalt  }
.Lfunc_end2:
_tile_overlayer_lowered:
.L_overlay_start_2:
0x4d: {  	(tag) =	ssettag $0x2  }
0x4e: {  	s0 =	rddreg [dreg:$0x0];
	s2 =	stileid.u32  }
0x4f: {  	s1 =	rddreg [dreg:$0x1];
	p0 =	sne.s32 s2, $0x0  }
0x50: {  	s3 =	rddreg [dreg:$0x2];
	[bflag:$0x3] =	sbarrier.arrive $0xFFFF;
	s2 =	simm.s32 @!p0 $0x1C01  }
0x51: {  	[timem:s3], [sflag:s2] =	dma.local @!p0 [hbm:s0], s1  }
0x52: {  	s0 =	simm.s32 @!p0 $0x1  }
0x53: {  	_ =	swait.ge @!p0 [sflag:s0], s1  }
0x54: {  	s1 =	ssub.s32 @!p0 $0x0, s1;
	[sflag:s0] =	ssyncset.done @!p0 $0x0  }
0x55: {  	[sflag:s0] =	ssyncadd.s32 @!p0 s1  }
0x56: {  	[bflag:$0x3] =	sbarrier.arrive $0xFFFF  }
0x57: {  	_ =	shalt  }

// kernel: gather_offload_async_start.5
scs
__scs_entry_jumppad:
0x0: {  	(pc) =	sbr.rel $0x88, $3  }
0x1: {  	(tag) =	ssettag $0x0;
	lr =	simm.s32 $0x1  }
0x2: {  	[smem:$0x3F9A] =	sst lr;
	_ =	strace $0xD0000000  }
0x3: {  	_ = 	snop  }
0x4: {  	_ = 	snop  }
0x5: {  	_ = 	snop  }
0x6: {  	_ = 	snop  }
0x7: {  	_ = 	snop  }
__scs_overlays_trampoline_lowered:
0x8: {  	[smem:$0x3FA9] =	sst s0  }
0x9: {  	[smem:$0x3FAA] =	sst s1  }
0xa: {  	[smem:$0x3FAB] =	sst s2  }
0xb: {  	[smem:$0x3FAC] =	sst s3  }
0xc: {  	[smem:$0x3FAD] =	sst s4  }
0xd: {  	[smem:$0x3FAE] =	sst s5  }
0xe: {  	[smem:$0x3FAF] =	sst s6  }
0xf: {  	[smem:$0x3FB0] =	sst s7  }
0x10: {  	[smem:$0x3FB1] =	sst s8  }
0x11: {  	[smem:$0x3FB2] =	sst s9;
	s0 =	simm.s32 @!p0 $0x0  }
0x12: {  	s1 =	sld [smem:$0x3F98];
	s0 =	simm.s32 @p0 $0x1  }
0x13: {  	[smem:$0x3FB3] =	sst s0;
	s0 =	simm.s32 @!p1 $0x0  }
0x14: {  	s2 =	sld [smem:$0x3F97];
	s0 =	simm.s32 @p1 $0x1  }
0x15: {  	[smem:$0x3FB4] =	sst s0;
	s0 =	simm.s32 @!p2 $0x0  }
0x16: {  	s3 =	sld [smem:$0x3FDB];
	s0 =	simm.s32 @p2 $0x1  }
0x17: {  	s4 =	simm.s32 $0x1BF5;
	[smem:$0x3FB6] =	sst s0  }
0x18: {  	s0 =	sld [smem:$0x3F99];
	_ =	swait.ge [sflag:s4], $0x0  }
0x19: {  	s7 =	sld [smem:$0x3F9A]  }
0x1a: {  	s8 =	sadd.s32 $0xFFFFE003, lr  }
0x1b: {  	s9 =	sadd.s32 $0xFFFFFEF7, lr;
	s5 =	simm.s32 $0xFFFFFFFF;
	p2 =	slt.u32 s8, $0xFFFFF086  }
0x1c: {  	p1 =	slt.u32 s9, $0xF7A;
	s5 =	simm.s32 @!p2 $0x0  }
0x1d: {  	s5 =	simm.s32 @p1 $0x1;
	p0 =	seq.s32 s7, s2  }
0x1e: {  	s7 =	smul.u32 @!p0 $0xF7A, s2;
	p2 =	seq.s32 @!p0 s5, $0x0  }
0x1f: {  	s9 =	smul.u32 $0xF7A, s1;
	s8 =	simm.s32 @!p0 $0x1BF5;
	p2 =	por !p2, p0  }
0x20: {  	[sflag:s8] =	ssyncset.s32 @!p0 $0xFFFFF086;
	s6 =	sadd.s32 @!p0 s3, s7;
	s7 =	simm.s32 @!p0 $0x108  }
0x21: {  	s3 =	sadd.s32 s3, s9;
	s6 =	sadd.s32 @!p0 $0x88, s6;
	s7 =	simm.s32 @p2 $0x1082  }
0x22: {  	[simem:s7], [sflag:s8] =	dma.local @!p0 [hbm:s6], $0xF7A  }
0x23: {  	s9 =	sor.u32 $0xD0000000, s2;
	s6 =	simm.s32 $0x108;
	_ =	swait.ge @!p0 [sflag:s8], $0x0  }
0x24: {  	s3 =	sadd.s32 $0x88, s3;
	s6 =	simm.s32 @!p1 $0x1082;
	[sflag:s4] =	ssyncset.s32 $0xFFFFF086  }
0x25: {  	[simem:s6], [sflag:s4] =	dma.local [hbm:s3], $0xF7A  }
0x26: {  	[smem:$0x3F9A] =	sst s1;
	(tag) =	ssettag s2;
	_ =	strace s9  }
0x27: {  	s1 =	sld [smem:$0x3FAA]  }
0x28: {  	s2 =	sld [smem:$0x3FAB]  }
0x29: {  	s4 =	sld [smem:$0x3FAD]  }
0x2a: {  	p0 =	seq.s32 s5, $0x0;
	s5 =	sld [smem:$0x3FAE]  }
0x2b: {  	s6 =	sld [smem:$0x3FAF]  }
0x2c: {  	s7 =	sld [smem:$0x3FB0]  }
0x2d: {  	s3 =	simm.s32 $0x108;
	s8 =	sld [smem:$0x3FB1]  }
0x2e: {  	s3 =	simm.s32 @!p0 $0x1082;
	s9 =	sld [smem:$0x3FB2]  }
0x2f: {  	lr =	sadd.s32 s0, s3;
	s0 =	sld [smem:$0x3FA9]  }
0x30: {  	s3 =	sld [smem:$0x3FAC]  }
0x31: {  	[smem:$0x3FB5] =	sst s10  }
0x32: {  	s10 =	sld [smem:$0x3FB3];
	_ =	sdelay $0x3  }
0x33: {  	p0 =	seq.s32 s10, $0x1;
	s10 =	sld [smem:$0x3FB5];
	_ =	sdelay $0x3  }
0x34: {  	[smem:$0x3FB5] =	sst s10  }
0x35: {  	s10 =	sld [smem:$0x3FB4];
	_ =	sdelay $0x3  }
0x36: {  	p1 =	seq.s32 s10, $0x1;
	s10 =	sld [smem:$0x3FB5];
	_ =	sdelay $0x3  }
0x37: {  	[smem:$0x3FB5] =	sst s10  }
0x38: {  	s10 =	sld [smem:$0x3FB6]  }
0x39: {  	_ = 	snop;
	(pc) =	sbr.ind lr, $3  }
0x3a: {  	_ = 	snop  }
0x3b: {  	_ = 	snop  }
0x3c: {  	p2 =	seq.s32 s10, $0x1;
	s10 =	sld [smem:$0x3FB5]  }
0x3d: {  	_ =	shalt  }
0x3e: {  	_ =	shalt  }
0x3f: {  	_ =	shalt  }
0x40: {  	_ =	shalt  }
0x41: {  	_ =	shalt  }
0x42: {  	_ =	shalt  }
0x43: {  	_ =	shalt  }
0x44: {  	_ =	shalt  }
0x45: {  	_ =	shalt  }
0x46: {  	_ =	shalt  }
0x47: {  	_ =	shalt  }
0x48: {  	_ =	shalt  }
0x49: {  	_ =	shalt  }
0x4a: {  	_ =	shalt  }
0x4b: {  	_ =	shalt  }
0x4c: {  	_ =	shalt  }
0x4d: {  	_ =	shalt  }
0x4e: {  	_ =	shalt  }
0x4f: {  	_ =	shalt  }
0x50: {  	_ =	shalt  }
0x51: {  	_ =	shalt  }
0x52: {  	_ =	shalt  }
0x53: {  	_ =	shalt  }
0x54: {  	_ =	shalt  }
0x55: {  	_ =	shalt  }
0x56: {  	_ =	shalt  }
0x57: {  	_ =	shalt  }
0x58: {  	_ =	shalt  }
0x59: {  	_ =	shalt  }
0x5a: {  	_ =	shalt  }
0x5b: {  	_ =	shalt  }
0x5c: {  	_ =	shalt  }
0x5d: {  	_ =	shalt  }
0x5e: {  	_ =	shalt  }
0x5f: {  	_ =	shalt  }
0x60: {  	_ =	shalt  }
0x61: {  	_ =	shalt  }
0x62: {  	_ =	shalt  }
0x63: {  	_ =	shalt  }
0x64: {  	_ =	shalt  }
0x65: {  	_ =	shalt  }
0x66: {  	_ =	shalt  }
0x67: {  	_ =	shalt  }
0x68: {  	_ =	shalt  }
0x69: {  	_ =	shalt  }
0x6a: {  	_ =	shalt  }
0x6b: {  	_ =	shalt  }
0x6c: {  	_ =	shalt  }
0x6d: {  	_ =	shalt  }
0x6e: {  	_ =	shalt  }
0x6f: {  	_ =	shalt  }
0x70: {  	_ =	shalt  }
0x71: {  	_ =	shalt  }
0x72: {  	_ =	shalt  }
0x73: {  	_ =	shalt  }
0x74: {  	_ =	shalt  }
0x75: {  	_ =	shalt  }
0x76: {  	_ =	shalt  }
0x77: {  	_ =	shalt  }
0x78: {  	_ =	shalt  }
0x79: {  	_ =	shalt  }
0x7a: {  	_ =	shalt  }
0x7b: {  	_ =	shalt  }
0x7c: {  	_ =	shalt  }
0x7d: {  	_ =	shalt  }
0x7e: {  	_ =	shalt  }
0x7f: {  	_ =	shalt  }
0x80: {  	_ =	shalt  }
0x81: {  	_ =	shalt  }
0x82: {  	_ =	shalt  }
0x83: {  	_ =	shalt  }
0x84: {  	_ =	shalt  }
0x85: {  	_ =	shalt  }
0x86: {  	_ =	shalt  }
0x87: {  	_ =	shalt  }
.Lfunc_end0:
.L_simem_size_0:
called_computation.5_lowered:
.L_overlay_start_0:
0x88: {  	s2 =	sld [smem:$0x3FD9]  }
0x89: {  	s3 =	sld [smem:$0x3FFE];
	_ =	sdelay $0x1  }
0x8a: {  	s1 =	srdreg.scid  }
0x8b: {  	s0 =	sand.u32 $0x1, s1  }
0x8c: {  	s16 =	sshll.u32 s0, $0xA;
	s2 =	sadd.s32 s3, s2  }
0x8d: {  	s2 =	sadd.s32 s2, s16  }
0x8e: {  	[smem:$0x3FC1] =	sst s2  }
0x8f: {  	_ = 	snop  }
0x90: {  	(tm) =	ssettm $0x1  }
0x91: {  	s17 =	sld [smem:$0x3FFB];
	_ =	sdelay $0x3  }
0x92: {  	_ =	strace s17  }
0x93: {  	s2 =	sld [smem:$0x3FFC];
	_ =	sdelay $0x3  }
0x94: {  	_ =	strace s2  }
0x95: {  	s2 =	sld [smem:$0x3FFD];
	_ =	sdelay $0x3  }
0x96: {  	_ =	strace s2  }
0x97: {  	_ =	strace $0x8FFFFFFF  }
0x98: {  	s18 =	sld [smem:$0x3FDB];
	_ =	sdelay $0x1  }
0x99: {  	s19 =	simm.s32 $_scs_section_size  }
0x9a: {  	s4 =	simm.s32 $_size__tile_overlayer_lowered;
	s5 =	simm.s32 $_tile_overlayer_lowered  }
0x9b: {  	s22 =	simm.s32 $0x1BFF;
	s21 =	sshll.u32 s5, $0x1;
	s2 =	sadd.s32 s19, s18  }
0x9c: {  	s6 =	simm.s32 $0x0;
	s20 =	sshll.u32 s4, $0x1;
	s4 =	sadd.s32 s21, s2  }
0x9d: {  	[timem:s6], [sflag:s22] =	dma.local [hbm:s4], s20  }
0x9e: {  	_ =	swait.ge [sflag:s22], s20  }
0x9f: {  	s3 =	ssub.s32 $0x0, s20;
	[sflag:s22] =	ssyncset.done $0x0  }
0xa0: {  	[sflag:s22] =	ssyncadd.s32 s3;
	_ =	sdelay $0x1  }
0xa1: {  	s23 =	simm.s32 $0x1B8B  }
0xa2: {  	_ =	swait.ge [sflag:s23], $0x1  }
0xa3: {  	[sflag:s23] =	ssyncset.done $0x0  }
0xa4: {  	s25 =	simm.s32 $0x1B8E;
	s24 =	sld [smem:$0x3FFE];
	[sflag:s23] =	ssyncadd.s32 $0xFFFFFFFF  }
0xa5: {  	s26 =	simm.s32 $execute0_lowered;
	[smem:$0x3FD2] =	sst s25  }
0xa6: {  	s4 =	sshll.u32 s26, $0x1;
	_ =	strace $0x80000058;
	[dreg:$0x1] =	wrdreg $0xFFFFFFFF  }
0xa7: {  	s28 =	simm.s32 $_size_execute0_lowered;
	s2 =	sadd.s32 s2, s4;
	[dreg:$0x0] =	wrdreg $0x0  }
0xa8: {  	s4 =	sshll.u32 s28, $0x1;
	[dreg:$0x2] =	wrdreg s2  }
0xa9: {  	[dreg:$0x3] =	wrdreg s4  }
0xaa: {  	[dreg:$0x4] =	wrdreg $0xC0  }
0xab: {  	_ =	task [dreg:s6], $0x5FFFF  }
0xac: {  	[dreg:$0x1] =	wrdreg $0xFFFFFFFF  }
0xad: {  	[dreg:$0x0] =	wrdreg $0x60  }
0xae: {  	[dreg:$0x2] =	wrdreg s24  }
0xaf: {  	[dreg:$0x3] =	wrdreg $0x9  }
0xb0: {  	_ =	task.clear_ibuf [dreg:s6], $0x4FFFF;
	_ =	strace $0x90000058  }
0xb1: {  	s29 =	simm.s32 $0x9;
	_ =	strace $0x8000005A  }
0xb2: {  	_ =	swait.ge [sflag:s29], $0x1  }
0xb3: {  	[sflag:s29] =	ssyncadd.s32 $0xFFFFFFFF  }
0xb4: {  	_ =	strace $0x9000005A  }
0xb5: {  	_ =	sfence  }
0xb6: {  	s30 =	sld [smem:$0x0];
	_ =	sdelay $0x2  }
0xb7: {  	s31 =	sshll.u32 s1, $0xD;
	s1 =	sshrl.u32 s1, $0x2  }
0xb8: {  	s3 =	sand.u32 $0x4000, s31;
	s1 =	sadd.s32 s1, s30  }
0xb9: {  	s0 =	sor.u32 s3, s0;
	s1 =	sshll.u32 s1, $0x11  }
0xba: {  	s0 =	sor.u32 s1, s0  }
0xbb: {  	s0 =	sadd.s32 $0x8F2B, s0  }
0xbc: {  	[sflag:s0] =	ssyncadd.remote.s32 $0x1  }
0xbd: {  	_ =	sfence.sel $0xFFFF  }
0xbe: {  	[dreg:$0x0] =	wrdreg $0xFFFFFFFF;
	(pc) =	sbr.abs _section_cstart, $3  }
0xbf: {  	[dreg:$0x1] =	wrdreg $0xFFFFFFFF  }
0xc0: {  	_ =	task.clear_ibuf [dreg:s6], $0x2FFFF;
	_ =	strace $0x9FFFFFFF  }
0xc1: {  	(tm) =	ssettm $0x7FFFFFFF  }
tec
execute0_lowered:
.L_overlay_start_1:
0x0: {  	(tag) =	ssettag $0x1  }
0x1: {  	s0 =	srdreg.scid;
	s5 =	rddreg [dreg:$0x0]  }
0x2: {  	s1 =	stileid.u32;
	s6 =	simm.s32 $0x1;
	s9 =	simm.s32 $0x1  }
0x3: {  	s10 =	simm.s32 $0x3;
	s13 =	simm.s32 $0x0;
	s2 =	sshll.u32 s0, $0x7  }
0x4: {  	s12 =	simm.s32 $0x0;
	s3 =	sshll.u32 s1, $0x8;
	s2 =	sand.u32 $0x80, s2  }
0x5: {  	s0 =	rddreg [dreg:$0x1];
	_ =	strace $0x80000059;
	s2 =	sor.u32 s3, s2  }
0x6: {  	s4 =	sadd.s32 $0x10C00, s5;
	[sflag:s6] =	ssyncpa.u1 $0x0;
	s8 =	ssub.s32 $0x1800, s2  }
.Ltmp0:
0x7: {  	s3 =	sadd.s32 $0x12C00, s5;
	s7 =	sand.u32 $0xF80, s8;
	(pc) =	sbr.rel .LBB2_1-.Ltmp0, $4  }
0x8: {  	s5 =	sadd.s32 $0x11400, s5;
	s11 =	smov.u32 s2;
	p0 =	sne.s32 s7, $0x0  }
0x9: {  	s8 =	sshrl.u32 s8, $0xC;
	s7 =	simm.s32 $0x2;
	s9 =	simm.s32 @!p0 $0x0  }
0xa: {  	[sflag:s7] =	ssyncpa.u1 $0x0;
	p0 =	por $0x0, $0x0;
	s8 =	sadd.s32 s9, s8  }
0xb: {  	vm0 =	vmmov $0xffff;
	[sflag:s10] =	ssyncpa.u1 $0x0;
	s10 =	simm.s32 $0x0;
	s9 =	sadd.s32 $0x1, s8  }
.LBB2_4:
0xc: {  	v5 =	vshrl.u32 v1, $0xD;
	v6 =	vshll.u32 v1, $0x7  }
0xd: {  	vm1 =	veq.s32 v1, $0x80000000;
	v58 =	vand.u32 $0x7F, v5;
	v59 =	vand.u32 $0xFFF80, v6  }
0xe: {  	v1 =	vsel vm1, $0xFFFFFFFF, v58;
	v5 =	vsel vm1, $0xFFFFFF80, v59  }
0xf: {  	v3 =	vor.u32 v4, v3;
	v60 =	vand.u32 $0xFFFFFC00, v5;
	v61 =	vand.u32 $0xFFFFFC00, v1  }
0x10: {  	v2 =	vor.u32 v2, v3;
	v63 =	vand.u32 $0x380, v5;
	v62 =	vadd.s32 v61, v60  }
0x11: {  	v1 =	vand.u32 $0x7F, v1;
	v3 =	vor.u32 v63, v62  }
0x12: {  	v1 =	vor.u32 v1, v3  }
0x13: {  	[tilespmem:s15], [sflag:$0x1] =	stream.indirect_vreg.gather [hbm4b:s3+s10], $0x1, v0, vm0, $0x4038;
	[tilespmem:$0x200] =	vst v63  }
0x14: {  	(ifvalue) =	ssetifvalue $0x7FFFFFFF  }
0x15: {  	[tilespmem:s16], [sflag:$0x1] =	stream.indirect_vreg.gather [hbm4b:s3+s10], $0x1, v2, vm0, $0x4038;
	[tilespmem:$0x200] =	vst v63  }
0x16: {  	s29 =	sadd.s32 $0x10, s16;
	(ifvalue) =	ssetifvalue $0x7FFFFFFF  }
0x17: {  	[tilespmem:s29], [sflag:$0x1] =	stream.indirect_vreg.gather [hbm4b:s3+s10], $0x1, v1, vm0, $0x4038;
	[tilespmem:$0x200] =	vst v63  }
0x18: {  	_ =	swait.ge [sflag:s6], $0x80  }
0x19: {  	s30 =	sshrl.u32 s13, $0x3;
	[sflag:s6] =	ssyncset.done $0x0  }
0x1a: {  	s31 =	sand.u32 $0x7, s13;
	s15 =	sadd.s32 s5, s30;
	[sflag:s6] =	ssyncadd.s32 $0xFFFFFF80  }
0x1b: {  	[hbm4b:s15+s31] =	stream.linear.scatter [tilespmem:s14], [sflag:$0x3], $0x80, $0x38;
	[tilespmem:$0x200] =	vst v63  }
.LBB2_5:
0x1c: {  	s15 =	sadd.s32 $0x1000, s11  }
0x1d: {  	p2 =	sgt.s32 s15, $0x17FF  }
0x1e: {  	s15 =	smov.u32 @p2 s2;
	p2 =	sne.s32 s12, s9  }
.Ltmp1:
0x1f: {  	p1 =	slt.u32 s12, $0x2;
	(pc) =	sbr.rel @!p2 .LBB2_6-.Ltmp1, $4  }
0x20: {  	s14 =	simm.s32 @!p1 $0x3  }
0x21: {  	s16 =	sadd.s32 $0x1, s12;
	_ =	swait.ge @!p1 [sflag:s14], $0x80  }
0x22: {  	s13 =	smov.u32 s11;
	p0 =	por !p0, !p0;
	[sflag:s14] =	ssyncset.done @!p1 $0x0  }
0x23: {  	s12 =	smov.u32 s16;
	s11 =	smov.u32 s15;
	[sflag:s14] =	ssyncadd.s32 @!p1 $0xFFFFFF80  }
.LBB2_1:
0x24: {  	p1 =	sge.u32 s12, s8  }
0x25: {  	s14 =	sxor.u32 @!p1 $0xFFFFFFFF, s12  }
0x26: {  	s31 =	sadd.s32 $0xFFFFFFFF, s12;
	s15 =	sshrl.u32 @!p1 s11, $0x3;
	s14 =	sshll.u32 @!p1 s14, $0x7  }
0x27: {  	s16 =	sand.u32 @!p1 $0x7, s11;
	s15 =	sadd.s32 @!p1 s4, s15;
	s14 =	sand.u32 @!p1 $0x80, s14  }
0x28: {  	[tilespmem:s14], [sflag:$0x2] =	stream.linear.gather @!p1 [hbm4b:s15+s16], $0x80, $0x38;
	[tilespmem:$0x200] =	vst v63  }
0x29: {  	p1 =	sge.u32 s31, s8  }
.Ltmp2:
0x2a: {  	_ = 	snop;
	(pc) =	sbr.rel @p1 .LBB2_5-.Ltmp2, $1  }
0x2b: {  	_ =	sdelay $0x3  }
0x2c: {  	s14 =	simm.s32 $0x1  }
0x2d: {  	_ =	swait.ge [sflag:s7], $0x80;
	s14 =	simm.s32 @!p0 $0x0  }
0x2e: {  	[sflag:s7] =	ssyncset.done $0x0;
	s14 =	sshll.u32 s14, $0x7  }
0x2f: {  	[sflag:s7] =	ssyncadd.s32 $0xFFFFFF80;
	(ifvalue) =	ssetifvalue $0x7FFFFFFF;
	v0 =	vld.msk [tilespmem:s14+$0x0 ss:$0x1], $0xffff;
	_ =	sdelay $0x4  }
0x30: {  	s15 =	sadd.s32 $0x10, s14;
	v2 =	vshrl.u32 v0, $0xD;
	v3 =	vshll.u32 v0, $0x7  }
0x31: {  	v1 =	vld.msk [tilespmem:s15+$0x0 ss:$0x1], $0xffff;
	vm1 =	veq.s32 v0, $0x80000000;
	v0 =	vand.u32 $0x7F, v2;
	v2 =	vand.u32 $0xFFF80, v3  }
0x32: {  	v0 =	vsel vm1, $0xFFFFFFFF, v0;
	v2 =	vsel vm1, $0xFFFFFF80, v2  }
0x33: {  	v3 =	vand.u32 $0xFFFFFC00, v2;
	v4 =	vand.u32 $0xFFFFFC00, v0  }
0x34: {  	v2 =	vand.u32 $0x380, v2;
	v3 =	vadd.s32 v4, v3  }
0x35: {  	v0 =	vand.u32 $0x7F, v0;
	v2 =	vor.u32 v2, v3  }
0x36: {  	v5 =	vshll.u32 v1, $0x7;
	v4 =	vshrl.u32 v1, $0xD;
	v0 =	vor.u32 v0, v2  }
0x37: {  	s16 =	sshll.u32 s12, $0x7;
	vm1 =	veq.s32 v1, $0x80000000;
	v1 =	vand.u32 $0x7F, v4;
	v4 =	vand.u32 $0xFFF80, v5  }
0x38: {  	s16 =	sand.u32 $0x80, s16;
	s18 =	sadd.s32 $0x10, s15;
	v3 =	vsel vm1, $0xFFFFFFFF, v1;
	v4 =	vsel vm1, $0xFFFFFF80, v4  }
0x39: {  	s17 =	simm.s32 $0x20;
	s15 =	sor.u32 $0x100, s14;
	s14 =	sor.u32 $0x100, s16;
	v1 =	vld.msk [tilespmem:s18+$0x0 ss:$0x1], $0xffff;
	v5 =	vand.u32 $0xFFFFFC00, v4;
	v6 =	vand.u32 $0xFFFFFC00, v3  }
0x3a: {  	s16 =	sadd.s32 $0x10, s15;
	s18 =	sadd.s32 $0x10, s18;
	(ifvalue) =	ssetifvalue $0x7FFFFFFF;
	v2 =	vand.u32 $0x7F, v3;
	v4 =	vand.u32 $0x380, v4;
	v3 =	vadd.s32 v6, v5  }
.LBB2_3:
0x3b: {  	[tilespmem:s15], [sflag:$0x1] =	stream.indirect_vreg.gather [hbm4b:s3+s10], $0x1, v0, vm0, $0x4038;
	[tilespmem:$0x200] =	vst v63  }
0x3c: {  	s17 =	sadd.s32 $0x10, s17  }
0x3d: {  	v3 =	vor.u32 v4, v3;
	p1 =	slt.u32 s17, $0x70  }
.Ltmp3:
0x3e: {  	v4 =	vshrl.u32 v1, $0xD;
	v5 =	vshll.u32 v1, $0x7;
	s15 =	smov.u32 s16;
	v0 =	vor.u32 v2, v3;
	v2 =	vmovc v1;
	v1 =	vld.msk [tilespmem:s18+$0x0 ss:$0x1], $0xffff;
	(pc) =	sbr.rel @p1 .LBB2_3-.Ltmp3, $4  }
0x3f: {  	v3 =	vand.u32 $0xFFF80, v5;
	vm1 =	veq.s32 v2, $0x80000000;
	v2 =	vand.u32 $0x7F, v4  }
0x40: {  	v4 =	vsel vm1, $0xFFFFFFFF, v2;
	v5 =	vsel vm1, $0xFFFFFF80, v3  }
0x41: {  	v2 =	vand.u32 $0x7F, v4;
	v3 =	vand.u32 $0xFFFFFC00, v5;
	v4 =	vand.u32 $0xFFFFFC00, v4  }
0x42: {  	s16 =	sadd.s32 $0x10, s16;
	s18 =	sadd.s32 $0x10, s18;
	v3 =	vadd.s32 v4, v3;
	v4 =	vand.u32 $0x380, v5;
	(ifvalue) =	ssetifvalue $0x7FFFFFFF  }
.Ltmp4:
0x43: {  	_ = 	snop;
	(pc) =	sbr.rel .LBB2_4-.Ltmp4, $1  }
0x44: {  	_ =	sdelay $0x3  }
.LBB2_6:
0x45: {  	_ =	sfence.sel $0x180000  }
0x46: {  	s2 =	simm.s32 $0x2;
	[bflag:$0x0] =	sbarrier.arrive $0xFFFF  }
0x47: {  	s30 =	simm.s32 $0x3;
	[sflag:s2] =	ssyncpa.u1 $0x1  }
0x48: {  	s31 =	simm.s32 $0x1;
	[sflag:s30] =	ssyncpa.u1 $0x1  }
0x49: {  	[sflag:s31] =	ssyncpa.u1 $0x1  }
0x4a: {  	p0 =	sne.s32 s1, $0x0;
	_ =	strace $0x90000059  }
0x4b: {  	s0 =	sadd.s32 @!p0 $0x100000, s0;
	[bflag:$0x2] =	sbarrier.arrive $0xFFFF  }
0x4c: {  	[sflag:s0] =	ssyncadd.tile.s32 @!p0 $0x1;
	_ =	shalt  }
.Lfunc_end2:
_tile_overlayer_lowered:
.L_overlay_start_2:
0x4d: {  	(tag) =	ssettag $0x2  }
0x4e: {  	s0 =	rddreg [dreg:$0x0];
	s2 =	stileid.u32  }
0x4f: {  	s1 =	rddreg [dreg:$0x1];
	p0 =	sne.s32 s2, $0x0  }
0x50: {  	s3 =	rddreg [dreg:$0x2];
	[bflag:$0x3] =	sbarrier.arrive $0xFFFF;
	s2 =	simm.s32 @!p0 $0x1C01  }
0x51: {  	[timem:s3], [sflag:s2] =	dma.local @!p0 [hbm:s0], s1  }
0x52: {  	s0 =	simm.s32 @!p0 $0x1  }
0x53: {  	_ =	swait.ge @!p0 [sflag:s0], s1  }
0x54: {  	s1 =	ssub.s32 @!p0 $0x0, s1;
	[sflag:s0] =	ssyncset.done @!p0 $0x0  }
0x55: {  	[sflag:s0] =	ssyncadd.s32 @!p0 s1  }
0x56: {  	[bflag:$0x3] =	sbarrier.arrive $0xFFFF  }
0x57: {  	_ =	shalt  }

// kernel: gather_offload_async_start.6
scs
__scs_entry_jumppad:
0x0: {  	(pc) =	sbr.rel $0x88, $3  }
0x1: {  	(tag) =	ssettag $0x0;
	lr =	simm.s32 $0x1  }
0x2: {  	[smem:$0x3F9A] =	sst lr;
	_ =	strace $0xD0000000  }
0x3: {  	_ = 	snop  }
0x4: {  	_ = 	snop  }
0x5: {  	_ = 	snop  }
0x6: {  	_ = 	snop  }
0x7: {  	_ = 	snop  }
__scs_overlays_trampoline_lowered:
0x8: {  	[smem:$0x3FA9] =	sst s0  }
0x9: {  	[smem:$0x3FAA] =	sst s1  }
0xa: {  	[smem:$0x3FAB] =	sst s2  }
0xb: {  	[smem:$0x3FAC] =	sst s3  }
0xc: {  	[smem:$0x3FAD] =	sst s4  }
0xd: {  	[smem:$0x3FAE] =	sst s5  }
0xe: {  	[smem:$0x3FAF] =	sst s6  }
0xf: {  	[smem:$0x3FB0] =	sst s7  }
0x10: {  	[smem:$0x3FB1] =	sst s8  }
0x11: {  	[smem:$0x3FB2] =	sst s9;
	s0 =	simm.s32 @!p0 $0x0  }
0x12: {  	s1 =	sld [smem:$0x3F98];
	s0 =	simm.s32 @p0 $0x1  }
0x13: {  	[smem:$0x3FB3] =	sst s0;
	s0 =	simm.s32 @!p1 $0x0  }
0x14: {  	s2 =	sld [smem:$0x3F97];
	s0 =	simm.s32 @p1 $0x1  }
0x15: {  	[smem:$0x3FB4] =	sst s0;
	s0 =	simm.s32 @!p2 $0x0  }
0x16: {  	s3 =	sld [smem:$0x3FDB];
	s0 =	simm.s32 @p2 $0x1  }
0x17: {  	s4 =	simm.s32 $0x1BF5;
	[smem:$0x3FB6] =	sst s0  }
0x18: {  	s0 =	sld [smem:$0x3F99];
	_ =	swait.ge [sflag:s4], $0x0  }
0x19: {  	s7 =	sld [smem:$0x3F9A]  }
0x1a: {  	s8 =	sadd.s32 $0xFFFFE003, lr  }
0x1b: {  	s9 =	sadd.s32 $0xFFFFFEF7, lr;
	s5 =	simm.s32 $0xFFFFFFFF;
	p2 =	slt.u32 s8, $0xFFFFF086  }
0x1c: {  	p1 =	slt.u32 s9, $0xF7A;
	s5 =	simm.s32 @!p2 $0x0  }
0x1d: {  	s5 =	simm.s32 @p1 $0x1;
	p0 =	seq.s32 s7, s2  }
0x1e: {  	s7 =	smul.u32 @!p0 $0xF7A, s2;
	p2 =	seq.s32 @!p0 s5, $0x0  }
0x1f: {  	s9 =	smul.u32 $0xF7A, s1;
	s8 =	simm.s32 @!p0 $0x1BF5;
	p2 =	por !p2, p0  }
0x20: {  	[sflag:s8] =	ssyncset.s32 @!p0 $0xFFFFF086;
	s6 =	sadd.s32 @!p0 s3, s7;
	s7 =	simm.s32 @!p0 $0x108  }
0x21: {  	s3 =	sadd.s32 s3, s9;
	s6 =	sadd.s32 @!p0 $0x88, s6;
	s7 =	simm.s32 @p2 $0x1082  }
0x22: {  	[simem:s7], [sflag:s8] =	dma.local @!p0 [hbm:s6], $0xF7A  }
0x23: {  	s9 =	sor.u32 $0xD0000000, s2;
	s6 =	simm.s32 $0x108;
	_ =	swait.ge @!p0 [sflag:s8], $0x0  }
0x24: {  	s3 =	sadd.s32 $0x88, s3;
	s6 =	simm.s32 @!p1 $0x1082;
	[sflag:s4] =	ssyncset.s32 $0xFFFFF086  }
0x25: {  	[simem:s6], [sflag:s4] =	dma.local [hbm:s3], $0xF7A  }
0x26: {  	[smem:$0x3F9A] =	sst s1;
	(tag) =	ssettag s2;
	_ =	strace s9  }
0x27: {  	s1 =	sld [smem:$0x3FAA]  }
0x28: {  	s2 =	sld [smem:$0x3FAB]  }
0x29: {  	s4 =	sld [smem:$0x3FAD]  }
0x2a: {  	p0 =	seq.s32 s5, $0x0;
	s5 =	sld [smem:$0x3FAE]  }
0x2b: {  	s6 =	sld [smem:$0x3FAF]  }
0x2c: {  	s7 =	sld [smem:$0x3FB0]  }
0x2d: {  	s3 =	simm.s32 $0x108;
	s8 =	sld [smem:$0x3FB1]  }
0x2e: {  	s3 =	simm.s32 @!p0 $0x1082;
	s9 =	sld [smem:$0x3FB2]  }
0x2f: {  	lr =	sadd.s32 s0, s3;
	s0 =	sld [smem:$0x3FA9]  }
0x30: {  	s3 =	sld [smem:$0x3FAC]  }
0x31: {  	[smem:$0x3FB5] =	sst s10  }
0x32: {  	s10 =	sld [smem:$0x3FB3];
	_ =	sdelay $0x3  }
0x33: {  	p0 =	seq.s32 s10, $0x1;
	s10 =	sld [smem:$0x3FB5];
	_ =	sdelay $0x3  }
0x34: {  	[smem:$0x3FB5] =	sst s10  }
0x35: {  	s10 =	sld [smem:$0x3FB4];
	_ =	sdelay $0x3  }
0x36: {  	p1 =	seq.s32 s10, $0x1;
	s10 =	sld [smem:$0x3FB5];
	_ =	sdelay $0x3  }
0x37: {  	[smem:$0x3FB5] =	sst s10  }
0x38: {  	s10 =	sld [smem:$0x3FB6]  }
0x39: {  	_ = 	snop;
	(pc) =	sbr.ind lr, $3  }
0x3a: {  	_ = 	snop  }
0x3b: {  	_ = 	snop  }
0x3c: {  	p2 =	seq.s32 s10, $0x1;
	s10 =	sld [smem:$0x3FB5]  }
0x3d: {  	_ =	shalt  }
0x3e: {  	_ =	shalt  }
0x3f: {  	_ =	shalt  }
0x40: {  	_ =	shalt  }
0x41: {  	_ =	shalt  }
0x42: {  	_ =	shalt  }
0x43: {  	_ =	shalt  }
0x44: {  	_ =	shalt  }
0x45: {  	_ =	shalt  }
0x46: {  	_ =	shalt  }
0x47: {  	_ =	shalt  }
0x48: {  	_ =	shalt  }
0x49: {  	_ =	shalt  }
0x4a: {  	_ =	shalt  }
0x4b: {  	_ =	shalt  }
0x4c: {  	_ =	shalt  }
0x4d: {  	_ =	shalt  }
0x4e: {  	_ =	shalt  }
0x4f: {  	_ =	shalt  }
0x50: {  	_ =	shalt  }
0x51: {  	_ =	shalt  }
0x52: {  	_ =	shalt  }
0x53: {  	_ =	shalt  }
0x54: {  	_ =	shalt  }
0x55: {  	_ =	shalt  }
0x56: {  	_ =	shalt  }
0x57: {  	_ =	shalt  }
0x58: {  	_ =	shalt  }
0x59: {  	_ =	shalt  }
0x5a: {  	_ =	shalt  }
0x5b: {  	_ =	shalt  }
0x5c: {  	_ =	shalt  }
0x5d: {  	_ =	shalt  }
0x5e: {  	_ =	shalt  }
0x5f: {  	_ =	shalt  }
0x60: {  	_ =	shalt  }
0x61: {  	_ =	shalt  }
0x62: {  	_ =	shalt  }
0x63: {  	_ =	shalt  }
0x64: {  	_ =	shalt  }
0x65: {  	_ =	shalt  }
0x66: {  	_ =	shalt  }
0x67: {  	_ =	shalt  }
0x68: {  	_ =	shalt  }
0x69: {  	_ =	shalt  }
0x6a: {  	_ =	shalt  }
0x6b: {  	_ =	shalt  }
0x6c: {  	_ =	shalt  }
0x6d: {  	_ =	shalt  }
0x6e: {  	_ =	shalt  }
0x6f: {  	_ =	shalt  }
0x70: {  	_ =	shalt  }
0x71: {  	_ =	shalt  }
0x72: {  	_ =	shalt  }
0x73: {  	_ =	shalt  }
0x74: {  	_ =	shalt  }
0x75: {  	_ =	shalt  }
0x76: {  	_ =	shalt  }
0x77: {  	_ =	shalt  }
0x78: {  	_ =	shalt  }
0x79: {  	_ =	shalt  }
0x7a: {  	_ =	shalt  }
0x7b: {  	_ =	shalt  }
0x7c: {  	_ =	shalt  }
0x7d: {  	_ =	shalt  }
0x7e: {  	_ =	shalt  }
0x7f: {  	_ =	shalt  }
0x80: {  	_ =	shalt  }
0x81: {  	_ =	shalt  }
0x82: {  	_ =	shalt  }
0x83: {  	_ =	shalt  }
0x84: {  	_ =	shalt  }
0x85: {  	_ =	shalt  }
0x86: {  	_ =	shalt  }
0x87: {  	_ =	shalt  }
.Lfunc_end0:
.L_simem_size_0:
called_computation.6_lowered:
.L_overlay_start_0:
0x88: {  	s2 =	sld [smem:$0x3FD9]  }
0x89: {  	s3 =	sld [smem:$0x3FFE];
	_ =	sdelay $0x1  }
0x8a: {  	s1 =	srdreg.scid  }
0x8b: {  	s0 =	sand.u32 $0x1, s1  }
0x8c: {  	s17 =	sshll.u32 s0, $0xA;
	s2 =	sadd.s32 s3, s2  }
0x8d: {  	s2 =	sadd.s32 s2, s17  }
0x8e: {  	[smem:$0x3FC1] =	sst s2  }
0x8f: {  	_ = 	snop  }
0x90: {  	(tm) =	ssettm $0x1  }
0x91: {  	s18 =	sld [smem:$0x3FFB];
	_ =	sdelay $0x3  }
0x92: {  	_ =	strace s18  }
0x93: {  	s2 =	sld [smem:$0x3FFC];
	_ =	sdelay $0x3  }
0x94: {  	_ =	strace s2  }
0x95: {  	s2 =	sld [smem:$0x3FFD];
	_ =	sdelay $0x3  }
0x96: {  	_ =	strace s2  }
0x97: {  	_ =	strace $0x8FFFFFFF  }
0x98: {  	s19 =	sld [smem:$0x3FDB];
	_ =	sdelay $0x1  }
0x99: {  	s20 =	simm.s32 $_scs_section_size  }
0x9a: {  	s4 =	simm.s32 $_size__tile_overlayer_lowered;
	s5 =	simm.s32 $_tile_overlayer_lowered  }
0x9b: {  	s6 =	simm.s32 $0x1BFF;
	s21 =	sshll.u32 s5, $0x1;
	s3 =	sadd.s32 s20, s19  }
0x9c: {  	s22 =	simm.s32 $0x0;
	s4 =	sshll.u32 s4, $0x1;
	s5 =	sadd.s32 s21, s3  }
0x9d: {  	[timem:s22], [sflag:s6] =	dma.local [hbm:s5], s4  }
0x9e: {  	_ =	swait.ge [sflag:s6], s4  }
0x9f: {  	s4 =	ssub.s32 $0x0, s4;
	[sflag:s6] =	ssyncset.done $0x0  }
0xa0: {  	[sflag:s6] =	ssyncadd.s32 s4;
	_ =	sdelay $0x1  }
0xa1: {  	s23 =	simm.s32 $0x1B8B  }
0xa2: {  	_ =	swait.ge [sflag:s23], $0x1  }
0xa3: {  	[sflag:s23] =	ssyncset.done $0x0  }
0xa4: {  	[sflag:s23] =	ssyncadd.s32 $0xFFFFFFFF  }
0xa5: {  	s4 =	sld [smem:$0x0]  }
0xa6: {  	s5 =	sand.u32 $0xFFFFFFFE, s1  }
0xa7: {  	p0 =	sne.s32 s1, s5  }
0xa8: {  	s5 =	sshll.u32 @p0 s5, $0xE  }
0xa9: {  	s5 =	sadd.s32 @p0 $0x11B8D, s5;
	s6 =	sshll.u32 @p0 s4, $0x11  }
0xaa: {  	s5 =	sor.u32 @p0 s6, s5  }
0xab: {  	[sflag:s5] =	ssyncadd.remote.s32 @p0 $0x1;
	_ =	sdelay $0x1  }
0xac: {  	s5 =	simm.s32 @p0 $0x1B8D  }
0xad: {  	_ =	swait.eq @p0 [sflag:s5], $0x1  }
0xae: {  	[sflag:s5] =	ssyncadd.s32 @p0 $0xFFFFFFFF  }
0xaf: {  	s6 =	sshll.u32 @!p0 s1, $0xE  }
0xb0: {  	s6 =	sor.u32 @!p0 $0x4000, s6;
	s5 =	simm.s32 @!p0 $0x1B8D  }
0xb1: {  	s4 =	sshll.u32 @!p0 s4, $0x11;
	s6 =	sadd.s32 @!p0 $0x11B8D, s6;
	_ =	swait.eq @!p0 [sflag:s5], $0x1  }
0xb2: {  	s4 =	sor.u32 @!p0 s4, s6;
	[sflag:s5] =	ssyncadd.s32 @!p0 $0xFFFFFFFF  }
0xb3: {  	s25 =	simm.s32 $0x1B8E;
	s24 =	sld [smem:$0x3FFE];
	[sflag:s4] =	ssyncadd.remote.s32 @!p0 $0x1  }
0xb4: {  	s26 =	simm.s32 $execute0_lowered;
	[smem:$0x3FD2] =	sst s25  }
0xb5: {  	s5 =	sshll.u32 s26, $0x1;
	_ =	strace $0x8000005B;
	[dreg:$0x1] =	wrdreg $0xFFFFFFFF  }
0xb6: {  	s28 =	simm.s32 $_size_execute0_lowered;
	s3 =	sadd.s32 s3, s5;
	[dreg:$0x0] =	wrdreg $0x0  }
0xb7: {  	s5 =	sshll.u32 s28, $0x1;
	[dreg:$0x2] =	wrdreg s3  }
0xb8: {  	[dreg:$0x3] =	wrdreg s5  }
0xb9: {  	[dreg:$0x4] =	wrdreg $0xC0  }
0xba: {  	_ =	task [dreg:s22], $0x5FFFF  }
0xbb: {  	[dreg:$0x1] =	wrdreg $0xFFFFFFFF  }
0xbc: {  	[dreg:$0x0] =	wrdreg $0x60  }
0xbd: {  	[dreg:$0x2] =	wrdreg s24  }
0xbe: {  	[dreg:$0x3] =	wrdreg $0xA  }
0xbf: {  	_ =	task.clear_ibuf [dreg:s22], $0x4FFFF;
	_ =	strace $0x9000005B  }
0xc0: {  	s29 =	simm.s32 $0xA;
	_ =	strace $0x8000005D  }
0xc1: {  	_ =	swait.ge [sflag:s29], $0x1  }
0xc2: {  	[sflag:s29] =	ssyncadd.s32 $0xFFFFFFFF  }
0xc3: {  	_ =	strace $0x9000005D  }
0xc4: {  	_ =	sfence  }
0xc5: {  	s30 =	sld [smem:$0x0];
	_ =	sdelay $0x2  }
0xc6: {  	s31 =	sshll.u32 s1, $0xD;
	s1 =	sshrl.u32 s1, $0x2  }
0xc7: {  	s4 =	sand.u32 $0x4000, s31;
	s1 =	sadd.s32 s1, s30  }
0xc8: {  	s0 =	sor.u32 s4, s0;
	s1 =	sshll.u32 s1, $0x11  }
0xc9: {  	s0 =	sor.u32 s1, s0  }
0xca: {  	s0 =	sadd.s32 $0x8F2B, s0  }
0xcb: {  	[sflag:s0] =	ssyncadd.remote.s32 $0x1  }
0xcc: {  	_ =	sfence.sel $0xFFFF  }
0xcd: {  	[dreg:$0x0] =	wrdreg $0xFFFFFFFF;
	(pc) =	sbr.abs _section_cstart, $3  }
0xce: {  	[dreg:$0x1] =	wrdreg $0xFFFFFFFF  }
0xcf: {  	_ =	task.clear_ibuf [dreg:s22], $0x2FFFF;
	_ =	strace $0x9FFFFFFF  }
0xd0: {  	(tm) =	ssettm $0x7FFFFFFF  }
0xd1: {  	_ =	shalt  }
tec
execute0_lowered:
.L_overlay_start_1:
0x0: {  	(tag) =	ssettag $0x1  }
0x1: {  	s0 =	srdreg.scid;
	s5 =	rddreg [dreg:$0x0]  }
0x2: {  	s1 =	stileid.u32;
	s6 =	simm.s32 $0x1;
	s9 =	simm.s32 $0x1  }
0x3: {  	s10 =	simm.s32 $0x3;
	s13 =	simm.s32 $0x0;
	s2 =	sshll.u32 s0, $0x7  }
0x4: {  	s12 =	simm.s32 $0x0;
	s3 =	sshll.u32 s1, $0x8;
	s2 =	sand.u32 $0x80, s2  }
0x5: {  	s0 =	rddreg [dreg:$0x1];
	_ =	strace $0x8000005C;
	s2 =	sor.u32 s3, s2  }
0x6: {  	s4 =	sadd.s32 $0x11000, s5;
	[sflag:s6] =	ssyncpa.u1 $0x0;
	s8 =	ssub.s32 $0x1800, s2  }
.Ltmp0:
0x7: {  	s3 =	sadd.s32 $0x12C00, s5;
	s7 =	sand.u32 $0xF80, s8;
	(pc) =	sbr.rel .LBB2_1-.Ltmp0, $4  }
0x8: {  	s5 =	sadd.s32 $0x11800, s5;
	s11 =	smov.u32 s2;
	p0 =	sne.s32 s7, $0x0  }
0x9: {  	s8 =	sshrl.u32 s8, $0xC;
	s7 =	simm.s32 $0x2;
	s9 =	simm.s32 @!p0 $0x0  }
0xa: {  	[sflag:s7] =	ssyncpa.u1 $0x0;
	p0 =	por $0x0, $0x0;
	s8 =	sadd.s32 s9, s8  }
0xb: {  	vm0 =	vmmov $0xffff;
	[sflag:s10] =	ssyncpa.u1 $0x0;
	s10 =	simm.s32 $0x0;
	s9 =	sadd.s32 $0x1, s8  }
.LBB2_4:
0xc: {  	v5 =	vshrl.u32 v1, $0xD;
	v6 =	vshll.u32 v1, $0x7  }
0xd: {  	vm1 =	veq.s32 v1, $0x80000000;
	v58 =	vand.u32 $0x7F, v5;
	v59 =	vand.u32 $0xFFF80, v6  }
0xe: {  	v1 =	vsel vm1, $0xFFFFFFFF, v58;
	v5 =	vsel vm1, $0xFFFFFF80, v59  }
0xf: {  	v3 =	vor.u32 v4, v3;
	v60 =	vand.u32 $0xFFFFFC00, v5;
	v61 =	vand.u32 $0xFFFFFC00, v1  }
0x10: {  	v2 =	vor.u32 v2, v3;
	v63 =	vand.u32 $0x380, v5;
	v62 =	vadd.s32 v61, v60  }
0x11: {  	v1 =	vand.u32 $0x7F, v1;
	v3 =	vor.u32 v63, v62  }
0x12: {  	v1 =	vor.u32 v1, v3  }
0x13: {  	[tilespmem:s15], [sflag:$0x1] =	stream.indirect_vreg.gather [hbm4b:s3+s10], $0x1, v0, vm0, $0x4038;
	[tilespmem:$0x200] =	vst v63  }
0x14: {  	(ifvalue) =	ssetifvalue $0x7FFFFFFF  }
0x15: {  	[tilespmem:s16], [sflag:$0x1] =	stream.indirect_vreg.gather [hbm4b:s3+s10], $0x1, v2, vm0, $0x4038;
	[tilespmem:$0x200] =	vst v63  }
0x16: {  	s29 =	sadd.s32 $0x10, s16;
	(ifvalue) =	ssetifvalue $0x7FFFFFFF  }
0x17: {  	[tilespmem:s29], [sflag:$0x1] =	stream.indirect_vreg.gather [hbm4b:s3+s10], $0x1, v1, vm0, $0x4038;
	[tilespmem:$0x200] =	vst v63  }
0x18: {  	_ =	swait.ge [sflag:s6], $0x80  }
0x19: {  	s30 =	sshrl.u32 s13, $0x3;
	[sflag:s6] =	ssyncset.done $0x0  }
0x1a: {  	s31 =	sand.u32 $0x7, s13;
	s15 =	sadd.s32 s5, s30;
	[sflag:s6] =	ssyncadd.s32 $0xFFFFFF80  }
0x1b: {  	[hbm4b:s15+s31] =	stream.linear.scatter [tilespmem:s14], [sflag:$0x3], $0x80, $0x38;
	[tilespmem:$0x200] =	vst v63  }
.LBB2_5:
0x1c: {  	s15 =	sadd.s32 $0x1000, s11  }
0x1d: {  	p2 =	sgt.s32 s15, $0x17FF  }
0x1e: {  	s15 =	smov.u32 @p2 s2;
	p2 =	sne.s32 s12, s9  }
.Ltmp1:
0x1f: {  	p1 =	slt.u32 s12, $0x2;
	(pc) =	sbr.rel @!p2 .LBB2_6-.Ltmp1, $4  }
0x20: {  	s14 =	simm.s32 @!p1 $0x3  }
0x21: {  	s16 =	sadd.s32 $0x1, s12;
	_ =	swait.ge @!p1 [sflag:s14], $0x80  }
0x22: {  	s13 =	smov.u32 s11;
	p0 =	por !p0, !p0;
	[sflag:s14] =	ssyncset.done @!p1 $0x0  }
0x23: {  	s12 =	smov.u32 s16;
	s11 =	smov.u32 s15;
	[sflag:s14] =	ssyncadd.s32 @!p1 $0xFFFFFF80  }
.LBB2_1:
0x24: {  	p1 =	sge.u32 s12, s8  }
0x25: {  	s14 =	sxor.u32 @!p1 $0xFFFFFFFF, s12  }
0x26: {  	s31 =	sadd.s32 $0xFFFFFFFF, s12;
	s15 =	sshrl.u32 @!p1 s11, $0x3;
	s14 =	sshll.u32 @!p1 s14, $0x7  }
0x27: {  	s16 =	sand.u32 @!p1 $0x7, s11;
	s15 =	sadd.s32 @!p1 s4, s15;
	s14 =	sand.u32 @!p1 $0x80, s14  }
0x28: {  	[tilespmem:s14], [sflag:$0x2] =	stream.linear.gather @!p1 [hbm4b:s15+s16], $0x80, $0x38;
	[tilespmem:$0x200] =	vst v63  }
0x29: {  	p1 =	sge.u32 s31, s8  }
.Ltmp2:
0x2a: {  	_ = 	snop;
	(pc) =	sbr.rel @p1 .LBB2_5-.Ltmp2, $1  }
0x2b: {  	_ =	sdelay $0x3  }
0x2c: {  	s14 =	simm.s32 $0x1  }
0x2d: {  	_ =	swait.ge [sflag:s7], $0x80;
	s14 =	simm.s32 @!p0 $0x0  }
0x2e: {  	[sflag:s7] =	ssyncset.done $0x0;
	s14 =	sshll.u32 s14, $0x7  }
0x2f: {  	[sflag:s7] =	ssyncadd.s32 $0xFFFFFF80;
	(ifvalue) =	ssetifvalue $0x7FFFFFFF;
	v0 =	vld.msk [tilespmem:s14+$0x0 ss:$0x1], $0xffff;
	_ =	sdelay $0x4  }
0x30: {  	s15 =	sadd.s32 $0x10, s14;
	v2 =	vshrl.u32 v0, $0xD;
	v3 =	vshll.u32 v0, $0x7  }
0x31: {  	v1 =	vld.msk [tilespmem:s15+$0x0 ss:$0x1], $0xffff;
	vm1 =	veq.s32 v0, $0x80000000;
	v0 =	vand.u32 $0x7F, v2;
	v2 =	vand.u32 $0xFFF80, v3  }
0x32: {  	v0 =	vsel vm1, $0xFFFFFFFF, v0;
	v2 =	vsel vm1, $0xFFFFFF80, v2  }
0x33: {  	v3 =	vand.u32 $0xFFFFFC00, v2;
	v4 =	vand.u32 $0xFFFFFC00, v0  }
0x34: {  	v2 =	vand.u32 $0x380, v2;
	v3 =	vadd.s32 v4, v3  }
0x35: {  	v0 =	vand.u32 $0x7F, v0;
	v2 =	vor.u32 v2, v3  }
0x36: {  	v5 =	vshll.u32 v1, $0x7;
	v4 =	vshrl.u32 v1, $0xD;
	v0 =	vor.u32 v0, v2  }
0x37: {  	s16 =	sshll.u32 s12, $0x7;
	vm1 =	veq.s32 v1, $0x80000000;
	v1 =	vand.u32 $0x7F, v4;
	v4 =	vand.u32 $0xFFF80, v5  }
0x38: {  	s16 =	sand.u32 $0x80, s16;
	s18 =	sadd.s32 $0x10, s15;
	v3 =	vsel vm1, $0xFFFFFFFF, v1;
	v4 =	vsel vm1, $0xFFFFFF80, v4  }
0x39: {  	s17 =	simm.s32 $0x20;
	s15 =	sor.u32 $0x100, s14;
	s14 =	sor.u32 $0x100, s16;
	v1 =	vld.msk [tilespmem:s18+$0x0 ss:$0x1], $0xffff;
	v5 =	vand.u32 $0xFFFFFC00, v4;
	v6 =	vand.u32 $0xFFFFFC00, v3  }
0x3a: {  	s16 =	sadd.s32 $0x10, s15;
	s18 =	sadd.s32 $0x10, s18;
	(ifvalue) =	ssetifvalue $0x7FFFFFFF;
	v2 =	vand.u32 $0x7F, v3;
	v4 =	vand.u32 $0x380, v4;
	v3 =	vadd.s32 v6, v5  }
.LBB2_3:
0x3b: {  	[tilespmem:s15], [sflag:$0x1] =	stream.indirect_vreg.gather [hbm4b:s3+s10], $0x1, v0, vm0, $0x4038;
	[tilespmem:$0x200] =	vst v63  }
0x3c: {  	s17 =	sadd.s32 $0x10, s17  }
0x3d: {  	v3 =	vor.u32 v4, v3;
	p1 =	slt.u32 s17, $0x70  }
.Ltmp3:
0x3e: {  	v4 =	vshrl.u32 v1, $0xD;
	v5 =	vshll.u32 v1, $0x7;
	s15 =	smov.u32 s16;
	v0 =	vor.u32 v2, v3;
	v2 =	vmovc v1;
	v1 =	vld.msk [tilespmem:s18+$0x0 ss:$0x1], $0xffff;
	(pc) =	sbr.rel @p1 .LBB2_3-.Ltmp3, $4  }
0x3f: {  	v3 =	vand.u32 $0xFFF80, v5;
	vm1 =	veq.s32 v2, $0x80000000;
	v2 =	vand.u32 $0x7F, v4  }
0x40: {  	v4 =	vsel vm1, $0xFFFFFFFF, v2;
	v5 =	vsel vm1, $0xFFFFFF80, v3  }
0x41: {  	v2 =	vand.u32 $0x7F, v4;
	v3 =	vand.u32 $0xFFFFFC00, v5;
	v4 =	vand.u32 $0xFFFFFC00, v4  }
0x42: {  	s16 =	sadd.s32 $0x10, s16;
	s18 =	sadd.s32 $0x10, s18;
	v3 =	vadd.s32 v4, v3;
	v4 =	vand.u32 $0x380, v5;
	(ifvalue) =	ssetifvalue $0x7FFFFFFF  }
.Ltmp4:
0x43: {  	_ = 	snop;
	(pc) =	sbr.rel .LBB2_4-.Ltmp4, $1  }
0x44: {  	_ =	sdelay $0x3  }
.LBB2_6:
0x45: {  	_ =	sfence.sel $0x180000  }
0x46: {  	s2 =	simm.s32 $0x2;
	[bflag:$0x0] =	sbarrier.arrive $0xFFFF  }
0x47: {  	s30 =	simm.s32 $0x3;
	[sflag:s2] =	ssyncpa.u1 $0x1  }
0x48: {  	s31 =	simm.s32 $0x1;
	[sflag:s30] =	ssyncpa.u1 $0x1  }
0x49: {  	[sflag:s31] =	ssyncpa.u1 $0x1  }
0x4a: {  	p0 =	sne.s32 s1, $0x0;
	_ =	strace $0x9000005C  }
0x4b: {  	s0 =	sadd.s32 @!p0 $0x100000, s0;
	[bflag:$0x2] =	sbarrier.arrive $0xFFFF  }
0x4c: {  	[sflag:s0] =	ssyncadd.tile.s32 @!p0 $0x1;
	_ =	shalt  }
.Lfunc_end2:
_tile_overlayer_lowered:
.L_overlay_start_2:
0x4d: {  	(tag) =	ssettag $0x2  }
0x4e: {  	s0 =	rddreg [dreg:$0x0];
	s2 =	stileid.u32  }
0x4f: {  	s1 =	rddreg [dreg:$0x1];
	p0 =	sne.s32 s2, $0x0  }
0x50: {  	s3 =	rddreg [dreg:$0x2];
	[bflag:$0x3] =	sbarrier.arrive $0xFFFF;
	s2 =	simm.s32 @!p0 $0x1C01  }
0x51: {  	[timem:s3], [sflag:s2] =	dma.local @!p0 [hbm:s0], s1  }
0x52: {  	s0 =	simm.s32 @!p0 $0x1  }
0x53: {  	_ =	swait.ge @!p0 [sflag:s0], s1  }
0x54: {  	s1 =	ssub.s32 @!p0 $0x0, s1;
	[sflag:s0] =	ssyncset.done @!p0 $0x0  }
0x55: {  	[sflag:s0] =	ssyncadd.s32 @!p0 s1  }
0x56: {  	[bflag:$0x3] =	sbarrier.arrive $0xFFFF  }
0x57: {  	_ =	shalt  }

// kernel: gather_offload_async_start
scs
__scs_entry_jumppad:
0x0: {  	(pc) =	sbr.rel $0x88, $3  }
0x1: {  	(tag) =	ssettag $0x0;
	lr =	simm.s32 $0x1  }
0x2: {  	[smem:$0x3F9A] =	sst lr;
	_ =	strace $0xD0000000  }
0x3: {  	_ = 	snop  }
0x4: {  	_ = 	snop  }
0x5: {  	_ = 	snop  }
0x6: {  	_ = 	snop  }
0x7: {  	_ = 	snop  }
__scs_overlays_trampoline_lowered:
0x8: {  	[smem:$0x3FA9] =	sst s0  }
0x9: {  	[smem:$0x3FAA] =	sst s1  }
0xa: {  	[smem:$0x3FAB] =	sst s2  }
0xb: {  	[smem:$0x3FAC] =	sst s3  }
0xc: {  	[smem:$0x3FAD] =	sst s4  }
0xd: {  	[smem:$0x3FAE] =	sst s5  }
0xe: {  	[smem:$0x3FAF] =	sst s6  }
0xf: {  	[smem:$0x3FB0] =	sst s7  }
0x10: {  	[smem:$0x3FB1] =	sst s8  }
0x11: {  	[smem:$0x3FB2] =	sst s9;
	s0 =	simm.s32 @!p0 $0x0  }
0x12: {  	s1 =	sld [smem:$0x3F98];
	s0 =	simm.s32 @p0 $0x1  }
0x13: {  	[smem:$0x3FB3] =	sst s0;
	s0 =	simm.s32 @!p1 $0x0  }
0x14: {  	s2 =	sld [smem:$0x3F97];
	s0 =	simm.s32 @p1 $0x1  }
0x15: {  	[smem:$0x3FB4] =	sst s0;
	s0 =	simm.s32 @!p2 $0x0  }
0x16: {  	s3 =	sld [smem:$0x3FDB];
	s0 =	simm.s32 @p2 $0x1  }
0x17: {  	s4 =	simm.s32 $0x1BF5;
	[smem:$0x3FB6] =	sst s0  }
0x18: {  	s0 =	sld [smem:$0x3F99];
	_ =	swait.ge [sflag:s4], $0x0  }
0x19: {  	s7 =	sld [smem:$0x3F9A]  }
0x1a: {  	s8 =	sadd.s32 $0xFFFFE003, lr  }
0x1b: {  	s9 =	sadd.s32 $0xFFFFFEF7, lr;
	s5 =	simm.s32 $0xFFFFFFFF;
	p2 =	slt.u32 s8, $0xFFFFF086  }
0x1c: {  	p1 =	slt.u32 s9, $0xF7A;
	s5 =	simm.s32 @!p2 $0x0  }
0x1d: {  	s5 =	simm.s32 @p1 $0x1;
	p0 =	seq.s32 s7, s2  }
0x1e: {  	s7 =	smul.u32 @!p0 $0xF7A, s2;
	p2 =	seq.s32 @!p0 s5, $0x0  }
0x1f: {  	s9 =	smul.u32 $0xF7A, s1;
	s8 =	simm.s32 @!p0 $0x1BF5;
	p2 =	por !p2, p0  }
0x20: {  	[sflag:s8] =	ssyncset.s32 @!p0 $0xFFFFF086;
	s6 =	sadd.s32 @!p0 s3, s7;
	s7 =	simm.s32 @!p0 $0x108  }
0x21: {  	s3 =	sadd.s32 s3, s9;
	s6 =	sadd.s32 @!p0 $0x88, s6;
	s7 =	simm.s32 @p2 $0x1082  }
0x22: {  	[simem:s7], [sflag:s8] =	dma.local @!p0 [hbm:s6], $0xF7A  }
0x23: {  	s9 =	sor.u32 $0xD0000000, s2;
	s6 =	simm.s32 $0x108;
	_ =	swait.ge @!p0 [sflag:s8], $0x0  }
0x24: {  	s3 =	sadd.s32 $0x88, s3;
	s6 =	simm.s32 @!p1 $0x1082;
	[sflag:s4] =	ssyncset.s32 $0xFFFFF086  }
0x25: {  	[simem:s6], [sflag:s4] =	dma.local [hbm:s3], $0xF7A  }
0x26: {  	[smem:$0x3F9A] =	sst s1;
	(tag) =	ssettag s2;
	_ =	strace s9  }
0x27: {  	s1 =	sld [smem:$0x3FAA]  }
0x28: {  	s2 =	sld [smem:$0x3FAB]  }
0x29: {  	s4 =	sld [smem:$0x3FAD]  }
0x2a: {  	p0 =	seq.s32 s5, $0x0;
	s5 =	sld [smem:$0x3FAE]  }
0x2b: {  	s6 =	sld [smem:$0x3FAF]  }
0x2c: {  	s7 =	sld [smem:$0x3FB0]  }
0x2d: {  	s3 =	simm.s32 $0x108;
	s8 =	sld [smem:$0x3FB1]  }
0x2e: {  	s3 =	simm.s32 @!p0 $0x1082;
	s9 =	sld [smem:$0x3FB2]  }
0x2f: {  	lr =	sadd.s32 s0, s3;
	s0 =	sld [smem:$0x3FA9]  }
0x30: {  	s3 =	sld [smem:$0x3FAC]  }
0x31: {  	[smem:$0x3FB5] =	sst s10  }
0x32: {  	s10 =	sld [smem:$0x3FB3];
	_ =	sdelay $0x3  }
0x33: {  	p0 =	seq.s32 s10, $0x1;
	s10 =	sld [smem:$0x3FB5];
	_ =	sdelay $0x3  }
0x34: {  	[smem:$0x3FB5] =	sst s10  }
0x35: {  	s10 =	sld [smem:$0x3FB4];
	_ =	sdelay $0x3  }
0x36: {  	p1 =	seq.s32 s10, $0x1;
	s10 =	sld [smem:$0x3FB5];
	_ =	sdelay $0x3  }
0x37: {  	[smem:$0x3FB5] =	sst s10  }
0x38: {  	s10 =	sld [smem:$0x3FB6]  }
0x39: {  	_ = 	snop;
	(pc) =	sbr.ind lr, $3  }
0x3a: {  	_ = 	snop  }
0x3b: {  	_ = 	snop  }
0x3c: {  	p2 =	seq.s32 s10, $0x1;
	s10 =	sld [smem:$0x3FB5]  }
0x3d: {  	_ =	shalt  }
0x3e: {  	_ =	shalt  }
0x3f: {  	_ =	shalt  }
0x40: {  	_ =	shalt  }
0x41: {  	_ =	shalt  }
0x42: {  	_ =	shalt  }
0x43: {  	_ =	shalt  }
0x44: {  	_ =	shalt  }
0x45: {  	_ =	shalt  }
0x46: {  	_ =	shalt  }
0x47: {  	_ =	shalt  }
0x48: {  	_ =	shalt  }
0x49: {  	_ =	shalt  }
0x4a: {  	_ =	shalt  }
0x4b: {  	_ =	shalt  }
0x4c: {  	_ =	shalt  }
0x4d: {  	_ =	shalt  }
0x4e: {  	_ =	shalt  }
0x4f: {  	_ =	shalt  }
0x50: {  	_ =	shalt  }
0x51: {  	_ =	shalt  }
0x52: {  	_ =	shalt  }
0x53: {  	_ =	shalt  }
0x54: {  	_ =	shalt  }
0x55: {  	_ =	shalt  }
0x56: {  	_ =	shalt  }
0x57: {  	_ =	shalt  }
0x58: {  	_ =	shalt  }
0x59: {  	_ =	shalt  }
0x5a: {  	_ =	shalt  }
0x5b: {  	_ =	shalt  }
0x5c: {  	_ =	shalt  }
0x5d: {  	_ =	shalt  }
0x5e: {  	_ =	shalt  }
0x5f: {  	_ =	shalt  }
0x60: {  	_ =	shalt  }
0x61: {  	_ =	shalt  }
0x62: {  	_ =	shalt  }
0x63: {  	_ =	shalt  }
0x64: {  	_ =	shalt  }
0x65: {  	_ =	shalt  }
0x66: {  	_ =	shalt  }
0x67: {  	_ =	shalt  }
0x68: {  	_ =	shalt  }
0x69: {  	_ =	shalt  }
0x6a: {  	_ =	shalt  }
0x6b: {  	_ =	shalt  }
0x6c: {  	_ =	shalt  }
0x6d: {  	_ =	shalt  }
0x6e: {  	_ =	shalt  }
0x6f: {  	_ =	shalt  }
0x70: {  	_ =	shalt  }
0x71: {  	_ =	shalt  }
0x72: {  	_ =	shalt  }
0x73: {  	_ =	shalt  }
0x74: {  	_ =	shalt  }
0x75: {  	_ =	shalt  }
0x76: {  	_ =	shalt  }
0x77: {  	_ =	shalt  }
0x78: {  	_ =	shalt  }
0x79: {  	_ =	shalt  }
0x7a: {  	_ =	shalt  }
0x7b: {  	_ =	shalt  }
0x7c: {  	_ =	shalt  }
0x7d: {  	_ =	shalt  }
0x7e: {  	_ =	shalt  }
0x7f: {  	_ =	shalt  }
0x80: {  	_ =	shalt  }
0x81: {  	_ =	shalt  }
0x82: {  	_ =	shalt  }
0x83: {  	_ =	shalt  }
0x84: {  	_ =	shalt  }
0x85: {  	_ =	shalt  }
0x86: {  	_ =	shalt  }
0x87: {  	_ =	shalt  }
.Lfunc_end0:
.L_simem_size_0:
called_computation_lowered:
.L_overlay_start_0:
0x88: {  	s0 =	sld [smem:$0x3FD9]  }
0x89: {  	s1 =	sld [smem:$0x3FFE];
	_ =	sdelay $0x3  }
0x8a: {  	s0 =	sadd.s32 s1, s0  }
0x8b: {  	[smem:$0x3FC1] =	sst s0  }
0x8c: {  	_ = 	snop  }
0x8d: {  	(tm) =	ssettm $0x1  }
0x8e: {  	s15 =	sld [smem:$0x3FFB];
	_ =	sdelay $0x3  }
0x8f: {  	_ =	strace s15  }
0x90: {  	s0 =	sld [smem:$0x3FFC];
	_ =	sdelay $0x3  }
0x91: {  	_ =	strace s0  }
0x92: {  	s0 =	sld [smem:$0x3FFD];
	_ =	sdelay $0x3  }
0x93: {  	_ =	strace s0  }
0x94: {  	_ =	strace $0x8FFFFFFF  }
0x95: {  	s16 =	sld [smem:$0x3FDB];
	_ =	sdelay $0x1  }
0x96: {  	s17 =	simm.s32 $_scs_section_size  }
0x97: {  	s2 =	simm.s32 $_size__tile_overlayer_lowered;
	s3 =	simm.s32 $_tile_overlayer_lowered  }
0x98: {  	s20 =	simm.s32 $0x1BFF;
	s19 =	sshll.u32 s3, $0x1;
	s0 =	sadd.s32 s17, s16  }
0x99: {  	s4 =	simm.s32 $0x0;
	s18 =	sshll.u32 s2, $0x1;
	s2 =	sadd.s32 s19, s0  }
0x9a: {  	[timem:s4], [sflag:s20] =	dma.local [hbm:s2], s18  }
0x9b: {  	_ =	swait.ge [sflag:s20], s18  }
0x9c: {  	s1 =	ssub.s32 $0x0, s18;
	[sflag:s20] =	ssyncset.done $0x0  }
0x9d: {  	[sflag:s20] =	ssyncadd.s32 s1;
	_ =	sdelay $0x1  }
0x9e: {  	s21 =	simm.s32 $0x1B8B  }
0x9f: {  	_ =	swait.ge [sflag:s21], $0x1  }
0xa0: {  	[sflag:s21] =	ssyncset.done $0x0  }
0xa1: {  	s23 =	simm.s32 $0x1B8E;
	s22 =	sld [smem:$0x3FFE];
	[sflag:s21] =	ssyncadd.s32 $0xFFFFFFFF  }
0xa2: {  	s24 =	simm.s32 $execute0_lowered;
	[smem:$0x3FD2] =	sst s23  }
0xa3: {  	s2 =	sshll.u32 s24, $0x1;
	_ =	strace $0x80000046;
	[dreg:$0x1] =	wrdreg $0xFFFFFFFF  }
0xa4: {  	s25 =	simm.s32 $_size_execute0_lowered;
	s0 =	sadd.s32 s0, s2;
	[dreg:$0x0] =	wrdreg $0x0  }
0xa5: {  	s2 =	sshll.u32 s25, $0x1;
	[dreg:$0x2] =	wrdreg s0  }
0xa6: {  	[dreg:$0x3] =	wrdreg s2  }
0xa7: {  	[dreg:$0x4] =	wrdreg $0xC0  }
0xa8: {  	_ =	task [dreg:s4], $0x5FFFF  }
0xa9: {  	[dreg:$0x1] =	wrdreg $0xFFFFFFFF  }
0xaa: {  	[dreg:$0x0] =	wrdreg $0x60  }
0xab: {  	[dreg:$0x2] =	wrdreg s22  }
0xac: {  	[dreg:$0x3] =	wrdreg $0x9  }
0xad: {  	_ =	task.clear_ibuf [dreg:s4], $0x4FFFF;
	_ =	strace $0x90000046  }
0xae: {  	s26 =	simm.s32 $0x9;
	_ =	strace $0x80000048  }
0xaf: {  	_ =	swait.ge [sflag:s26], $0x1  }
0xb0: {  	[sflag:s26] =	ssyncadd.s32 $0xFFFFFFFF  }
0xb1: {  	_ =	strace $0x90000048  }
0xb2: {  	_ =	sfence  }
0xb3: {  	s28 =	sld [smem:$0x0];
	_ =	sdelay $0x1  }
0xb4: {  	s29 =	srdreg.scid  }
0xb5: {  	s30 =	sshll.u32 s29, $0xD;
	s31 =	sshrl.u32 s29, $0x2  }
0xb6: {  	s1 =	sand.u32 $0x1, s29;
	s2 =	sand.u32 $0x4000, s30;
	s0 =	sadd.s32 s31, s28  }
0xb7: {  	s1 =	sor.u32 s2, s1;
	s0 =	sshll.u32 s0, $0x11  }
0xb8: {  	s0 =	sor.u32 s0, s1  }
0xb9: {  	s0 =	sadd.s32 $0x8F2B, s0  }
0xba: {  	[sflag:s0] =	ssyncadd.remote.s32 $0x1  }
0xbb: {  	_ =	sfence.sel $0xFFFF  }
0xbc: {  	[dreg:$0x0] =	wrdreg $0xFFFFFFFF;
	(pc) =	sbr.abs _section_cstart, $3  }
0xbd: {  	[dreg:$0x1] =	wrdreg $0xFFFFFFFF  }
0xbe: {  	_ =	task.clear_ibuf [dreg:s4], $0x2FFFF;
	_ =	strace $0x9FFFFFFF  }
0xbf: {  	(tm) =	ssettm $0x7FFFFFFF  }
tec
execute0_lowered:
.L_overlay_start_1:
0x0: {  	(tag) =	ssettag $0x1  }
0x1: {  	s8 =	rddreg [dreg:$0x0]  }
0x2: {  	s0 =	rddreg [dreg:$0x1];
	_ =	strace $0x80000047  }
0x3: {  	s4 =	simm.s32 $0x1;
	s1 =	stileid.u32;
	s7 =	simm.s32 $0x1  }
0x4: {  	s9 =	simm.s32 $0x1;
	s6 =	simm.s32 $0x2;
	s10 =	simm.s32 $0x3  }
0x5: {  	s13 =	simm.s32 $0x0;
	s12 =	simm.s32 $0x0;
	s2 =	sadd.s32 $0x10800, s8  }
.Ltmp0:
0x6: {  	s3 =	sadd.s32 $0x10400, s8;
	p0 =	slt.u32 s1, $0xA;
	(pc) =	sbr.rel .LBB2_1-.Ltmp0, $4  }
0x7: {  	[sflag:s4] =	ssyncpa.u1 $0x0;
	s7 =	simm.s32 @!p0 $0x0;
	p0 =	sne.s32 s1, $0x9  }
0x8: {  	s5 =	smul.u32 $0xF0, s1;
	[sflag:s6] =	ssyncpa.u1 $0x0;
	s9 =	simm.s32 @!p0 $0x0  }
0x9: {  	s8 =	sadd.s32 $0x12800, s8;
	[sflag:s10] =	ssyncpa.u1 $0x0;
	s7 =	sadd.s32 s9, s7  }
0xa: {  	vm0 =	vmmov $0xffff;
	s10 =	simm.s32 $0x0;
	s11 =	smov.u32 s5;
	s9 =	sadd.s32 $0x1, s7  }
.LBB2_4:
0xb: {  	v2 =	vnsel vm1, $0x0, v2  }
0xc: {  	vm1 =	vgt.s32 v0, $0x0;
	v2 =	vmin.u32 v2, $0xFFFF  }
0xd: {  	v0 =	vnsel vm1, $0x0, v0  }
0xe: {  	v0 =	vmin.u32 v0, $0xFFFF  }
0xf: {  	[tilespmem:s18], [sflag:$0x1] =	stream.indirect_vreg.gather [hbm4b:s2+s10], $0x1, v1, vm0, $0x4038;
	[tilespmem:$0x3C0] =	vst v63  }
0x10: {  	(ifvalue) =	ssetifvalue $0x7FFFFFFF  }
0x11: {  	[tilespmem:s15], [sflag:$0x1] =	stream.indirect_vreg.gather [hbm4b:s2+s10], $0x1, v2, vm0, $0x4038;
	[tilespmem:$0x3C0] =	vst v63  }
0x12: {  	s29 =	sadd.s32 $0x10, s15;
	(ifvalue) =	ssetifvalue $0x7FFFFFFF  }
0x13: {  	[tilespmem:s29], [sflag:$0x1] =	stream.indirect_vreg.gather [hbm4b:s2+s10], $0x1, v0, vm0, $0x4038;
	[tilespmem:$0x3C0] =	vst v63  }
0x14: {  	_ =	swait.ge [sflag:s4], $0xF0  }
0x15: {  	s30 =	sshrl.u32 s13, $0x3;
	[sflag:s4] =	ssyncset.done $0x0  }
0x16: {  	s31 =	sand.u32 $0x7, s13;
	s15 =	sadd.s32 s8, s30;
	[sflag:s4] =	ssyncadd.s32 $0xFFFFFF10  }
0x17: {  	[hbm4b:s15+s31] =	stream.linear.scatter [tilespmem:s14], [sflag:$0x3], $0xF0, $0x38;
	[tilespmem:$0x3C0] =	vst v63  }
.LBB2_5:
0x18: {  	s15 =	sadd.s32 $0xF00, s11  }
0x19: {  	p1 =	sgt.s32 s15, $0x176F  }
0x1a: {  	s15 =	smov.u32 @p1 s5;
	p1 =	sne.s32 s12, s9  }
.Ltmp1:
0x1b: {  	p0 =	slt.u32 s12, $0x2;
	(pc) =	sbr.rel @!p1 .LBB2_6-.Ltmp1, $4  }
0x1c: {  	s14 =	simm.s32 @!p0 $0x3  }
0x1d: {  	_ =	swait.ge @!p0 [sflag:s14], $0xF0  }
0x1e: {  	s16 =	sadd.s32 $0x1, s12;
	s13 =	smov.u32 s11;
	[sflag:s14] =	ssyncset.done @!p0 $0x0  }
0x1f: {  	s12 =	smov.u32 s16;
	s11 =	smov.u32 s15;
	[sflag:s14] =	ssyncadd.s32 @!p0 $0xFFFFFF10  }
.LBB2_1:
0x20: {  	p0 =	sge.u32 s12, s7  }
0x21: {  	s14 =	sxor.u32 @!p0 $0x1, s12  }
0x22: {  	s14 =	smul.u32 @!p0 $0x3C0, s14  }
0x23: {  	s31 =	sadd.s32 $0xFFFFFFFF, s12;
	s15 =	sshrl.u32 @!p0 s11, $0x3  }
0x24: {  	s16 =	sand.u32 @!p0 $0x7, s11;
	s15 =	sadd.s32 @!p0 s3, s15;
	s14 =	sshra.s32 @!p0 s14, $0x2  }
0x25: {  	[tilespmem:s14], [sflag:$0x2] =	stream.linear.gather @!p0 [hbm4b:s15+s16], $0xF0, $0x38;
	[tilespmem:$0x3C0] =	vst v63  }
0x26: {  	p0 =	sge.u32 s31, s7  }
.Ltmp2:
0x27: {  	_ = 	snop;
	(pc) =	sbr.rel @p0 .LBB2_5-.Ltmp2, $1  }
0x28: {  	_ =	sdelay $0x3  }
0x29: {  	s14 =	sand.u32 $0x1, s12  }
0x2a: {  	_ =	swait.ge [sflag:s6], $0xF0;
	p0 =	seq.s32 s14, $0x1;
	s14 =	simm.s32 $0xF0  }
0x2b: {  	[sflag:s6] =	ssyncset.done $0x0;
	s14 =	simm.s32 @!p0 $0x0  }
0x2c: {  	[sflag:s6] =	ssyncadd.s32 $0xFFFFFF10;
	(ifvalue) =	ssetifvalue $0x7FFFFFFF;
	v0 =	vld.msk [tilespmem:s14+$0x0 ss:$0x1], $0xffff;
	_ =	sdelay $0x4  }
0x2d: {  	s15 =	sadd.s32 $0x10, s14;
	vm1 =	vgt.s32 v0, $0x0  }
0x2e: {  	v2 =	vld.msk [tilespmem:s15+$0x0 ss:$0x1], $0xffff;
	v1 =	vnsel vm1, $0x0, v0  }
0x2f: {  	v1 =	vmin.u32 v1, $0xFFFF;
	_ =	sdelay $0x2  }
0x30: {  	s17 =	simm.s32 $0x20;
	s14 =	sadd.s32 $0x1E0, s14;
	s16 =	sadd.s32 $0x10, s15  }
0x31: {  	s15 =	sadd.s32 $0x10, s14;
	s18 =	smov.u32 s14;
	v0 =	vld.msk [tilespmem:s16+$0x0 ss:$0x1], $0xffff;
	vm1 =	vgt.s32 v2, $0x0;
	(ifvalue) =	ssetifvalue $0x7FFFFFFF  }
.LBB2_3:
0x32: {  	[tilespmem:s18], [sflag:$0x1] =	stream.indirect_vreg.gather [hbm4b:s2+s10], $0x1, v1, vm0, $0x4038;
	[tilespmem:$0x3C0] =	vst v63  }
0x33: {  	s17 =	sadd.s32 $0x10, s17  }
0x34: {  	v2 =	vnsel vm1, $0x0, v2;
	p0 =	slt.u32 s17, $0xE0  }
.Ltmp3:
0x35: {  	s18 =	smov.u32 s15;
	v1 =	vmin.u32 v2, $0xFFFF;
	(pc) =	sbr.rel @p0 .LBB2_3-.Ltmp3, $3  }
0x36: {  	_ =	sdelay $0x1  }
0x37: {  	s16 =	sadd.s32 $0x10, s16  }
0x38: {  	vm1 =	vgt.s32 v0, $0x0;
	s15 =	sadd.s32 $0x10, s15;
	v2 =	vmov v0;
	(ifvalue) =	ssetifvalue $0x7FFFFFFF;
	v0 =	vld.msk [tilespmem:s16+$0x0 ss:$0x1], $0xffff  }
.Ltmp4:
0x39: {  	_ = 	snop;
	(pc) =	sbr.rel .LBB2_4-.Ltmp4, $1  }
0x3a: {  	_ =	sdelay $0x3  }
.LBB2_6:
0x3b: {  	_ =	sfence.sel $0x180000  }
0x3c: {  	s2 =	simm.s32 $0x2;
	[bflag:$0x0] =	sbarrier.arrive $0xFFFF  }
0x3d: {  	s30 =	simm.s32 $0x3;
	[sflag:s2] =	ssyncpa.u1 $0x1  }
0x3e: {  	s31 =	simm.s32 $0x1;
	[sflag:s30] =	ssyncpa.u1 $0x1  }
0x3f: {  	[sflag:s31] =	ssyncpa.u1 $0x1  }
0x40: {  	p0 =	sne.s32 s1, $0x0;
	_ =	strace $0x90000047  }
0x41: {  	s0 =	sadd.s32 @!p0 $0x100000, s0;
	[bflag:$0x2] =	sbarrier.arrive $0xFFFF  }
0x42: {  	[sflag:s0] =	ssyncadd.tile.s32 @!p0 $0x1;
	_ =	shalt  }
.Lfunc_end2:
_tile_overlayer_lowered:
.L_overlay_start_2:
0x43: {  	(tag) =	ssettag $0x2  }
0x44: {  	s0 =	rddreg [dreg:$0x0];
	s2 =	stileid.u32  }
0x45: {  	s1 =	rddreg [dreg:$0x1];
	p0 =	sne.s32 s2, $0x0  }
0x46: {  	s3 =	rddreg [dreg:$0x2];
	[bflag:$0x3] =	sbarrier.arrive $0xFFFF;
	s2 =	simm.s32 @!p0 $0x1C01  }
0x47: {  	[timem:s3], [sflag:s2] =	dma.local @!p0 [hbm:s0], s1  }
0x48: {  	s0 =	simm.s32 @!p0 $0x1  }
0x49: {  	_ =	swait.ge @!p0 [sflag:s0], s1  }
0x4a: {  	s1 =	ssub.s32 @!p0 $0x0, s1;
	[sflag:s0] =	ssyncset.done @!p0 $0x0  }
0x4b: {  	[sflag:s0] =	ssyncadd.s32 @!p0 s1  }
0x4c: {  	[bflag:$0x3] =	sbarrier.arrive $0xFFFF  }
0x4d: {  	_ =	shalt  }

// kernel: kernel.5.cloned.1.call-start
scs
__scs_entry_jumppad:
0x0: {  	(pc) =	sbr.rel $0x88, $3  }
0x1: {  	(tag) =	ssettag $0x0;
	lr =	simm.s32 $0x1  }
0x2: {  	[smem:$0x3F9A] =	sst lr;
	_ =	strace $0xD0000000  }
0x3: {  	_ = 	snop  }
0x4: {  	_ = 	snop  }
0x5: {  	_ = 	snop  }
0x6: {  	_ = 	snop  }
0x7: {  	_ = 	snop  }
__scs_overlays_trampoline_lowered:
0x8: {  	[smem:$0x3FA9] =	sst s0  }
0x9: {  	[smem:$0x3FAA] =	sst s1  }
0xa: {  	[smem:$0x3FAB] =	sst s2  }
0xb: {  	[smem:$0x3FAC] =	sst s3  }
0xc: {  	[smem:$0x3FAD] =	sst s4  }
0xd: {  	[smem:$0x3FAE] =	sst s5  }
0xe: {  	[smem:$0x3FAF] =	sst s6  }
0xf: {  	[smem:$0x3FB0] =	sst s7  }
0x10: {  	[smem:$0x3FB1] =	sst s8  }
0x11: {  	[smem:$0x3FB2] =	sst s9;
	s0 =	simm.s32 @!p0 $0x0  }
0x12: {  	s1 =	sld [smem:$0x3F98];
	s0 =	simm.s32 @p0 $0x1  }
0x13: {  	[smem:$0x3FB3] =	sst s0;
	s0 =	simm.s32 @!p1 $0x0  }
0x14: {  	s2 =	sld [smem:$0x3F97];
	s0 =	simm.s32 @p1 $0x1  }
0x15: {  	[smem:$0x3FB4] =	sst s0;
	s0 =	simm.s32 @!p2 $0x0  }
0x16: {  	s3 =	sld [smem:$0x3FDB];
	s0 =	simm.s32 @p2 $0x1  }
0x17: {  	s4 =	simm.s32 $0x1BF5;
	[smem:$0x3FB6] =	sst s0  }
0x18: {  	s0 =	sld [smem:$0x3F99];
	_ =	swait.ge [sflag:s4], $0x0  }
0x19: {  	s7 =	sld [smem:$0x3F9A]  }
0x1a: {  	s8 =	sadd.s32 $0xFFFFE003, lr  }
0x1b: {  	s9 =	sadd.s32 $0xFFFFFEF7, lr;
	s5 =	simm.s32 $0xFFFFFFFF;
	p2 =	slt.u32 s8, $0xFFFFF086  }
0x1c: {  	p1 =	slt.u32 s9, $0xF7A;
	s5 =	simm.s32 @!p2 $0x0  }
0x1d: {  	s5 =	simm.s32 @p1 $0x1;
	p0 =	seq.s32 s7, s2  }
0x1e: {  	s7 =	smul.u32 @!p0 $0xF7A, s2;
	p2 =	seq.s32 @!p0 s5, $0x0  }
0x1f: {  	s9 =	smul.u32 $0xF7A, s1;
	s8 =	simm.s32 @!p0 $0x1BF5;
	p2 =	por !p2, p0  }
0x20: {  	[sflag:s8] =	ssyncset.s32 @!p0 $0xFFFFF086;
	s6 =	sadd.s32 @!p0 s3, s7;
	s7 =	simm.s32 @!p0 $0x108  }
0x21: {  	s3 =	sadd.s32 s3, s9;
	s6 =	sadd.s32 @!p0 $0x88, s6;
	s7 =	simm.s32 @p2 $0x1082  }
0x22: {  	[simem:s7], [sflag:s8] =	dma.local @!p0 [hbm:s6], $0xF7A  }
0x23: {  	s9 =	sor.u32 $0xD0000000, s2;
	s6 =	simm.s32 $0x108;
	_ =	swait.ge @!p0 [sflag:s8], $0x0  }
0x24: {  	s3 =	sadd.s32 $0x88, s3;
	s6 =	simm.s32 @!p1 $0x1082;
	[sflag:s4] =	ssyncset.s32 $0xFFFFF086  }
0x25: {  	[simem:s6], [sflag:s4] =	dma.local [hbm:s3], $0xF7A  }
0x26: {  	[smem:$0x3F9A] =	sst s1;
	(tag) =	ssettag s2;
	_ =	strace s9  }
0x27: {  	s1 =	sld [smem:$0x3FAA]  }
0x28: {  	s2 =	sld [smem:$0x3FAB]  }
0x29: {  	s4 =	sld [smem:$0x3FAD]  }
0x2a: {  	p0 =	seq.s32 s5, $0x0;
	s5 =	sld [smem:$0x3FAE]  }
0x2b: {  	s6 =	sld [smem:$0x3FAF]  }
0x2c: {  	s7 =	sld [smem:$0x3FB0]  }
0x2d: {  	s3 =	simm.s32 $0x108;
	s8 =	sld [smem:$0x3FB1]  }
0x2e: {  	s3 =	simm.s32 @!p0 $0x1082;
	s9 =	sld [smem:$0x3FB2]  }
0x2f: {  	lr =	sadd.s32 s0, s3;
	s0 =	sld [smem:$0x3FA9]  }
0x30: {  	s3 =	sld [smem:$0x3FAC]  }
0x31: {  	[smem:$0x3FB5] =	sst s10  }
0x32: {  	s10 =	sld [smem:$0x3FB3];
	_ =	sdelay $0x3  }
0x33: {  	p0 =	seq.s32 s10, $0x1;
	s10 =	sld [smem:$0x3FB5];
	_ =	sdelay $0x3  }
0x34: {  	[smem:$0x3FB5] =	sst s10  }
0x35: {  	s10 =	sld [smem:$0x3FB4];
	_ =	sdelay $0x3  }
0x36: {  	p1 =	seq.s32 s10, $0x1;
	s10 =	sld [smem:$0x3FB5];
	_ =	sdelay $0x3  }
0x37: {  	[smem:$0x3FB5] =	sst s10  }
0x38: {  	s10 =	sld [smem:$0x3FB6]  }
0x39: {  	_ = 	snop;
	(pc) =	sbr.ind lr, $3  }
0x3a: {  	_ = 	snop  }
0x3b: {  	_ = 	snop  }
0x3c: {  	p2 =	seq.s32 s10, $0x1;
	s10 =	sld [smem:$0x3FB5]  }
0x3d: {  	_ =	shalt  }
0x3e: {  	_ =	shalt  }
0x3f: {  	_ =	shalt  }
0x40: {  	_ =	shalt  }
0x41: {  	_ =	shalt  }
0x42: {  	_ =	shalt  }
0x43: {  	_ =	shalt  }
0x44: {  	_ =	shalt  }
0x45: {  	_ =	shalt  }
0x46: {  	_ =	shalt  }
0x47: {  	_ =	shalt  }
0x48: {  	_ =	shalt  }
0x49: {  	_ =	shalt  }
0x4a: {  	_ =	shalt  }
0x4b: {  	_ =	shalt  }
0x4c: {  	_ =	shalt  }
0x4d: {  	_ =	shalt  }
0x4e: {  	_ =	shalt  }
0x4f: {  	_ =	shalt  }
0x50: {  	_ =	shalt  }
0x51: {  	_ =	shalt  }
0x52: {  	_ =	shalt  }
0x53: {  	_ =	shalt  }
0x54: {  	_ =	shalt  }
0x55: {  	_ =	shalt  }
0x56: {  	_ =	shalt  }
0x57: {  	_ =	shalt  }
0x58: {  	_ =	shalt  }
0x59: {  	_ =	shalt  }
0x5a: {  	_ =	shalt  }
0x5b: {  	_ =	shalt  }
0x5c: {  	_ =	shalt  }
0x5d: {  	_ =	shalt  }
0x5e: {  	_ =	shalt  }
0x5f: {  	_ =	shalt  }
0x60: {  	_ =	shalt  }
0x61: {  	_ =	shalt  }
0x62: {  	_ =	shalt  }
0x63: {  	_ =	shalt  }
0x64: {  	_ =	shalt  }
0x65: {  	_ =	shalt  }
0x66: {  	_ =	shalt  }
0x67: {  	_ =	shalt  }
0x68: {  	_ =	shalt  }
0x69: {  	_ =	shalt  }
0x6a: {  	_ =	shalt  }
0x6b: {  	_ =	shalt  }
0x6c: {  	_ =	shalt  }
0x6d: {  	_ =	shalt  }
0x6e: {  	_ =	shalt  }
0x6f: {  	_ =	shalt  }
0x70: {  	_ =	shalt  }
0x71: {  	_ =	shalt  }
0x72: {  	_ =	shalt  }
0x73: {  	_ =	shalt  }
0x74: {  	_ =	shalt  }
0x75: {  	_ =	shalt  }
0x76: {  	_ =	shalt  }
0x77: {  	_ =	shalt  }
0x78: {  	_ =	shalt  }
0x79: {  	_ =	shalt  }
0x7a: {  	_ =	shalt  }
0x7b: {  	_ =	shalt  }
0x7c: {  	_ =	shalt  }
0x7d: {  	_ =	shalt  }
0x7e: {  	_ =	shalt  }
0x7f: {  	_ =	shalt  }
0x80: {  	_ =	shalt  }
0x81: {  	_ =	shalt  }
0x82: {  	_ =	shalt  }
0x83: {  	_ =	shalt  }
0x84: {  	_ =	shalt  }
0x85: {  	_ =	shalt  }
0x86: {  	_ =	shalt  }
0x87: {  	_ =	shalt  }
.Lfunc_end0:
.L_simem_size_0:
called_computation.7_lowered:
.L_overlay_start_0:
0x88: {  	s2 =	sld [smem:$0x3FD9]  }
0x89: {  	s3 =	sld [smem:$0x3FFE];
	_ =	sdelay $0x1  }
0x8a: {  	s1 =	srdreg.scid  }
0x8b: {  	s0 =	sand.u32 $0x1, s1  }
0x8c: {  	s17 =	sshll.u32 s0, $0xA;
	s2 =	sadd.s32 s3, s2  }
0x8d: {  	s2 =	sadd.s32 s2, s17  }
0x8e: {  	[smem:$0x3FC1] =	sst s2  }
0x8f: {  	_ = 	snop  }
0x90: {  	(tm) =	ssettm $0x1  }
0x91: {  	s18 =	sld [smem:$0x3FFB];
	_ =	sdelay $0x3  }
0x92: {  	_ =	strace s18  }
0x93: {  	s2 =	sld [smem:$0x3FFC];
	_ =	sdelay $0x3  }
0x94: {  	_ =	strace s2  }
0x95: {  	s2 =	sld [smem:$0x3FFD];
	_ =	sdelay $0x3  }
0x96: {  	_ =	strace s2  }
0x97: {  	_ =	strace $0x8FFFFFFF  }
0x98: {  	s19 =	sld [smem:$0x3FDB];
	_ =	sdelay $0x1  }
0x99: {  	s20 =	simm.s32 $_scs_section_size  }
0x9a: {  	s4 =	simm.s32 $_size__tile_overlayer_lowered;
	s5 =	simm.s32 $_tile_overlayer_lowered  }
0x9b: {  	s6 =	simm.s32 $0x1BFF;
	s21 =	sshll.u32 s5, $0x1;
	s3 =	sadd.s32 s20, s19  }
0x9c: {  	s22 =	simm.s32 $0x0;
	s4 =	sshll.u32 s4, $0x1;
	s5 =	sadd.s32 s21, s3  }
0x9d: {  	[timem:s22], [sflag:s6] =	dma.local [hbm:s5], s4  }
0x9e: {  	_ =	swait.ge [sflag:s6], s4  }
0x9f: {  	s4 =	ssub.s32 $0x0, s4;
	[sflag:s6] =	ssyncset.done $0x0  }
0xa0: {  	[sflag:s6] =	ssyncadd.s32 s4;
	_ =	sdelay $0x1  }
0xa1: {  	s23 =	simm.s32 $0x1B8B  }
0xa2: {  	_ =	swait.ge [sflag:s23], $0x1  }
0xa3: {  	[sflag:s23] =	ssyncset.done $0x0  }
0xa4: {  	[sflag:s23] =	ssyncadd.s32 $0xFFFFFFFF  }
0xa5: {  	s4 =	sld [smem:$0x0]  }
0xa6: {  	s5 =	sand.u32 $0xFFFFFFFE, s1  }
0xa7: {  	p0 =	sne.s32 s1, s5  }
0xa8: {  	s5 =	sshll.u32 @p0 s5, $0xE  }
0xa9: {  	s5 =	sadd.s32 @p0 $0x11B8D, s5;
	s6 =	sshll.u32 @p0 s4, $0x11  }
0xaa: {  	s5 =	sor.u32 @p0 s6, s5  }
0xab: {  	[sflag:s5] =	ssyncadd.remote.s32 @p0 $0x1;
	_ =	sdelay $0x1  }
0xac: {  	s5 =	simm.s32 @p0 $0x1B8D  }
0xad: {  	_ =	swait.eq @p0 [sflag:s5], $0x1  }
0xae: {  	[sflag:s5] =	ssyncadd.s32 @p0 $0xFFFFFFFF  }
0xaf: {  	s6 =	sshll.u32 @!p0 s1, $0xE  }
0xb0: {  	s6 =	sor.u32 @!p0 $0x4000, s6;
	s5 =	simm.s32 @!p0 $0x1B8D  }
0xb1: {  	s4 =	sshll.u32 @!p0 s4, $0x11;
	s6 =	sadd.s32 @!p0 $0x11B8D, s6;
	_ =	swait.eq @!p0 [sflag:s5], $0x1  }
0xb2: {  	s4 =	sor.u32 @!p0 s4, s6;
	[sflag:s5] =	ssyncadd.s32 @!p0 $0xFFFFFFFF  }
0xb3: {  	s25 =	simm.s32 $0x1B8E;
	s24 =	sld [smem:$0x3FFE];
	[sflag:s4] =	ssyncadd.remote.s32 @!p0 $0x1  }
0xb4: {  	s26 =	simm.s32 $execute0_lowered;
	[smem:$0x3FD2] =	sst s25  }
0xb5: {  	s5 =	sshll.u32 s26, $0x1;
	_ =	strace $0x8000004F;
	[dreg:$0x1] =	wrdreg $0xFFFFFFFF  }
0xb6: {  	s28 =	simm.s32 $_size_execute0_lowered;
	s3 =	sadd.s32 s3, s5;
	[dreg:$0x0] =	wrdreg $0x0  }
0xb7: {  	s5 =	sshll.u32 s28, $0x1;
	[dreg:$0x2] =	wrdreg s3  }
0xb8: {  	[dreg:$0x3] =	wrdreg s5  }
0xb9: {  	[dreg:$0x4] =	wrdreg $0xC0  }
0xba: {  	_ =	task [dreg:s22], $0x5FFFF  }
0xbb: {  	[dreg:$0x1] =	wrdreg $0xFFFFFFFF  }
0xbc: {  	[dreg:$0x0] =	wrdreg $0x60  }
0xbd: {  	[dreg:$0x2] =	wrdreg s24  }
0xbe: {  	[dreg:$0x3] =	wrdreg $0xA  }
0xbf: {  	_ =	task.clear_ibuf [dreg:s22], $0x4FFFF;
	_ =	strace $0x9000004F  }
0xc0: {  	s29 =	simm.s32 $0xA;
	_ =	strace $0x80000051  }
0xc1: {  	_ =	swait.ge [sflag:s29], $0x1  }
0xc2: {  	[sflag:s29] =	ssyncadd.s32 $0xFFFFFFFF  }
0xc3: {  	_ =	strace $0x90000051  }
0xc4: {  	_ =	sfence  }
0xc5: {  	s30 =	sld [smem:$0x0];
	_ =	sdelay $0x2  }
0xc6: {  	s31 =	sshll.u32 s1, $0xD;
	s1 =	sshrl.u32 s1, $0x2  }
0xc7: {  	s4 =	sand.u32 $0x4000, s31;
	s1 =	sadd.s32 s1, s30  }
0xc8: {  	s0 =	sor.u32 s4, s0;
	s1 =	sshll.u32 s1, $0x11  }
0xc9: {  	s0 =	sor.u32 s1, s0  }
0xca: {  	s0 =	sadd.s32 $0x8F2B, s0  }
0xcb: {  	[sflag:s0] =	ssyncadd.remote.s32 $0x1  }
0xcc: {  	_ =	sfence.sel $0xFFFF  }
0xcd: {  	[dreg:$0x0] =	wrdreg $0xFFFFFFFF;
	(pc) =	sbr.abs _section_cstart, $3  }
0xce: {  	[dreg:$0x1] =	wrdreg $0xFFFFFFFF  }
0xcf: {  	_ =	task.clear_ibuf [dreg:s22], $0x2FFFF;
	_ =	strace $0x9FFFFFFF  }
0xd0: {  	(tm) =	ssettm $0x7FFFFFFF  }
0xd1: {  	_ =	shalt  }
tec
execute0_lowered:
.L_overlay_start_1:
0x0: {  	(tag) =	ssettag $0x1  }
0x1: {  	s1 =	srdreg.scid;
	s0 =	stileid.u32  }
0x2: {  	s6 =	sand.u32 $0x1, s1;
	s31 =	sshll.u32 s0, $0x1  }
0x3: {  	s7 =	sor.u32 s6, s31  }
0x4: {  	s3 =	rddreg [dreg:$0x0];
	s4 =	smul.u32 $0x18, s7  }
0x5: {  	s2 =	simm.s32 $0x0;
	s1 =	rddreg [dreg:$0x1]  }
0x6: {  	[smem:$0x7FF] =	sst s2;
	s4 =	sadd.s32 s4, s3  }
0x7: {  	_ =	strace $0x80000050;
	s5 =	sadd.s32 $0x10000, s4;
	s4 =	simm.s32 $0x2  }
0x8: {  	[tilespmem:s2], [sflag:$0x2] =	stream.linear.gather [hbm4b:s5+s2], $0xC0, $0x38;
	[tilespmem:$0x6200] =	vst v63  }
0x9: {  	_ =	swait.ge [sflag:s4], $0xC0  }
0xa: {  	[sflag:s4] =	ssyncset.done $0x0  }
0xb: {  	[sflag:s4] =	ssyncadd.s32 $0xFFFFFF40  }
0xc: {  	v0 =	vld [tilespmem:$0xB0]  }
0xd: {  	v1 =	vld [tilespmem:$0x30]  }
0xe: {  	v2 =	vld [tilespmem:$0x90]  }
0xf: {  	v3 =	vld [tilespmem:$0x80]  }
0x10: {  	v6 =	vld [tilespmem:$0x50]  }
0x11: {  	s6 =	ssub.s32 $0x2, s6;
	v5 =	vld [tilespmem:$0x60];
	v0 =	vshrl.u32 v0, $0x4  }
0x12: {  	s8 =	sshrl.u32 s6, $0x1;
	v4 =	vld [tilespmem:$0x70];
	v1 =	vshrl.u32 v1, $0x4;
	[tilespmem:$0x1B0] =	vst v0  }
0x13: {  	s8 =	ssub.s32 s6, s8;
	[tilespmem:$0x130] =	vst v1;
	v0 =	vshrl.u32 v2, $0x4  }
0x14: {  	s11 =	smax.u32 s8, $0x1;
	v7 =	vld [tilespmem:$0x40];
	v1 =	vshrl.u32 v3, $0x4;
	[tilespmem:$0x190] =	vst v0  }
0x15: {  	p0 =	sne.s32 s11, $0x1;
	v3 =	vld [tilespmem:$0xA0];
	v2 =	vshrl.u32 v6, $0x4;
	[tilespmem:$0x180] =	vst v1  }
.Ltmp0:
0x16: {  	v1 =	vshrl.u32 v5, $0x4;
	[tilespmem:$0x150] =	vst v2;
	v2 =	vld [tilespmem:$0x0];
	(pc) =	sbr.rel @!p0 .LBB2_2-.Ltmp0, $4  }
0x17: {  	s7 =	smul.u32 $0xC00, s7;
	v0 =	vshrl.u32 v4, $0x4;
	[tilespmem:$0x160] =	vst v1;
	v1 =	vld [tilespmem:$0x10]  }
0x18: {  	s9 =	simm.s32 $0x200;
	[tilespmem:$0x170] =	vst v0;
	v0 =	vld [tilespmem:$0x20]  }
0x19: {  	s10 =	simm.s32 $0x1;
	s7 =	sadd.s32 s7, s3;
	s8 =	simm.s32 $0x100;
	v4 =	vshrl.u32 v7, $0x4  }
0x1a: {  	s6 =	sadd.s32 $0x12C00, s7;
	s7 =	simm.s32 $0xC0;
	s11 =	sadd.s32 $0xFFFFFFFF, s11;
	[tilespmem:$0x140] =	vst v4;
	v3 =	vshrl.u32 v3, $0x4  }
.LBB2_1:
0x1b: {  	p0 =	sne.s32 s11, $0x1;
	s11 =	sadd.s32 $0xFFFFFFFF, s11;
	[tilespmem:$0x1A0] =	vst v3  }
0x1c: {  	v1 =	vshrl.u32 v1, $0x4  }
0x1d: {  	v0 =	vshrl.u32 v0, $0x4;
	v2 =	vshrl.u32 v2, $0x4;
	[tilespmem:$0x110] =	vst v1  }
0x1e: {  	[tilespmem:$0x100] =	vst v2  }
0x1f: {  	[tilespmem:$0x120] =	vst v0  }
0x20: {  	[tilespmem:s9], [sflag:$0x1] =	stream.indirect.gather [hbm4b:s3+s7], $0x80, s8, s7, $0xb8;
	[tilespmem:$0x6200] =	vst v63  }
0x21: {  	_ =	swait.ge [sflag:s10], $0x6000  }
0x22: {  	[sflag:s10] =	ssyncset.done $0x0  }
0x23: {  	[sflag:s10] =	ssyncadd.s32 $0xFFFFA000  }
0x24: {  	[hbm4b:s6+s2] =	stream.linear.scatter [tilespmem:s9], [sflag:$0x2], $0x6000, $0x38;
	[tilespmem:$0x6200] =	vst v63  }
0x25: {  	_ =	swait.ge [sflag:s4], $0x6000  }
0x26: {  	[sflag:s4] =	ssyncset.done $0x0  }
0x27: {  	[sflag:s4] =	ssyncadd.s32 $0xFFFFA000  }
0x28: {  	[tilespmem:s2], [sflag:$0x2] =	stream.linear.gather [hbm4b:s5+s2], $0xC0, $0x38;
	[tilespmem:$0x6200] =	vst v63  }
0x29: {  	_ =	swait.ge [sflag:s4], $0xC0  }
0x2a: {  	[sflag:s4] =	ssyncset.done $0x0  }
0x2b: {  	[sflag:s4] =	ssyncadd.s32 $0xFFFFFF40  }
0x2c: {  	v0 =	vld [tilespmem:$0xB0]  }
0x2d: {  	v1 =	vld [tilespmem:$0x30]  }
0x2e: {  	v2 =	vld [tilespmem:$0x90]  }
0x2f: {  	v3 =	vld [tilespmem:$0x80]  }
0x30: {  	v4 =	vld [tilespmem:$0x70]  }
0x31: {  	v5 =	vld [tilespmem:$0x60];
	v0 =	vshrl.u32 v0, $0x4  }
0x32: {  	v1 =	vshrl.u32 v1, $0x4;
	v6 =	vld [tilespmem:$0x50];
	[tilespmem:$0x1B0] =	vst v0  }
0x33: {  	[tilespmem:$0x130] =	vst v1;
	v7 =	vld [tilespmem:$0x40];
	v0 =	vshrl.u32 v2, $0x4  }
0x34: {  	v1 =	vshrl.u32 v3, $0x4;
	[tilespmem:$0x190] =	vst v0;
	v3 =	vld [tilespmem:$0xA0]  }
.Ltmp1:
0x35: {  	v0 =	vld [tilespmem:$0x20];
	v2 =	vshrl.u32 v4, $0x4;
	[tilespmem:$0x180] =	vst v1;
	(pc) =	sbr.rel @p0 .LBB2_1-.Ltmp1, $4  }
0x36: {  	v1 =	vld [tilespmem:$0x10];
	v4 =	vshrl.u32 v5, $0x4;
	[tilespmem:$0x170] =	vst v2  }
0x37: {  	v2 =	vld [tilespmem:$0x0];
	v5 =	vshrl.u32 v6, $0x4;
	[tilespmem:$0x160] =	vst v4  }
0x38: {  	v4 =	vshrl.u32 v7, $0x4;
	[tilespmem:$0x150] =	vst v5  }
0x39: {  	[tilespmem:$0x140] =	vst v4;
	v3 =	vshrl.u32 v3, $0x4  }
.LBB2_2:
0x3a: {  	_ = 	snop  }
0x3b: {  	[tilespmem:$0x1A0] =	vst v3;
	v1 =	vshrl.u32 v1, $0x4  }
0x3c: {  	v2 =	vshrl.u32 v2, $0x4;
	[tilespmem:$0x110] =	vst v1  }
0x3d: {  	v0 =	vshrl.u32 v0, $0x4;
	[tilespmem:$0x100] =	vst v2  }
0x3e: {  	[tilespmem:$0x120] =	vst v0  }
0x3f: {  	[tilespmem:s9], [sflag:$0x1] =	stream.indirect.gather [hbm4b:s3+s7], $0x80, s8, s7, $0xb8;
	[tilespmem:$0x6200] =	vst v63  }
0x40: {  	_ =	swait.ge [sflag:s10], $0x6000  }
0x41: {  	[sflag:s10] =	ssyncset.done $0x0  }
0x42: {  	[sflag:s10] =	ssyncadd.s32 $0xFFFFA000  }
0x43: {  	[hbm4b:s6+s2] =	stream.linear.scatter [tilespmem:s9], [sflag:$0x2], $0x6000, $0x38;
	[tilespmem:$0x6200] =	vst v63  }
0x44: {  	_ =	swait.ge [sflag:s4], $0x6000  }
0x45: {  	[sflag:s4] =	ssyncset.done $0x0  }
0x46: {  	[sflag:s4] =	ssyncadd.s32 $0xFFFFA000  }
0x47: {  	_ =	sfence.sel $0x180000  }
0x48: {  	[bflag:$0x0] =	sbarrier.arrive $0xFFFF  }
0x49: {  	p0 =	sne.s32 s0, $0x0;
	_ =	strace $0x90000050  }
0x4a: {  	s0 =	sadd.s32 @!p0 $0x100000, s1;
	[bflag:$0x2] =	sbarrier.arrive $0xFFFF  }
0x4b: {  	[sflag:s0] =	ssyncadd.tile.s32 @!p0 $0x1;
	_ =	shalt  }
.Lfunc_end2:
_tile_overlayer_lowered:
.L_overlay_start_2:
0x4c: {  	(tag) =	ssettag $0x2  }
0x4d: {  	s0 =	rddreg [dreg:$0x0];
	s2 =	stileid.u32  }
0x4e: {  	s1 =	rddreg [dreg:$0x1];
	p0 =	sne.s32 s2, $0x0  }
0x4f: {  	s3 =	rddreg [dreg:$0x2];
	[bflag:$0x3] =	sbarrier.arrive $0xFFFF;
	s2 =	simm.s32 @!p0 $0x1C02  }
0x50: {  	[timem:s3], [sflag:s2] =	dma.local @!p0 [hbm:s0], s1  }
0x51: {  	s0 =	simm.s32 @!p0 $0x2  }
0x52: {  	_ =	swait.ge @!p0 [sflag:s0], s1  }
0x53: {  	s1 =	ssub.s32 @!p0 $0x0, s1;
	[sflag:s0] =	ssyncset.done @!p0 $0x0  }
0x54: {  	[sflag:s0] =	ssyncadd.s32 @!p0 s1  }
0x55: {  	[bflag:$0x3] =	sbarrier.arrive $0xFFFF  }
0x56: {  	_ =	shalt  }

</sc_bundles>
